<compile_context>
chip_gen: v7x
topology: tpu7x:2x2x1
jax: 0.10.2.dev20260603
libtpu: 0.0.44.dev20260713+nightly
codegen_flags: <defaults>
</compile_context>

<pallas_src>
import functools

import jax
import jax.numpy as jnp
from jax import lax
from jax.experimental import pallas as pl
from jax.experimental.pallas import tpu as pltpu
from jax.experimental.pallas import tpu_sc as plsc

B, L, EMB = 1024, 200, 128
NCHUNK = 2
CHUNK = L // NCHUNK
NW = 32
B_PER_W = B // NW
KV = EMB // 16


def _body(q_hbm, qr_hbm, pid_hbm, qt_hbm, qrt_hbm, qdt_hbm, ut_hbm, out_hbm,
          idx_q, idx_qr, idx_pid, q_rows, qr_rows, qd_rows, u_v, out_v, sem):
    nc = 2
    wid = lax.axis_index("s") * nc + lax.axis_index("c")
    base_b = wid * B_PER_W

    def per_batch(i, _):
        b = base_b + i
        pltpu.sync_copy(q_hbm.at[b], idx_q)
        pltpu.sync_copy(qr_hbm.at[b], idx_qr)
        pltpu.sync_copy(pid_hbm.at[b], idx_pid)
        copies = []
        for j in range(NCHUNK):
            copies.append(pltpu.make_async_copy(
                qt_hbm.at[idx_q.at[j]], q_rows.at[j], sem))
            copies.append(pltpu.make_async_copy(
                qdt_hbm.at[idx_q.at[j]], qd_rows.at[j], sem))
            copies.append(pltpu.make_async_copy(
                qrt_hbm.at[idx_qr.at[j]], qr_rows.at[j], sem))
            copies.append(pltpu.make_async_copy(
                ut_hbm.at[idx_pid.at[j]], u_v.at[pl.ds(j * 128, CHUNK)], sem))
        for c in copies:
            c.start()
        for c in copies:
            c.wait()

        def acc_body(l, accs):
            j, l2 = l // CHUNK, l % CHUNK
            return tuple(a + qr_rows[j, l2, pl.ds(k * 16, 16)]
                         for k, a in enumerate(accs))
        zeros = tuple(jnp.zeros((16,), jnp.float32) for _ in range(KV))
        sums = lax.fori_loop(0, L, acc_body, zeros)
        mean = tuple(s * (1.0 / L) for s in sums)

        for j in range(NCHUNK):
            def out_body(g, _):
                u16 = u_v[pl.ds(j * 128 + g * 4, 16)]
                for i in range(4):
                    l2 = g * 4 + i
                    u = jnp.full((16,), u16[i], jnp.float32)
                    for k in range(KV):
                        ds = pl.ds(k * 16, 16)
                        out_v[j, l2, ds] = (q_rows[j, l2, ds]
                                            + u * qd_rows[j, l2, ds] + mean[k])
                return 0
            lax.fori_loop(0, CHUNK // 4, out_body, 0)

        pltpu.sync_copy(out_v, out_hbm.at[b])
        return 0

    lax.fori_loop(0, B_PER_W, per_batch, 0)


@jax.jit
def _run(q, qr, pid, q_table, qr_table, q_diff_table, u_flat):
    mesh = plsc.VectorSubcoreMesh(core_axis_name="c", subcore_axis_name="s")
    f = pl.kernel(
        _body,
        out_type=jax.ShapeDtypeStruct((B, NCHUNK, CHUNK, EMB), jnp.float32),
        mesh=mesh,
        scratch_types=[
            pltpu.VMEM((NCHUNK, CHUNK), jnp.int32),
            pltpu.VMEM((NCHUNK, CHUNK), jnp.int32),
            pltpu.VMEM((NCHUNK, CHUNK), jnp.int32),
            pltpu.VMEM((NCHUNK, CHUNK, EMB), jnp.float32),
            pltpu.VMEM((NCHUNK, CHUNK, EMB), jnp.float32),
            pltpu.VMEM((NCHUNK, CHUNK, EMB), jnp.float32),
            pltpu.VMEM((NCHUNK * 128,), jnp.float32),
            pltpu.VMEM((NCHUNK, CHUNK, EMB), jnp.float32),
            pltpu.SemaphoreType.DMA,
        ],
    )
    out = f(q, qr, pid, q_table, qr_table, q_diff_table, u_flat)
    return out.reshape(B, L, EMB)


def kernel(q, qr, pid, q_table, qr_table, q_diff_table, u_table):
    q = q.astype(jnp.int32).reshape(B, NCHUNK, CHUNK)
    qr = qr.astype(jnp.int32).reshape(B, NCHUNK, CHUNK)
    pid = pid.astype(jnp.int32).reshape(B, NCHUNK, CHUNK)
    u_flat = u_table.reshape(-1)
    return _run(q, qr, pid, q_table, qr_table, q_diff_table, u_flat)

# --- scband reference (transcript-rebuilt; emitter-appended) ---
"""Pipeline reference for scband-rasch-model-embedding-120259085176 (READ-ONLY COPY).

The authoritative reference and input builder live on the scoring server;
editing this copy changes nothing except your own understanding.
"""

import jax, jax.numpy as jnp
import numpy as np

NUM_Q = 100000
NUM_PID = 100000
EMB = 128
B, L = 1024, 200


def setup_inputs(seed: int = 0) -> dict:
    key = jax.random.key(seed)
    ks = jax.random.split(key, 8)
    q = jax.random.randint(ks[0], (B, L), 0, NUM_Q, dtype=jnp.int64 if jax.config.jax_enable_x64 else jnp.int32)
    qr = jax.random.randint(ks[1], (B, L), 0, 2 * NUM_Q, dtype=q.dtype)
    pid = jax.random.randint(ks[2], (B, L), 0, NUM_PID, dtype=q.dtype)
    q_table = jax.random.normal(ks[3], (NUM_Q, EMB), dtype=jnp.float32) * 0.02
    qr_table = jax.random.normal(ks[4], (2 * NUM_Q, EMB), dtype=jnp.float32) * 0.02
    q_diff_table = jax.random.normal(ks[5], (NUM_Q, EMB), dtype=jnp.float32) * 0.02
    u_table = jax.random.normal(ks[6], (NUM_PID, 1), dtype=jnp.float32) * 0.02
    return {
        "q": q,
        "qr": qr,
        "pid": pid,
        "q_table": q_table,
        "qr_table": qr_table,
        "q_diff_table": q_diff_table,
        "u_table": u_table,
    }


def reference(q, qr, pid, q_table, qr_table, q_diff_table, u_table):
    # q_emb = nn.Embedding(num_q, emb)(q)
    q_emb = jnp.take(q_table, q, axis=0)              # [B, L, EMB]
    # qr_emb = nn.EmbeddingBag(2*num_q, emb)(qr)  (default mode='mean', 2D input -> per-row bag)
    qr_emb = jnp.mean(jnp.take(qr_table, qr, axis=0), axis=1)  # [B, EMB]
    # Rasch-model completion (AKT-style): base + difficulty * variation, plus response-bag context
    q_diff = jnp.take(q_diff_table, q, axis=0)        # [B, L, EMB]
    u = jnp.take(u_table, pid, axis=0)                # [B, L, 1]
    out = q_emb + u * q_diff + qr_emb[:, None, :]     # [B, L, EMB]
    return out

if __name__ == "__main__":
    import jax
    _d = setup_inputs()
    print(jax.jit(kernel)(*tuple(_d.values())))

</pallas_src>

<mosaic_0001>
#map = affine_map<(d0, d1) -> (0, 0, 0)>
#map1 = affine_map<(d0, d1) -> (0, 0)>
#map2 = affine_map<(d0, d1) -> (0)>
#map3 = affine_map<(d0, d1) -> (0, 0, 0, 0)>
module attributes {stable_mosaic.version = 14 : i64} {
  func.func @_body(%arg0: i32, %arg1: i32, %arg2: memref<1024x2x100xi32, #tpu.memory_space<hbm>>, %arg3: memref<1024x2x100xi32, #tpu.memory_space<hbm>>, %arg4: memref<1024x2x100xi32, #tpu.memory_space<hbm>>, %arg5: memref<100000x128xf32, #tpu.memory_space<hbm>>, %arg6: memref<200000x128xf32, #tpu.memory_space<hbm>>, %arg7: memref<100000x128xf32, #tpu.memory_space<hbm>>, %arg8: memref<100000xf32, #tpu.memory_space<hbm>>, %arg9: memref<1024x2x100x128xf32, #tpu.memory_space<hbm>>, %arg10: memref<2x100xi32, #tpu.memory_space<vmem>>, %arg11: memref<2x100xi32, #tpu.memory_space<vmem>>, %arg12: memref<2x100xi32, #tpu.memory_space<vmem>>, %arg13: memref<2x100x128xf32, #tpu.memory_space<vmem>>, %arg14: memref<2x100x128xf32, #tpu.memory_space<vmem>>, %arg15: memref<2x100x128xf32, #tpu.memory_space<vmem>>, %arg16: memref<256xf32, #tpu.memory_space<vmem>>, %arg17: memref<2x100x128xf32, #tpu.memory_space<vmem>>, %arg18: memref<!tpu.dma_semaphore, #tpu.memory_space<semaphore_mem>>) attributes {dimension_semantics = [#tpu.dimension_semantics<core_parallel>, #tpu.dimension_semantics<subcore_parallel>], iteration_bounds = array<i64: 2, 16>, scalar_prefetch = 0 : i64, scratch_operands = 9 : i64, tpu.core_type = #tpu.core_type<sc_vector_subcore>, window_params = [{transform_indices = #map}, {transform_indices = #map}, {transform_indices = #map}, {transform_indices = #map1}, {transform_indices = #map1}, {transform_indices = #map1}, {transform_indices = #map2}, {transform_indices = #map3}]} {
    %mul3A = arith.constant 2 : i32
    %mul3A_0 = arith.muli %arg1, %mul3A : i32
    %add3A = arith.addi %mul3A_0, %arg0 : i32
    %mul3A_1 = arith.constant 32 : i32
    %mul3A_2 = arith.muli %add3A, %mul3A_1 : i32
    %scan3A = arith.constant 0 : i32
    %scan3A_3 = arith.constant 0 : i32
    %scan3A_4 = arith.constant 32 : i32
    %scan3A_5 = arith.addi %scan3A_3, %scan3A_4 : i32
    %scan3A_6 = arith.constant 1 : i32
    %scan3A_7 = scf.for %scan3A_9 = %scan3A_3 to %scan3A_5 step %scan3A_6 iter_args(%scan3A_10 = %scan3A) -> (i32)  : i32 {
      %add3A_11 = arith.addi %mul3A_2, %scan3A_9 : i32
      "tpu.region"() ({
        %run_scoped3A = tpu.sem_alloc : memref<!tpu.dma_semaphore, #tpu.memory_space<semaphore_mem>>
        %dma_start3A_246 = arith.constant 0 : i32
        %dma_start3A_247 = arith.constant 0 : i32
        %dma_start3A_248 = tpu.memref_slice %arg2[%add3A_11, %dma_start3A_246, %dma_start3A_247] : memref<1024x2x100xi32, #tpu.memory_space<hbm>> -> memref<1x2x100xi32, #tpu.memory_space<hbm>>
        %dma_start3A_249 = tpu.memref_squeeze %dma_start3A_248 : memref<1x2x100xi32, #tpu.memory_space<hbm>> -> memref<2x100xi32, #tpu.memory_space<hbm>>
        %dma_start3A_250 = arith.constant 0 : i32
        %dma_start3A_251 = arith.constant 0 : i32
        %dma_start3A_252 = tpu.memref_slice %arg2[%add3A_11, %dma_start3A_250, %dma_start3A_251] : memref<1024x2x100xi32, #tpu.memory_space<hbm>> -> memref<1x2x100xi32, #tpu.memory_space<hbm>>
        %dma_start3A_253 = tpu.memref_squeeze %dma_start3A_252 : memref<1x2x100xi32, #tpu.memory_space<hbm>> -> memref<2x100xi32, #tpu.memory_space<hbm>>
        tpu.enqueue_dma source(%dma_start3A_253 : memref<2x100xi32, #tpu.memory_space<hbm>>) target(%arg10 : memref<2x100xi32, #tpu.memory_space<vmem>>) target_semaphore(%run_scoped3A : memref<!tpu.dma_semaphore, #tpu.memory_space<semaphore_mem>>)
        %dma_wait3A_254 = arith.constant 0 : i32
        %dma_wait3A_255 = arith.constant 0 : i32
        %dma_wait3A_256 = tpu.memref_slice %arg2[%add3A_11, %dma_wait3A_254, %dma_wait3A_255] : memref<1024x2x100xi32, #tpu.memory_space<hbm>> -> memref<1x2x100xi32, #tpu.memory_space<hbm>>
        %dma_wait3A_257 = tpu.memref_squeeze %dma_wait3A_256 : memref<1x2x100xi32, #tpu.memory_space<hbm>> -> memref<2x100xi32, #tpu.memory_space<hbm>>
        %dma_wait3A_258 = arith.constant 0 : i32
        %dma_wait3A_259 = arith.constant 0 : i32
        %dma_wait3A_260 = tpu.memref_slice %arg2[%add3A_11, %dma_wait3A_258, %dma_wait3A_259] : memref<1024x2x100xi32, #tpu.memory_space<hbm>> -> memref<1x2x100xi32, #tpu.memory_space<hbm>>
        %dma_wait3A_261 = tpu.memref_squeeze %dma_wait3A_260 : memref<1x2x100xi32, #tpu.memory_space<hbm>> -> memref<2x100xi32, #tpu.memory_space<hbm>>
        tpu.wait_dma2 semaphore(%run_scoped3A : memref<!tpu.dma_semaphore, #tpu.memory_space<semaphore_mem>>) src(%dma_wait3A_261 : memref<2x100xi32, #tpu.memory_space<hbm>>) dst(%arg10 : memref<2x100xi32, #tpu.memory_space<vmem>>)
        tpu.yield
      }) : () -> ()
      "tpu.region"() ({
        %run_scoped3A = tpu.sem_alloc : memref<!tpu.dma_semaphore, #tpu.memory_space<semaphore_mem>>
        %dma_start3A_246 = arith.constant 0 : i32
        %dma_start3A_247 = arith.constant 0 : i32
        %dma_start3A_248 = tpu.memref_slice %arg3[%add3A_11, %dma_start3A_246, %dma_start3A_247] : memref<1024x2x100xi32, #tpu.memory_space<hbm>> -> memref<1x2x100xi32, #tpu.memory_space<hbm>>
        %dma_start3A_249 = tpu.memref_squeeze %dma_start3A_248 : memref<1x2x100xi32, #tpu.memory_space<hbm>> -> memref<2x100xi32, #tpu.memory_space<hbm>>
        %dma_start3A_250 = arith.constant 0 : i32
        %dma_start3A_251 = arith.constant 0 : i32
        %dma_start3A_252 = tpu.memref_slice %arg3[%add3A_11, %dma_start3A_250, %dma_start3A_251] : memref<1024x2x100xi32, #tpu.memory_space<hbm>> -> memref<1x2x100xi32, #tpu.memory_space<hbm>>
        %dma_start3A_253 = tpu.memref_squeeze %dma_start3A_252 : memref<1x2x100xi32, #tpu.memory_space<hbm>> -> memref<2x100xi32, #tpu.memory_space<hbm>>
        tpu.enqueue_dma source(%dma_start3A_253 : memref<2x100xi32, #tpu.memory_space<hbm>>) target(%arg11 : memref<2x100xi32, #tpu.memory_space<vmem>>) target_semaphore(%run_scoped3A : memref<!tpu.dma_semaphore, #tpu.memory_space<semaphore_mem>>)
        %dma_wait3A_254 = arith.constant 0 : i32
        %dma_wait3A_255 = arith.constant 0 : i32
        %dma_wait3A_256 = tpu.memref_slice %arg3[%add3A_11, %dma_wait3A_254, %dma_wait3A_255] : memref<1024x2x100xi32, #tpu.memory_space<hbm>> -> memref<1x2x100xi32, #tpu.memory_space<hbm>>
        %dma_wait3A_257 = tpu.memref_squeeze %dma_wait3A_256 : memref<1x2x100xi32, #tpu.memory_space<hbm>> -> memref<2x100xi32, #tpu.memory_space<hbm>>
        %dma_wait3A_258 = arith.constant 0 : i32
        %dma_wait3A_259 = arith.constant 0 : i32
        %dma_wait3A_260 = tpu.memref_slice %arg3[%add3A_11, %dma_wait3A_258, %dma_wait3A_259] : memref<1024x2x100xi32, #tpu.memory_space<hbm>> -> memref<1x2x100xi32, #tpu.memory_space<hbm>>
        %dma_wait3A_261 = tpu.memref_squeeze %dma_wait3A_260 : memref<1x2x100xi32, #tpu.memory_space<hbm>> -> memref<2x100xi32, #tpu.memory_space<hbm>>
        tpu.wait_dma2 semaphore(%run_scoped3A : memref<!tpu.dma_semaphore, #tpu.memory_space<semaphore_mem>>) src(%dma_wait3A_261 : memref<2x100xi32, #tpu.memory_space<hbm>>) dst(%arg11 : memref<2x100xi32, #tpu.memory_space<vmem>>)
        tpu.yield
      }) : () -> ()
      "tpu.region"() ({
        %run_scoped3A = tpu.sem_alloc : memref<!tpu.dma_semaphore, #tpu.memory_space<semaphore_mem>>
        %dma_start3A_246 = arith.constant 0 : i32
        %dma_start3A_247 = arith.constant 0 : i32
        %dma_start3A_248 = tpu.memref_slice %arg4[%add3A_11, %dma_start3A_246, %dma_start3A_247] : memref<1024x2x100xi32, #tpu.memory_space<hbm>> -> memref<1x2x100xi32, #tpu.memory_space<hbm>>
        %dma_start3A_249 = tpu.memref_squeeze %dma_start3A_248 : memref<1x2x100xi32, #tpu.memory_space<hbm>> -> memref<2x100xi32, #tpu.memory_space<hbm>>
        %dma_start3A_250 = arith.constant 0 : i32
        %dma_start3A_251 = arith.constant 0 : i32
        %dma_start3A_252 = tpu.memref_slice %arg4[%add3A_11, %dma_start3A_250, %dma_start3A_251] : memref<1024x2x100xi32, #tpu.memory_space<hbm>> -> memref<1x2x100xi32, #tpu.memory_space<hbm>>
        %dma_start3A_253 = tpu.memref_squeeze %dma_start3A_252 : memref<1x2x100xi32, #tpu.memory_space<hbm>> -> memref<2x100xi32, #tpu.memory_space<hbm>>
        tpu.enqueue_dma source(%dma_start3A_253 : memref<2x100xi32, #tpu.memory_space<hbm>>) target(%arg12 : memref<2x100xi32, #tpu.memory_space<vmem>>) target_semaphore(%run_scoped3A : memref<!tpu.dma_semaphore, #tpu.memory_space<semaphore_mem>>)
        %dma_wait3A_254 = arith.constant 0 : i32
        %dma_wait3A_255 = arith.constant 0 : i32
        %dma_wait3A_256 = tpu.memref_slice %arg4[%add3A_11, %dma_wait3A_254, %dma_wait3A_255] : memref<1024x2x100xi32, #tpu.memory_space<hbm>> -> memref<1x2x100xi32, #tpu.memory_space<hbm>>
        %dma_wait3A_257 = tpu.memref_squeeze %dma_wait3A_256 : memref<1x2x100xi32, #tpu.memory_space<hbm>> -> memref<2x100xi32, #tpu.memory_space<hbm>>
        %dma_wait3A_258 = arith.constant 0 : i32
        %dma_wait3A_259 = arith.constant 0 : i32
        %dma_wait3A_260 = tpu.memref_slice %arg4[%add3A_11, %dma_wait3A_258, %dma_wait3A_259] : memref<1024x2x100xi32, #tpu.memory_space<hbm>> -> memref<1x2x100xi32, #tpu.memory_space<hbm>>
        %dma_wait3A_261 = tpu.memref_squeeze %dma_wait3A_260 : memref<1x2x100xi32, #tpu.memory_space<hbm>> -> memref<2x100xi32, #tpu.memory_space<hbm>>
        tpu.wait_dma2 semaphore(%run_scoped3A : memref<!tpu.dma_semaphore, #tpu.memory_space<semaphore_mem>>) src(%dma_wait3A_261 : memref<2x100xi32, #tpu.memory_space<hbm>>) dst(%arg12 : memref<2x100xi32, #tpu.memory_space<vmem>>)
        tpu.yield
      }) : () -> ()
      %dma_start3A = arith.constant 0 : i32
      %dma_start3A_12 = arith.constant 0 : i32
      %dma_start3A_13 = arith.constant 0 : i32
      %dma_start3A_14 = arith.constant 0 : i32
      %dma_start3A_15 = tpu.memref_slice %arg13[%dma_start3A_12, %dma_start3A_13, %dma_start3A_14] : memref<2x100x128xf32, #tpu.memory_space<vmem>> -> memref<1x100x128xf32, #tpu.memory_space<vmem>>
      %dma_start3A_16 = tpu.memref_squeeze %dma_start3A_15 : memref<1x100x128xf32, #tpu.memory_space<vmem>> -> memref<100x128xf32, #tpu.memory_space<vmem>>
      %dma_start3A_17 = arith.constant 0 : i32
      %dma_start3A_18 = tpu.memref_slice %arg10[%dma_start3A, %dma_start3A_17] : memref<2x100xi32, #tpu.memory_space<vmem>> -> memref<1x100xi32, #tpu.memory_space<vmem>>
      %dma_start3A_19 = tpu.memref_squeeze %dma_start3A_18 : memref<1x100xi32, #tpu.memory_space<vmem>> -> memref<100xi32, #tpu.memory_space<vmem>>
      %dma_start3A_20 = arith.constant 0 : i32
      %dma_start3A_21 = arith.constant 0 : i32
      %dma_start3A_22 = tpu.memref_slice %arg5[%dma_start3A_20, %dma_start3A_21] : memref<100000x128xf32, #tpu.memory_space<hbm>> -> memref<100000x128xf32, #tpu.memory_space<hbm>>
      tpu.enqueue_indirect_dma source(%dma_start3A_22 : memref<100000x128xf32, #tpu.memory_space<hbm>>) target(%dma_start3A_16 : memref<100x128xf32, #tpu.memory_space<vmem>>) offsets(%dma_start3A_19 : memref<100xi32, #tpu.memory_space<vmem>>) semaphore(%arg18 : memref<!tpu.dma_semaphore, #tpu.memory_space<semaphore_mem>>)
      %dma_start3A_23 = arith.constant 0 : i32
      %dma_start3A_24 = arith.constant 0 : i32
      %dma_start3A_25 = arith.constant 0 : i32
      %dma_start3A_26 = arith.constant 0 : i32
      %dma_start3A_27 = tpu.memref_slice %arg15[%dma_start3A_24, %dma_start3A_25, %dma_start3A_26] : memref<2x100x128xf32, #tpu.memory_space<vmem>> -> memref<1x100x128xf32, #tpu.memory_space<vmem>>
      %dma_start3A_28 = tpu.memref_squeeze %dma_start3A_27 : memref<1x100x128xf32, #tpu.memory_space<vmem>> -> memref<100x128xf32, #tpu.memory_space<vmem>>
      %dma_start3A_29 = arith.constant 0 : i32
      %dma_start3A_30 = tpu.memref_slice %arg10[%dma_start3A_23, %dma_start3A_29] : memref<2x100xi32, #tpu.memory_space<vmem>> -> memref<1x100xi32, #tpu.memory_space<vmem>>
      %dma_start3A_31 = tpu.memref_squeeze %dma_start3A_30 : memref<1x100xi32, #tpu.memory_space<vmem>> -> memref<100xi32, #tpu.memory_space<vmem>>
      %dma_start3A_32 = arith.constant 0 : i32
      %dma_start3A_33 = arith.constant 0 : i32
      %dma_start3A_34 = tpu.memref_slice %arg7[%dma_start3A_32, %dma_start3A_33] : memref<100000x128xf32, #tpu.memory_space<hbm>> -> memref<100000x128xf32, #tpu.memory_space<hbm>>
      tpu.enqueue_indirect_dma source(%dma_start3A_34 : memref<100000x128xf32, #tpu.memory_space<hbm>>) target(%dma_start3A_28 : memref<100x128xf32, #tpu.memory_space<vmem>>) offsets(%dma_start3A_31 : memref<100xi32, #tpu.memory_space<vmem>>) semaphore(%arg18 : memref<!tpu.dma_semaphore, #tpu.memory_space<semaphore_mem>>)
      %dma_start3A_35 = arith.constant 0 : i32
      %dma_start3A_36 = arith.constant 0 : i32
      %dma_start3A_37 = arith.constant 0 : i32
      %dma_start3A_38 = arith.constant 0 : i32
      %dma_start3A_39 = tpu.memref_slice %arg14[%dma_start3A_36, %dma_start3A_37, %dma_start3A_38] : memref<2x100x128xf32, #tpu.memory_space<vmem>> -> memref<1x100x128xf32, #tpu.memory_space<vmem>>
      %dma_start3A_40 = tpu.memref_squeeze %dma_start3A_39 : memref<1x100x128xf32, #tpu.memory_space<vmem>> -> memref<100x128xf32, #tpu.memory_space<vmem>>
      %dma_start3A_41 = arith.constant 0 : i32
      %dma_start3A_42 = tpu.memref_slice %arg11[%dma_start3A_35, %dma_start3A_41] : memref<2x100xi32, #tpu.memory_space<vmem>> -> memref<1x100xi32, #tpu.memory_space<vmem>>
      %dma_start3A_43 = tpu.memref_squeeze %dma_start3A_42 : memref<1x100xi32, #tpu.memory_space<vmem>> -> memref<100xi32, #tpu.memory_space<vmem>>
      %dma_start3A_44 = arith.constant 0 : i32
      %dma_start3A_45 = arith.constant 0 : i32
      %dma_start3A_46 = tpu.memref_slice %arg6[%dma_start3A_44, %dma_start3A_45] : memref<200000x128xf32, #tpu.memory_space<hbm>> -> memref<200000x128xf32, #tpu.memory_space<hbm>>
      tpu.enqueue_indirect_dma source(%dma_start3A_46 : memref<200000x128xf32, #tpu.memory_space<hbm>>) target(%dma_start3A_40 : memref<100x128xf32, #tpu.memory_space<vmem>>) offsets(%dma_start3A_43 : memref<100xi32, #tpu.memory_space<vmem>>) semaphore(%arg18 : memref<!tpu.dma_semaphore, #tpu.memory_space<semaphore_mem>>)
      %dma_start3A_47 = arith.constant 0 : i32
      %dma_start3A_48 = arith.constant 0 : i32
      %dma_start3A_49 = tpu.memref_slice %arg16[%dma_start3A_48] : memref<256xf32, #tpu.memory_space<vmem>> -> memref<100xf32, #tpu.memory_space<vmem>>
      %dma_start3A_50 = arith.constant 0 : i32
      %dma_start3A_51 = tpu.memref_slice %arg12[%dma_start3A_47, %dma_start3A_50] : memref<2x100xi32, #tpu.memory_space<vmem>> -> memref<1x100xi32, #tpu.memory_space<vmem>>
      %dma_start3A_52 = tpu.memref_squeeze %dma_start3A_51 : memref<1x100xi32, #tpu.memory_space<vmem>> -> memref<100xi32, #tpu.memory_space<vmem>>
      %dma_start3A_53 = arith.constant 0 : i32
      %dma_start3A_54 = tpu.memref_slice %arg8[%dma_start3A_53] : memref<100000xf32, #tpu.memory_space<hbm>> -> memref<100000xf32, #tpu.memory_space<hbm>>
      tpu.enqueue_indirect_dma source(%dma_start3A_54 : memref<100000xf32, #tpu.memory_space<hbm>>) target(%dma_start3A_49 : memref<100xf32, #tpu.memory_space<vmem>>) offsets(%dma_start3A_52 : memref<100xi32, #tpu.memory_space<vmem>>) semaphore(%arg18 : memref<!tpu.dma_semaphore, #tpu.memory_space<semaphore_mem>>)
      %dma_start3A_55 = arith.constant 1 : i32
      %dma_start3A_56 = arith.constant 1 : i32
      %dma_start3A_57 = arith.constant 0 : i32
      %dma_start3A_58 = arith.constant 0 : i32
      %dma_start3A_59 = tpu.memref_slice %arg13[%dma_start3A_56, %dma_start3A_57, %dma_start3A_58] : memref<2x100x128xf32, #tpu.memory_space<vmem>> -> memref<1x100x128xf32, #tpu.memory_space<vmem>>
      %dma_start3A_60 = tpu.memref_squeeze %dma_start3A_59 : memref<1x100x128xf32, #tpu.memory_space<vmem>> -> memref<100x128xf32, #tpu.memory_space<vmem>>
      %dma_start3A_61 = arith.constant 0 : i32
      %dma_start3A_62 = tpu.memref_slice %arg10[%dma_start3A_55, %dma_start3A_61] : memref<2x100xi32, #tpu.memory_space<vmem>> -> memref<1x100xi32, #tpu.memory_space<vmem>>
      %dma_start3A_63 = tpu.memref_squeeze %dma_start3A_62 : memref<1x100xi32, #tpu.memory_space<vmem>> -> memref<100xi32, #tpu.memory_space<vmem>>
      %dma_start3A_64 = arith.constant 0 : i32
      %dma_start3A_65 = arith.constant 0 : i32
      %dma_start3A_66 = tpu.memref_slice %arg5[%dma_start3A_64, %dma_start3A_65] : memref<100000x128xf32, #tpu.memory_space<hbm>> -> memref<100000x128xf32, #tpu.memory_space<hbm>>
      tpu.enqueue_indirect_dma source(%dma_start3A_66 : memref<100000x128xf32, #tpu.memory_space<hbm>>) target(%dma_start3A_60 : memref<100x128xf32, #tpu.memory_space<vmem>>) offsets(%dma_start3A_63 : memref<100xi32, #tpu.memory_space<vmem>>) semaphore(%arg18 : memref<!tpu.dma_semaphore, #tpu.memory_space<semaphore_mem>>)
      %dma_start3A_67 = arith.constant 1 : i32
      %dma_start3A_68 = arith.constant 1 : i32
      %dma_start3A_69 = arith.constant 0 : i32
      %dma_start3A_70 = arith.constant 0 : i32
      %dma_start3A_71 = tpu.memref_slice %arg15[%dma_start3A_68, %dma_start3A_69, %dma_start3A_70] : memref<2x100x128xf32, #tpu.memory_space<vmem>> -> memref<1x100x128xf32, #tpu.memory_space<vmem>>
      %dma_start3A_72 = tpu.memref_squeeze %dma_start3A_71 : memref<1x100x128xf32, #tpu.memory_space<vmem>> -> memref<100x128xf32, #tpu.memory_space<vmem>>
      %dma_start3A_73 = arith.constant 0 : i32
      %dma_start3A_74 = tpu.memref_slice %arg10[%dma_start3A_67, %dma_start3A_73] : memref<2x100xi32, #tpu.memory_space<vmem>> -> memref<1x100xi32, #tpu.memory_space<vmem>>
      %dma_start3A_75 = tpu.memref_squeeze %dma_start3A_74 : memref<1x100xi32, #tpu.memory_space<vmem>> -> memref<100xi32, #tpu.memory_space<vmem>>
      %dma_start3A_76 = arith.constant 0 : i32
      %dma_start3A_77 = arith.constant 0 : i32
      %dma_start3A_78 = tpu.memref_slice %arg7[%dma_start3A_76, %dma_start3A_77] : memref<100000x128xf32, #tpu.memory_space<hbm>> -> memref<100000x128xf32, #tpu.memory_space<hbm>>
      tpu.enqueue_indirect_dma source(%dma_start3A_78 : memref<100000x128xf32, #tpu.memory_space<hbm>>) target(%dma_start3A_72 : memref<100x128xf32, #tpu.memory_space<vmem>>) offsets(%dma_start3A_75 : memref<100xi32, #tpu.memory_space<vmem>>) semaphore(%arg18 : memref<!tpu.dma_semaphore, #tpu.memory_space<semaphore_mem>>)
      %dma_start3A_79 = arith.constant 1 : i32
      %dma_start3A_80 = arith.constant 1 : i32
      %dma_start3A_81 = arith.constant 0 : i32
      %dma_start3A_82 = arith.constant 0 : i32
      %dma_start3A_83 = tpu.memref_slice %arg14[%dma_start3A_80, %dma_start3A_81, %dma_start3A_82] : memref<2x100x128xf32, #tpu.memory_space<vmem>> -> memref<1x100x128xf32, #tpu.memory_space<vmem>>
      %dma_start3A_84 = tpu.memref_squeeze %dma_start3A_83 : memref<1x100x128xf32, #tpu.memory_space<vmem>> -> memref<100x128xf32, #tpu.memory_space<vmem>>
      %dma_start3A_85 = arith.constant 0 : i32
      %dma_start3A_86 = tpu.memref_slice %arg11[%dma_start3A_79, %dma_start3A_85] : memref<2x100xi32, #tpu.memory_space<vmem>> -> memref<1x100xi32, #tpu.memory_space<vmem>>
      %dma_start3A_87 = tpu.memref_squeeze %dma_start3A_86 : memref<1x100xi32, #tpu.memory_space<vmem>> -> memref<100xi32, #tpu.memory_space<vmem>>
      %dma_start3A_88 = arith.constant 0 : i32
      %dma_start3A_89 = arith.constant 0 : i32
      %dma_start3A_90 = tpu.memref_slice %arg6[%dma_start3A_88, %dma_start3A_89] : memref<200000x128xf32, #tpu.memory_space<hbm>> -> memref<200000x128xf32, #tpu.memory_space<hbm>>
      tpu.enqueue_indirect_dma source(%dma_start3A_90 : memref<200000x128xf32, #tpu.memory_space<hbm>>) target(%dma_start3A_84 : memref<100x128xf32, #tpu.memory_space<vmem>>) offsets(%dma_start3A_87 : memref<100xi32, #tpu.memory_space<vmem>>) semaphore(%arg18 : memref<!tpu.dma_semaphore, #tpu.memory_space<semaphore_mem>>)
      %dma_start3A_91 = arith.constant 1 : i32
      %dma_start3A_92 = arith.constant 128 : i32
      %dma_start3A_93 = tpu.memref_slice %arg16[%dma_start3A_92] : memref<256xf32, #tpu.memory_space<vmem>> -> memref<100xf32, #tpu.memory_space<vmem>>
      %dma_start3A_94 = arith.constant 0 : i32
      %dma_start3A_95 = tpu.memref_slice %arg12[%dma_start3A_91, %dma_start3A_94] : memref<2x100xi32, #tpu.memory_space<vmem>> -> memref<1x100xi32, #tpu.memory_space<vmem>>
      %dma_start3A_96 = tpu.memref_squeeze %dma_start3A_95 : memref<1x100xi32, #tpu.memory_space<vmem>> -> memref<100xi32, #tpu.memory_space<vmem>>
      %dma_start3A_97 = arith.constant 0 : i32
      %dma_start3A_98 = tpu.memref_slice %arg8[%dma_start3A_97] : memref<100000xf32, #tpu.memory_space<hbm>> -> memref<100000xf32, #tpu.memory_space<hbm>>
      tpu.enqueue_indirect_dma source(%dma_start3A_98 : memref<100000xf32, #tpu.memory_space<hbm>>) target(%dma_start3A_93 : memref<100xf32, #tpu.memory_space<vmem>>) offsets(%dma_start3A_96 : memref<100xi32, #tpu.memory_space<vmem>>) semaphore(%arg18 : memref<!tpu.dma_semaphore, #tpu.memory_space<semaphore_mem>>)
      %dma_wait3A = arith.constant 0 : i32
      %dma_wait3A_99 = arith.constant 0 : i32
      %dma_wait3A_100 = arith.constant 0 : i32
      %dma_wait3A_101 = arith.constant 0 : i32
      %dma_wait3A_102 = tpu.memref_slice %arg13[%dma_wait3A_99, %dma_wait3A_100, %dma_wait3A_101] : memref<2x100x128xf32, #tpu.memory_space<vmem>> -> memref<1x100x128xf32, #tpu.memory_space<vmem>>
      %dma_wait3A_103 = tpu.memref_squeeze %dma_wait3A_102 : memref<1x100x128xf32, #tpu.memory_space<vmem>> -> memref<100x128xf32, #tpu.memory_space<vmem>>
      %dma_wait3A_104 = arith.constant 0 : i32
      %dma_wait3A_105 = tpu.memref_slice %arg10[%dma_wait3A, %dma_wait3A_104] : memref<2x100xi32, #tpu.memory_space<vmem>> -> memref<1x100xi32, #tpu.memory_space<vmem>>
      %dma_wait3A_106 = tpu.memref_squeeze %dma_wait3A_105 : memref<1x100xi32, #tpu.memory_space<vmem>> -> memref<100xi32, #tpu.memory_space<vmem>>
      %dma_wait3A_107 = arith.constant 0 : i32
      %dma_wait3A_108 = arith.constant 0 : i32
      %dma_wait3A_109 = tpu.memref_slice %arg5[%dma_wait3A_107, %dma_wait3A_108] : memref<100000x128xf32, #tpu.memory_space<hbm>> -> memref<100000x128xf32, #tpu.memory_space<hbm>>
      tpu.wait_indirect_dma semaphore(%arg18 : memref<!tpu.dma_semaphore, #tpu.memory_space<semaphore_mem>>) src(%dma_wait3A_109 : memref<100000x128xf32, #tpu.memory_space<hbm>>) dst(%dma_wait3A_103 : memref<100x128xf32, #tpu.memory_space<vmem>>)
      %dma_wait3A_110 = arith.constant 0 : i32
      %dma_wait3A_111 = arith.constant 0 : i32
      %dma_wait3A_112 = arith.constant 0 : i32
      %dma_wait3A_113 = arith.constant 0 : i32
      %dma_wait3A_114 = tpu.memref_slice %arg15[%dma_wait3A_111, %dma_wait3A_112, %dma_wait3A_113] : memref<2x100x128xf32, #tpu.memory_space<vmem>> -> memref<1x100x128xf32, #tpu.memory_space<vmem>>
      %dma_wait3A_115 = tpu.memref_squeeze %dma_wait3A_114 : memref<1x100x128xf32, #tpu.memory_space<vmem>> -> memref<100x128xf32, #tpu.memory_space<vmem>>
      %dma_wait3A_116 = arith.constant 0 : i32
      %dma_wait3A_117 = tpu.memref_slice %arg10[%dma_wait3A_110, %dma_wait3A_116] : memref<2x100xi32, #tpu.memory_space<vmem>> -> memref<1x100xi32, #tpu.memory_space<vmem>>
      %dma_wait3A_118 = tpu.memref_squeeze %dma_wait3A_117 : memref<1x100xi32, #tpu.memory_space<vmem>> -> memref<100xi32, #tpu.memory_space<vmem>>
      %dma_wait3A_119 = arith.constant 0 : i32
      %dma_wait3A_120 = arith.constant 0 : i32
      %dma_wait3A_121 = tpu.memref_slice %arg7[%dma_wait3A_119, %dma_wait3A_120] : memref<100000x128xf32, #tpu.memory_space<hbm>> -> memref<100000x128xf32, #tpu.memory_space<hbm>>
      tpu.wait_indirect_dma semaphore(%arg18 : memref<!tpu.dma_semaphore, #tpu.memory_space<semaphore_mem>>) src(%dma_wait3A_121 : memref<100000x128xf32, #tpu.memory_space<hbm>>) dst(%dma_wait3A_115 : memref<100x128xf32, #tpu.memory_space<vmem>>)
      %dma_wait3A_122 = arith.constant 0 : i32
      %dma_wait3A_123 = arith.constant 0 : i32
      %dma_wait3A_124 = arith.constant 0 : i32
      %dma_wait3A_125 = arith.constant 0 : i32
      %dma_wait3A_126 = tpu.memref_slice %arg14[%dma_wait3A_123, %dma_wait3A_124, %dma_wait3A_125] : memref<2x100x128xf32, #tpu.memory_space<vmem>> -> memref<1x100x128xf32, #tpu.memory_space<vmem>>
      %dma_wait3A_127 = tpu.memref_squeeze %dma_wait3A_126 : memref<1x100x128xf32, #tpu.memory_space<vmem>> -> memref<100x128xf32, #tpu.memory_space<vmem>>
      %dma_wait3A_128 = arith.constant 0 : i32
      %dma_wait3A_129 = tpu.memref_slice %arg11[%dma_wait3A_122, %dma_wait3A_128] : memref<2x100xi32, #tpu.memory_space<vmem>> -> memref<1x100xi32, #tpu.memory_space<vmem>>
      %dma_wait3A_130 = tpu.memref_squeeze %dma_wait3A_129 : memref<1x100xi32, #tpu.memory_space<vmem>> -> memref<100xi32, #tpu.memory_space<vmem>>
      %dma_wait3A_131 = arith.constant 0 : i32
      %dma_wait3A_132 = arith.constant 0 : i32
      %dma_wait3A_133 = tpu.memref_slice %arg6[%dma_wait3A_131, %dma_wait3A_132] : memref<200000x128xf32, #tpu.memory_space<hbm>> -> memref<200000x128xf32, #tpu.memory_space<hbm>>
      tpu.wait_indirect_dma semaphore(%arg18 : memref<!tpu.dma_semaphore, #tpu.memory_space<semaphore_mem>>) src(%dma_wait3A_133 : memref<200000x128xf32, #tpu.memory_space<hbm>>) dst(%dma_wait3A_127 : memref<100x128xf32, #tpu.memory_space<vmem>>)
      %dma_wait3A_134 = arith.constant 0 : i32
      %dma_wait3A_135 = arith.constant 0 : i32
      %dma_wait3A_136 = tpu.memref_slice %arg16[%dma_wait3A_135] : memref<256xf32, #tpu.memory_space<vmem>> -> memref<100xf32, #tpu.memory_space<vmem>>
      %dma_wait3A_137 = arith.constant 0 : i32
      %dma_wait3A_138 = tpu.memref_slice %arg12[%dma_wait3A_134, %dma_wait3A_137] : memref<2x100xi32, #tpu.memory_space<vmem>> -> memref<1x100xi32, #tpu.memory_space<vmem>>
      %dma_wait3A_139 = tpu.memref_squeeze %dma_wait3A_138 : memref<1x100xi32, #tpu.memory_space<vmem>> -> memref<100xi32, #tpu.memory_space<vmem>>
      %dma_wait3A_140 = arith.constant 0 : i32
      %dma_wait3A_141 = tpu.memref_slice %arg8[%dma_wait3A_140] : memref<100000xf32, #tpu.memory_space<hbm>> -> memref<100000xf32, #tpu.memory_space<hbm>>
      tpu.wait_indirect_dma semaphore(%arg18 : memref<!tpu.dma_semaphore, #tpu.memory_space<semaphore_mem>>) src(%dma_wait3A_141 : memref<100000xf32, #tpu.memory_space<hbm>>) dst(%dma_wait3A_136 : memref<100xf32, #tpu.memory_space<vmem>>)
      %dma_wait3A_142 = arith.constant 1 : i32
      %dma_wait3A_143 = arith.constant 1 : i32
      %dma_wait3A_144 = arith.constant 0 : i32
      %dma_wait3A_145 = arith.constant 0 : i32
      %dma_wait3A_146 = tpu.memref_slice %arg13[%dma_wait3A_143, %dma_wait3A_144, %dma_wait3A_145] : memref<2x100x128xf32, #tpu.memory_space<vmem>> -> memref<1x100x128xf32, #tpu.memory_space<vmem>>
      %dma_wait3A_147 = tpu.memref_squeeze %dma_wait3A_146 : memref<1x100x128xf32, #tpu.memory_space<vmem>> -> memref<100x128xf32, #tpu.memory_space<vmem>>
      %dma_wait3A_148 = arith.constant 0 : i32
      %dma_wait3A_149 = tpu.memref_slice %arg10[%dma_wait3A_142, %dma_wait3A_148] : memref<2x100xi32, #tpu.memory_space<vmem>> -> memref<1x100xi32, #tpu.memory_space<vmem>>
      %dma_wait3A_150 = tpu.memref_squeeze %dma_wait3A_149 : memref<1x100xi32, #tpu.memory_space<vmem>> -> memref<100xi32, #tpu.memory_space<vmem>>
      %dma_wait3A_151 = arith.constant 0 : i32
      %dma_wait3A_152 = arith.constant 0 : i32
      %dma_wait3A_153 = tpu.memref_slice %arg5[%dma_wait3A_151, %dma_wait3A_152] : memref<100000x128xf32, #tpu.memory_space<hbm>> -> memref<100000x128xf32, #tpu.memory_space<hbm>>
      tpu.wait_indirect_dma semaphore(%arg18 : memref<!tpu.dma_semaphore, #tpu.memory_space<semaphore_mem>>) src(%dma_wait3A_153 : memref<100000x128xf32, #tpu.memory_space<hbm>>) dst(%dma_wait3A_147 : memref<100x128xf32, #tpu.memory_space<vmem>>)
      %dma_wait3A_154 = arith.constant 1 : i32
      %dma_wait3A_155 = arith.constant 1 : i32
      %dma_wait3A_156 = arith.constant 0 : i32
      %dma_wait3A_157 = arith.constant 0 : i32
      %dma_wait3A_158 = tpu.memref_slice %arg15[%dma_wait3A_155, %dma_wait3A_156, %dma_wait3A_157] : memref<2x100x128xf32, #tpu.memory_space<vmem>> -> memref<1x100x128xf32, #tpu.memory_space<vmem>>
      %dma_wait3A_159 = tpu.memref_squeeze %dma_wait3A_158 : memref<1x100x128xf32, #tpu.memory_space<vmem>> -> memref<100x128xf32, #tpu.memory_space<vmem>>
      %dma_wait3A_160 = arith.constant 0 : i32
      %dma_wait3A_161 = tpu.memref_slice %arg10[%dma_wait3A_154, %dma_wait3A_160] : memref<2x100xi32, #tpu.memory_space<vmem>> -> memref<1x100xi32, #tpu.memory_space<vmem>>
      %dma_wait3A_162 = tpu.memref_squeeze %dma_wait3A_161 : memref<1x100xi32, #tpu.memory_space<vmem>> -> memref<100xi32, #tpu.memory_space<vmem>>
      %dma_wait3A_163 = arith.constant 0 : i32
      %dma_wait3A_164 = arith.constant 0 : i32
      %dma_wait3A_165 = tpu.memref_slice %arg7[%dma_wait3A_163, %dma_wait3A_164] : memref<100000x128xf32, #tpu.memory_space<hbm>> -> memref<100000x128xf32, #tpu.memory_space<hbm>>
      tpu.wait_indirect_dma semaphore(%arg18 : memref<!tpu.dma_semaphore, #tpu.memory_space<semaphore_mem>>) src(%dma_wait3A_165 : memref<100000x128xf32, #tpu.memory_space<hbm>>) dst(%dma_wait3A_159 : memref<100x128xf32, #tpu.memory_space<vmem>>)
      %dma_wait3A_166 = arith.constant 1 : i32
      %dma_wait3A_167 = arith.constant 1 : i32
      %dma_wait3A_168 = arith.constant 0 : i32
      %dma_wait3A_169 = arith.constant 0 : i32
      %dma_wait3A_170 = tpu.memref_slice %arg14[%dma_wait3A_167, %dma_wait3A_168, %dma_wait3A_169] : memref<2x100x128xf32, #tpu.memory_space<vmem>> -> memref<1x100x128xf32, #tpu.memory_space<vmem>>
      %dma_wait3A_171 = tpu.memref_squeeze %dma_wait3A_170 : memref<1x100x128xf32, #tpu.memory_space<vmem>> -> memref<100x128xf32, #tpu.memory_space<vmem>>
      %dma_wait3A_172 = arith.constant 0 : i32
      %dma_wait3A_173 = tpu.memref_slice %arg11[%dma_wait3A_166, %dma_wait3A_172] : memref<2x100xi32, #tpu.memory_space<vmem>> -> memref<1x100xi32, #tpu.memory_space<vmem>>
      %dma_wait3A_174 = tpu.memref_squeeze %dma_wait3A_173 : memref<1x100xi32, #tpu.memory_space<vmem>> -> memref<100xi32, #tpu.memory_space<vmem>>
      %dma_wait3A_175 = arith.constant 0 : i32
      %dma_wait3A_176 = arith.constant 0 : i32
      %dma_wait3A_177 = tpu.memref_slice %arg6[%dma_wait3A_175, %dma_wait3A_176] : memref<200000x128xf32, #tpu.memory_space<hbm>> -> memref<200000x128xf32, #tpu.memory_space<hbm>>
      tpu.wait_indirect_dma semaphore(%arg18 : memref<!tpu.dma_semaphore, #tpu.memory_space<semaphore_mem>>) src(%dma_wait3A_177 : memref<200000x128xf32, #tpu.memory_space<hbm>>) dst(%dma_wait3A_171 : memref<100x128xf32, #tpu.memory_space<vmem>>)
      %dma_wait3A_178 = arith.constant 1 : i32
      %dma_wait3A_179 = arith.constant 128 : i32
      %dma_wait3A_180 = tpu.memref_slice %arg16[%dma_wait3A_179] : memref<256xf32, #tpu.memory_space<vmem>> -> memref<100xf32, #tpu.memory_space<vmem>>
      %dma_wait3A_181 = arith.constant 0 : i32
      %dma_wait3A_182 = tpu.memref_slice %arg12[%dma_wait3A_178, %dma_wait3A_181] : memref<2x100xi32, #tpu.memory_space<vmem>> -> memref<1x100xi32, #tpu.memory_space<vmem>>
      %dma_wait3A_183 = tpu.memref_squeeze %dma_wait3A_182 : memref<1x100xi32, #tpu.memory_space<vmem>> -> memref<100xi32, #tpu.memory_space<vmem>>
      %dma_wait3A_184 = arith.constant 0 : i32
      %dma_wait3A_185 = tpu.memref_slice %arg8[%dma_wait3A_184] : memref<100000xf32, #tpu.memory_space<hbm>> -> memref<100000xf32, #tpu.memory_space<hbm>>
      tpu.wait_indirect_dma semaphore(%arg18 : memref<!tpu.dma_semaphore, #tpu.memory_space<semaphore_mem>>) src(%dma_wait3A_185 : memref<100000xf32, #tpu.memory_space<hbm>>) dst(%dma_wait3A_180 : memref<100xf32, #tpu.memory_space<vmem>>)
      %broadcast_in_dim3A = arith.constant 0.000000e+00 : f32
      %broadcast_in_dim3A_186 = vector.broadcast %broadcast_in_dim3A : f32 to vector<16xf32>
      %broadcast_in_dim3A_187 = arith.constant 0.000000e+00 : f32
      %broadcast_in_dim3A_188 = vector.broadcast %broadcast_in_dim3A_187 : f32 to vector<16xf32>
      %broadcast_in_dim3A_189 = arith.constant 0.000000e+00 : f32
      %broadcast_in_dim3A_190 = vector.broadcast %broadcast_in_dim3A_189 : f32 to vector<16xf32>
      %broadcast_in_dim3A_191 = arith.constant 0.000000e+00 : f32
      %broadcast_in_dim3A_192 = vector.broadcast %broadcast_in_dim3A_191 : f32 to vector<16xf32>
      %broadcast_in_dim3A_193 = arith.constant 0.000000e+00 : f32
      %broadcast_in_dim3A_194 = vector.broadcast %broadcast_in_dim3A_193 : f32 to vector<16xf32>
      %broadcast_in_dim3A_195 = arith.constant 0.000000e+00 : f32
      %broadcast_in_dim3A_196 = vector.broadcast %broadcast_in_dim3A_195 : f32 to vector<16xf32>
      %broadcast_in_dim3A_197 = arith.constant 0.000000e+00 : f32
      %broadcast_in_dim3A_198 = vector.broadcast %broadcast_in_dim3A_197 : f32 to vector<16xf32>
      %broadcast_in_dim3A_199 = arith.constant 0.000000e+00 : f32
      %broadcast_in_dim3A_200 = vector.broadcast %broadcast_in_dim3A_199 : f32 to vector<16xf32>
      %scan3A_201 = arith.constant 0 : i32
      %scan3A_202 = arith.constant 200 : i32
      %scan3A_203 = arith.addi %scan3A_201, %scan3A_202 : i32
      %scan3A_204 = arith.constant 1 : i32
      %scan3A_205:8 = scf.for %scan3A_246 = %scan3A_201 to %scan3A_203 step %scan3A_204 iter_args(%scan3A_247 = %broadcast_in_dim3A_186, %scan3A_248 = %broadcast_in_dim3A_188, %scan3A_249 = %broadcast_in_dim3A_190, %scan3A_250 = %broadcast_in_dim3A_192, %scan3A_251 = %broadcast_in_dim3A_194, %scan3A_252 = %broadcast_in_dim3A_196, %scan3A_253 = %broadcast_in_dim3A_198, %scan3A_254 = %broadcast_in_dim3A_200) -> (vector<16xf32>, vector<16xf32>, vector<16xf32>, vector<16xf32>, vector<16xf32>, vector<16xf32>, vector<16xf32>, vector<16xf32>)  : i32 {
        %jit3A = arith.constant 100 : i32
        %div3A = arith.divsi %scan3A_246, %jit3A : i32
        %sign3A = arith.constant 0 : i32
        %sign3A_255 = arith.cmpi sgt, %scan3A_246, %sign3A : i32
        %sign3A_256 = arith.extui %sign3A_255 : i1 to i32
        %sign3A_257 = arith.constant 0 : i32
        %sign3A_258 = arith.cmpi slt, %scan3A_246, %sign3A_257 : i32
        %sign3A_259 = arith.extui %sign3A_258 : i1 to i32
        %sign3A_260 = arith.subi %sign3A_256, %sign3A_259 : i32
        %sign3A_261 = arith.constant 0 : i32
        %sign3A_262 = arith.cmpi sgt, %jit3A, %sign3A_261 : i32
        %sign3A_263 = arith.extui %sign3A_262 : i1 to i32
        %sign3A_264 = arith.constant 0 : i32
        %sign3A_265 = arith.cmpi slt, %jit3A, %sign3A_264 : i32
        %sign3A_266 = arith.extui %sign3A_265 : i1 to i32
        %sign3A_267 = arith.subi %sign3A_263, %sign3A_266 : i32
        %ne3A = arith.cmpi ne, %sign3A_260, %sign3A_267 : i32
        %rem3A = arith.remsi %scan3A_246, %jit3A : i32
        %ne3A_268 = arith.constant 0 : i32
        %ne3A_269 = arith.cmpi ne, %rem3A, %ne3A_268 : i32
        %and3A = arith.andi %ne3A, %ne3A_269 : i1
        %sub3A = arith.constant 1 : i32
        %sub3A_270 = arith.subi %div3A, %sub3A : i32
        %select_n3A = arith.select %and3A, %sub3A_270, %div3A : i32
        %jit3A_271 = arith.constant 100 : i32
        %eq3A = arith.constant 0 : i32
        %eq3A_272 = arith.cmpi eq, %jit3A_271, %eq3A : i32
        %jit3A_273 = arith.constant 1 : i32
        %select_n3A_274 = arith.select %eq3A_272, %jit3A_273, %jit3A_271 : i32
        %rem3A_275 = arith.remsi %scan3A_246, %select_n3A_274 : i32
        %ne3A_276 = arith.constant 0 : i32
        %ne3A_277 = arith.cmpi ne, %rem3A_275, %ne3A_276 : i32
        %lt3A = arith.constant 0 : i32
        %lt3A_278 = arith.cmpi slt, %rem3A_275, %lt3A : i32
        %lt3A_279 = arith.constant 0 : i32
        %lt3A_280 = arith.cmpi slt, %select_n3A_274, %lt3A_279 : i32
        %ne3A_281 = arith.xori %lt3A_278, %lt3A_280 : i1
        %and3A_282 = arith.andi %ne3A_281, %ne3A_277 : i1
        %add3A_283 = arith.addi %rem3A_275, %select_n3A_274 : i32
        %select_n3A_284 = arith.select %and3A_282, %add3A_283, %rem3A_275 : i32
        %get3A = arith.index_cast %select_n3A : i32 to index
        %get3A_285 = arith.index_cast %select_n3A_284 : i32 to index
        %get3A_286 = arith.constant 0 : index
        %get3A_287 = tpu.vector_load %arg14[%get3A, %get3A_285, %get3A_286] {strides = array<i32>} : memref<2x100x128xf32, #tpu.memory_space<vmem>>, vector<1x1x16xf32>,
        %get3A_288 = vector.shape_cast %get3A_287 : vector<1x1x16xf32> to vector<16xf32>
        %add3A_289 = arith.addf %scan3A_247, %get3A_288 : vector<16xf32>
        %get3A_290 = arith.index_cast %select_n3A : i32 to index
        %get3A_291 = arith.index_cast %select_n3A_284 : i32 to index
        %get3A_292 = arith.constant 16 : index
        %get3A_293 = tpu.vector_load %arg14[%get3A_290, %get3A_291, %get3A_292] {strides = array<i32>} : memref<2x100x128xf32, #tpu.memory_space<vmem>>, vector<1x1x16xf32>,
        %get3A_294 = vector.shape_cast %get3A_293 : vector<1x1x16xf32> to vector<16xf32>
        %add3A_295 = arith.addf %scan3A_248, %get3A_294 : vector<16xf32>
        %get3A_296 = arith.index_cast %select_n3A : i32 to index
        %get3A_297 = arith.index_cast %select_n3A_284 : i32 to index
        %get3A_298 = arith.constant 32 : index
        %get3A_299 = tpu.vector_load %arg14[%get3A_296, %get3A_297, %get3A_298] {strides = array<i32>} : memref<2x100x128xf32, #tpu.memory_space<vmem>>, vector<1x1x16xf32>,
        %get3A_300 = vector.shape_cast %get3A_299 : vector<1x1x16xf32> to vector<16xf32>
        %add3A_301 = arith.addf %scan3A_249, %get3A_300 : vector<16xf32>
        %get3A_302 = arith.index_cast %select_n3A : i32 to index
        %get3A_303 = arith.index_cast %select_n3A_284 : i32 to index
        %get3A_304 = arith.constant 48 : index
        %get3A_305 = tpu.vector_load %arg14[%get3A_302, %get3A_303, %get3A_304] {strides = array<i32>} : memref<2x100x128xf32, #tpu.memory_space<vmem>>, vector<1x1x16xf32>,
        %get3A_306 = vector.shape_cast %get3A_305 : vector<1x1x16xf32> to vector<16xf32>
        %add3A_307 = arith.addf %scan3A_250, %get3A_306 : vector<16xf32>
        %get3A_308 = arith.index_cast %select_n3A : i32 to index
        %get3A_309 = arith.index_cast %select_n3A_284 : i32 to index
        %get3A_310 = arith.constant 64 : index
        %get3A_311 = tpu.vector_load %arg14[%get3A_308, %get3A_309, %get3A_310] {strides = array<i32>} : memref<2x100x128xf32, #tpu.memory_space<vmem>>, vector<1x1x16xf32>,
        %get3A_312 = vector.shape_cast %get3A_311 : vector<1x1x16xf32> to vector<16xf32>
        %add3A_313 = arith.addf %scan3A_251, %get3A_312 : vector<16xf32>
        %get3A_314 = arith.index_cast %select_n3A : i32 to index
        %get3A_315 = arith.index_cast %select_n3A_284 : i32 to index
        %get3A_316 = arith.constant 80 : index
        %get3A_317 = tpu.vector_load %arg14[%get3A_314, %get3A_315, %get3A_316] {strides = array<i32>} : memref<2x100x128xf32, #tpu.memory_space<vmem>>, vector<1x1x16xf32>,
        %get3A_318 = vector.shape_cast %get3A_317 : vector<1x1x16xf32> to vector<16xf32>
        %add3A_319 = arith.addf %scan3A_252, %get3A_318 : vector<16xf32>
        %get3A_320 = arith.index_cast %select_n3A : i32 to index
        %get3A_321 = arith.index_cast %select_n3A_284 : i32 to index
        %get3A_322 = arith.constant 96 : index
        %get3A_323 = tpu.vector_load %arg14[%get3A_320, %get3A_321, %get3A_322] {strides = array<i32>} : memref<2x100x128xf32, #tpu.memory_space<vmem>>, vector<1x1x16xf32>,
        %get3A_324 = vector.shape_cast %get3A_323 : vector<1x1x16xf32> to vector<16xf32>
        %add3A_325 = arith.addf %scan3A_253, %get3A_324 : vector<16xf32>
        %get3A_326 = arith.index_cast %select_n3A : i32 to index
        %get3A_327 = arith.index_cast %select_n3A_284 : i32 to index
        %get3A_328 = arith.constant 112 : index
        %get3A_329 = tpu.vector_load %arg14[%get3A_326, %get3A_327, %get3A_328] {strides = array<i32>} : memref<2x100x128xf32, #tpu.memory_space<vmem>>, vector<1x1x16xf32>,
        %get3A_330 = vector.shape_cast %get3A_329 : vector<1x1x16xf32> to vector<16xf32>
        %add3A_331 = arith.addf %scan3A_254, %get3A_330 : vector<16xf32>
        scf.yield %add3A_289, %add3A_295, %add3A_301, %add3A_307, %add3A_313, %add3A_319, %add3A_325, %add3A_331 : vector<16xf32>, vector<16xf32>, vector<16xf32>, vector<16xf32>, vector<16xf32>, vector<16xf32>, vector<16xf32>, vector<16xf32>
      }
      %scan3A_206 = arith.constant 200 : i32
      %mul3A_207 = arith.constant 5.000000e-03 : f32
      %mul3A_208 = vector.broadcast %mul3A_207 : f32 to vector<16xf32>
      %mul3A_209 = arith.mulf %scan3A_205#0, %mul3A_208 : vector<16xf32>
      %mul3A_210 = arith.constant 5.000000e-03 : f32
      %mul3A_211 = vector.broadcast %mul3A_210 : f32 to vector<16xf32>
      %mul3A_212 = arith.mulf %scan3A_205#1, %mul3A_211 : vector<16xf32>
      %mul3A_213 = arith.constant 5.000000e-03 : f32
      %mul3A_214 = vector.broadcast %mul3A_213 : f32 to vector<16xf32>
      %mul3A_215 = arith.mulf %scan3A_205#2, %mul3A_214 : vector<16xf32>
      %mul3A_216 = arith.constant 5.000000e-03 : f32
      %mul3A_217 = vector.broadcast %mul3A_216 : f32 to vector<16xf32>
      %mul3A_218 = arith.mulf %scan3A_205#3, %mul3A_217 : vector<16xf32>
      %mul3A_219 = arith.constant 5.000000e-03 : f32
      %mul3A_220 = vector.broadcast %mul3A_219 : f32 to vector<16xf32>
      %mul3A_221 = arith.mulf %scan3A_205#4, %mul3A_220 : vector<16xf32>
      %mul3A_222 = arith.constant 5.000000e-03 : f32
      %mul3A_223 = vector.broadcast %mul3A_222 : f32 to vector<16xf32>
      %mul3A_224 = arith.mulf %scan3A_205#5, %mul3A_223 : vector<16xf32>
      %mul3A_225 = arith.constant 5.000000e-03 : f32
      %mul3A_226 = vector.broadcast %mul3A_225 : f32 to vector<16xf32>
      %mul3A_227 = arith.mulf %scan3A_205#6, %mul3A_226 : vector<16xf32>
      %mul3A_228 = arith.constant 5.000000e-03 : f32
      %mul3A_229 = vector.broadcast %mul3A_228 : f32 to vector<16xf32>
      %mul3A_230 = arith.mulf %scan3A_205#7, %mul3A_229 : vector<16xf32>
      %scan3A_231 = arith.constant 0 : i32
      %scan3A_232 = arith.constant 0 : i32
      %scan3A_233 = arith.constant 25 : i32
      %scan3A_234 = arith.addi %scan3A_232, %scan3A_233 : i32
      %scan3A_235 = arith.constant 1 : i32
      %scan3A_236 = scf.for %scan3A_246 = %scan3A_232 to %scan3A_234 step %scan3A_235 iter_args(%scan3A_247 = %scan3A_231) -> (i32)  : i32 {
        %mul3A_248 = arith.constant 4 : i32
        %mul3A_249 = arith.muli %scan3A_246, %mul3A_248 : i32
        %add3A_250 = arith.constant 0 : i32
        %add3A_251 = arith.addi %add3A_250, %mul3A_249 : i32
        %get3A = arith.index_cast %add3A_251 : i32 to index
        %get3A_252 = tpu.vector_load %arg16[%get3A] {strides = array<i32>} : memref<256xf32, #tpu.memory_space<vmem>>, vector<16xf32>,
        %get3A_253 = vector.shape_cast %get3A_252 : vector<16xf32> to vector<16xf32>
        %mul3A_254 = arith.constant 4 : i32
        %mul3A_255 = arith.muli %scan3A_246, %mul3A_254 : i32
        %add3A_256 = arith.constant 0 : i32
        %add3A_257 = arith.addi %mul3A_255, %add3A_256 : i32
        %slice3A = vector.extract_strided_slice %get3A_253 {offsets = [0], sizes = [1], strides = [1]} : vector<16xf32> to vector<1xf32>
        %squeeze3A = vector.extract %slice3A[0] : f32 from vector<1xf32>
        %broadcast_in_dim3A_258 = vector.broadcast %squeeze3A : f32 to vector<16xf32>
        %get3A_259 = arith.constant 0 : i32
        %get3A_260 = arith.index_cast %get3A_259 : i32 to index
        %get3A_261 = arith.index_cast %add3A_257 : i32 to index
        %get3A_262 = arith.constant 0 : index
        %get3A_263 = tpu.vector_load %arg13[%get3A_260, %get3A_261, %get3A_262] {strides = array<i32>} : memref<2x100x128xf32, #tpu.memory_space<vmem>>, vector<1x1x16xf32>,
        %get3A_264 = vector.shape_cast %get3A_263 : vector<1x1x16xf32> to vector<16xf32>
        %get3A_265 = arith.constant 0 : i32
        %get3A_266 = arith.index_cast %get3A_265 : i32 to index
        %get3A_267 = arith.index_cast %add3A_257 : i32 to index
        %get3A_268 = arith.constant 0 : index
        %get3A_269 = tpu.vector_load %arg15[%get3A_266, %get3A_267, %get3A_268] {strides = array<i32>} : memref<2x100x128xf32, #tpu.memory_space<vmem>>, vector<1x1x16xf32>,
        %get3A_270 = vector.shape_cast %get3A_269 : vector<1x1x16xf32> to vector<16xf32>
        %mul3A_271 = arith.mulf %broadcast_in_dim3A_258, %get3A_270 : vector<16xf32>
        %add3A_272 = arith.addf %get3A_264, %mul3A_271 : vector<16xf32>
        %add3A_273 = arith.addf %add3A_272, %mul3A_209 : vector<16xf32>
        %swap3A = arith.constant 0 : i32
        %swap3A_274 = arith.index_cast %swap3A : i32 to index
        %swap3A_275 = arith.index_cast %add3A_257 : i32 to index
        %swap3A_276 = arith.constant 0 : index
        %swap3A_277 = tpu.vector_load %arg17[%swap3A_274, %swap3A_275, %swap3A_276] {strides = array<i32>} : memref<2x100x128xf32, #tpu.memory_space<vmem>>, vector<1x1x16xf32>,
        %swap3A_278 = vector.shape_cast %swap3A_277 : vector<1x1x16xf32> to vector<16xf32>
        %swap3A_279 = vector.shape_cast %add3A_273 : vector<16xf32> to vector<1x1x16xf32>
        tpu.vector_store %arg17[%swap3A_274, %swap3A_275, %swap3A_276], %swap3A_279 {strides = array<i32>} : memref<2x100x128xf32, #tpu.memory_space<vmem>>, vector<1x1x16xf32>,
        %get3A_280 = arith.constant 0 : i32
        %get3A_281 = arith.index_cast %get3A_280 : i32 to index
        %get3A_282 = arith.index_cast %add3A_257 : i32 to index
        %get3A_283 = arith.constant 16 : index
        %get3A_284 = tpu.vector_load %arg13[%get3A_281, %get3A_282, %get3A_283] {strides = array<i32>} : memref<2x100x128xf32, #tpu.memory_space<vmem>>, vector<1x1x16xf32>,
        %get3A_285 = vector.shape_cast %get3A_284 : vector<1x1x16xf32> to vector<16xf32>
        %get3A_286 = arith.constant 0 : i32
        %get3A_287 = arith.index_cast %get3A_286 : i32 to index
        %get3A_288 = arith.index_cast %add3A_257 : i32 to index
        %get3A_289 = arith.constant 16 : index
        %get3A_290 = tpu.vector_load %arg15[%get3A_287, %get3A_288, %get3A_289] {strides = array<i32>} : memref<2x100x128xf32, #tpu.memory_space<vmem>>, vector<1x1x16xf32>,
        %get3A_291 = vector.shape_cast %get3A_290 : vector<1x1x16xf32> to vector<16xf32>
        %mul3A_292 = arith.mulf %broadcast_in_dim3A_258, %get3A_291 : vector<16xf32>
        %add3A_293 = arith.addf %get3A_285, %mul3A_292 : vector<16xf32>
        %add3A_294 = arith.addf %add3A_293, %mul3A_212 : vector<16xf32>
        %swap3A_295 = arith.constant 0 : i32
        %swap3A_296 = arith.index_cast %swap3A_295 : i32 to index
        %swap3A_297 = arith.index_cast %add3A_257 : i32 to index
        %swap3A_298 = arith.constant 16 : index
        %swap3A_299 = tpu.vector_load %arg17[%swap3A_296, %swap3A_297, %swap3A_298] {strides = array<i32>} : memref<2x100x128xf32, #tpu.memory_space<vmem>>, vector<1x1x16xf32>,
        %swap3A_300 = vector.shape_cast %swap3A_299 : vector<1x1x16xf32> to vector<16xf32>
        %swap3A_301 = vector.shape_cast %add3A_294 : vector<16xf32> to vector<1x1x16xf32>
        tpu.vector_store %arg17[%swap3A_296, %swap3A_297, %swap3A_298], %swap3A_301 {strides = array<i32>} : memref<2x100x128xf32, #tpu.memory_space<vmem>>, vector<1x1x16xf32>,
        %get3A_302 = arith.constant 0 : i32
        %get3A_303 = arith.index_cast %get3A_302 : i32 to index
        %get3A_304 = arith.index_cast %add3A_257 : i32 to index
        %get3A_305 = arith.constant 32 : index
        %get3A_306 = tpu.vector_load %arg13[%get3A_303, %get3A_304, %get3A_305] {strides = array<i32>} : memref<2x100x128xf32, #tpu.memory_space<vmem>>, vector<1x1x16xf32>,
        %get3A_307 = vector.shape_cast %get3A_306 : vector<1x1x16xf32> to vector<16xf32>
        %get3A_308 = arith.constant 0 : i32
        %get3A_309 = arith.index_cast %get3A_308 : i32 to index
        %get3A_310 = arith.index_cast %add3A_257 : i32 to index
        %get3A_311 = arith.constant 32 : index
        %get3A_312 = tpu.vector_load %arg15[%get3A_309, %get3A_310, %get3A_311] {strides = array<i32>} : memref<2x100x128xf32, #tpu.memory_space<vmem>>, vector<1x1x16xf32>,
        %get3A_313 = vector.shape_cast %get3A_312 : vector<1x1x16xf32> to vector<16xf32>
        %mul3A_314 = arith.mulf %broadcast_in_dim3A_258, %get3A_313 : vector<16xf32>
        %add3A_315 = arith.addf %get3A_307, %mul3A_314 : vector<16xf32>
        %add3A_316 = arith.addf %add3A_315, %mul3A_215 : vector<16xf32>
        %swap3A_317 = arith.constant 0 : i32
        %swap3A_318 = arith.index_cast %swap3A_317 : i32 to index
        %swap3A_319 = arith.index_cast %add3A_257 : i32 to index
        %swap3A_320 = arith.constant 32 : index
        %swap3A_321 = tpu.vector_load %arg17[%swap3A_318, %swap3A_319, %swap3A_320] {strides = array<i32>} : memref<2x100x128xf32, #tpu.memory_space<vmem>>, vector<1x1x16xf32>,
        %swap3A_322 = vector.shape_cast %swap3A_321 : vector<1x1x16xf32> to vector<16xf32>
        %swap3A_323 = vector.shape_cast %add3A_316 : vector<16xf32> to vector<1x1x16xf32>
        tpu.vector_store %arg17[%swap3A_318, %swap3A_319, %swap3A_320], %swap3A_323 {strides = array<i32>} : memref<2x100x128xf32, #tpu.memory_space<vmem>>, vector<1x1x16xf32>,
        %get3A_324 = arith.constant 0 : i32
        %get3A_325 = arith.index_cast %get3A_324 : i32 to index
        %get3A_326 = arith.index_cast %add3A_257 : i32 to index
        %get3A_327 = arith.constant 48 : index
        %get3A_328 = tpu.vector_load %arg13[%get3A_325, %get3A_326, %get3A_327] {strides = array<i32>} : memref<2x100x128xf32, #tpu.memory_space<vmem>>, vector<1x1x16xf32>,
        %get3A_329 = vector.shape_cast %get3A_328 : vector<1x1x16xf32> to vector<16xf32>
        %get3A_330 = arith.constant 0 : i32
        %get3A_331 = arith.index_cast %get3A_330 : i32 to index
        %get3A_332 = arith.index_cast %add3A_257 : i32 to index
        %get3A_333 = arith.constant 48 : index
        %get3A_334 = tpu.vector_load %arg15[%get3A_331, %get3A_332, %get3A_333] {strides = array<i32>} : memref<2x100x128xf32, #tpu.memory_space<vmem>>, vector<1x1x16xf32>,
        %get3A_335 = vector.shape_cast %get3A_334 : vector<1x1x16xf32> to vector<16xf32>
        %mul3A_336 = arith.mulf %broadcast_in_dim3A_258, %get3A_335 : vector<16xf32>
        %add3A_337 = arith.addf %get3A_329, %mul3A_336 : vector<16xf32>
        %add3A_338 = arith.addf %add3A_337, %mul3A_218 : vector<16xf32>
        %swap3A_339 = arith.constant 0 : i32
        %swap3A_340 = arith.index_cast %swap3A_339 : i32 to index
        %swap3A_341 = arith.index_cast %add3A_257 : i32 to index
        %swap3A_342 = arith.constant 48 : index
        %swap3A_343 = tpu.vector_load %arg17[%swap3A_340, %swap3A_341, %swap3A_342] {strides = array<i32>} : memref<2x100x128xf32, #tpu.memory_space<vmem>>, vector<1x1x16xf32>,
        %swap3A_344 = vector.shape_cast %swap3A_343 : vector<1x1x16xf32> to vector<16xf32>
        %swap3A_345 = vector.shape_cast %add3A_338 : vector<16xf32> to vector<1x1x16xf32>
        tpu.vector_store %arg17[%swap3A_340, %swap3A_341, %swap3A_342], %swap3A_345 {strides = array<i32>} : memref<2x100x128xf32, #tpu.memory_space<vmem>>, vector<1x1x16xf32>,
        %get3A_346 = arith.constant 0 : i32
        %get3A_347 = arith.index_cast %get3A_346 : i32 to index
        %get3A_348 = arith.index_cast %add3A_257 : i32 to index
        %get3A_349 = arith.constant 64 : index
        %get3A_350 = tpu.vector_load %arg13[%get3A_347, %get3A_348, %get3A_349] {strides = array<i32>} : memref<2x100x128xf32, #tpu.memory_space<vmem>>, vector<1x1x16xf32>,
        %get3A_351 = vector.shape_cast %get3A_350 : vector<1x1x16xf32> to vector<16xf32>
        %get3A_352 = arith.constant 0 : i32
        %get3A_353 = arith.index_cast %get3A_352 : i32 to index
        %get3A_354 = arith.index_cast %add3A_257 : i32 to index
        %get3A_355 = arith.constant 64 : index
        %get3A_356 = tpu.vector_load %arg15[%get3A_353, %get3A_354, %get3A_355] {strides = array<i32>} : memref<2x100x128xf32, #tpu.memory_space<vmem>>, vector<1x1x16xf32>,
        %get3A_357 = vector.shape_cast %get3A_356 : vector<1x1x16xf32> to vector<16xf32>
        %mul3A_358 = arith.mulf %broadcast_in_dim3A_258, %get3A_357 : vector<16xf32>
        %add3A_359 = arith.addf %get3A_351, %mul3A_358 : vector<16xf32>
        %add3A_360 = arith.addf %add3A_359, %mul3A_221 : vector<16xf32>
        %swap3A_361 = arith.constant 0 : i32
        %swap3A_362 = arith.index_cast %swap3A_361 : i32 to index
        %swap3A_363 = arith.index_cast %add3A_257 : i32 to index
        %swap3A_364 = arith.constant 64 : index
        %swap3A_365 = tpu.vector_load %arg17[%swap3A_362, %swap3A_363, %swap3A_364] {strides = array<i32>} : memref<2x100x128xf32, #tpu.memory_space<vmem>>, vector<1x1x16xf32>,
        %swap3A_366 = vector.shape_cast %swap3A_365 : vector<1x1x16xf32> to vector<16xf32>
        %swap3A_367 = vector.shape_cast %add3A_360 : vector<16xf32> to vector<1x1x16xf32>
        tpu.vector_store %arg17[%swap3A_362, %swap3A_363, %swap3A_364], %swap3A_367 {strides = array<i32>} : memref<2x100x128xf32, #tpu.memory_space<vmem>>, vector<1x1x16xf32>,
        %get3A_368 = arith.constant 0 : i32
        %get3A_369 = arith.index_cast %get3A_368 : i32 to index
        %get3A_370 = arith.index_cast %add3A_257 : i32 to index
        %get3A_371 = arith.constant 80 : index
        %get3A_372 = tpu.vector_load %arg13[%get3A_369, %get3A_370, %get3A_371] {strides = array<i32>} : memref<2x100x128xf32, #tpu.memory_space<vmem>>, vector<1x1x16xf32>,
        %get3A_373 = vector.shape_cast %get3A_372 : vector<1x1x16xf32> to vector<16xf32>
        %get3A_374 = arith.constant 0 : i32
        %get3A_375 = arith.index_cast %get3A_374 : i32 to index
        %get3A_376 = arith.index_cast %add3A_257 : i32 to index
        %get3A_377 = arith.constant 80 : index
        %get3A_378 = tpu.vector_load %arg15[%get3A_375, %get3A_376, %get3A_377] {strides = array<i32>} : memref<2x100x128xf32, #tpu.memory_space<vmem>>, vector<1x1x16xf32>,
        %get3A_379 = vector.shape_cast %get3A_378 : vector<1x1x16xf32> to vector<16xf32>
        %mul3A_380 = arith.mulf %broadcast_in_dim3A_258, %get3A_379 : vector<16xf32>
        %add3A_381 = arith.addf %get3A_373, %mul3A_380 : vector<16xf32>
        %add3A_382 = arith.addf %add3A_381, %mul3A_224 : vector<16xf32>
        %swap3A_383 = arith.constant 0 : i32
        %swap3A_384 = arith.index_cast %swap3A_383 : i32 to index
        %swap3A_385 = arith.index_cast %add3A_257 : i32 to index
        %swap3A_386 = arith.constant 80 : index
        %swap3A_387 = tpu.vector_load %arg17[%swap3A_384, %swap3A_385, %swap3A_386] {strides = array<i32>} : memref<2x100x128xf32, #tpu.memory_space<vmem>>, vector<1x1x16xf32>,
        %swap3A_388 = vector.shape_cast %swap3A_387 : vector<1x1x16xf32> to vector<16xf32>
        %swap3A_389 = vector.shape_cast %add3A_382 : vector<16xf32> to vector<1x1x16xf32>
        tpu.vector_store %arg17[%swap3A_384, %swap3A_385, %swap3A_386], %swap3A_389 {strides = array<i32>} : memref<2x100x128xf32, #tpu.memory_space<vmem>>, vector<1x1x16xf32>,
        %get3A_390 = arith.constant 0 : i32
        %get3A_391 = arith.index_cast %get3A_390 : i32 to index
        %get3A_392 = arith.index_cast %add3A_257 : i32 to index
        %get3A_393 = arith.constant 96 : index
        %get3A_394 = tpu.vector_load %arg13[%get3A_391, %get3A_392, %get3A_393] {strides = array<i32>} : memref<2x100x128xf32, #tpu.memory_space<vmem>>, vector<1x1x16xf32>,
        %get3A_395 = vector.shape_cast %get3A_394 : vector<1x1x16xf32> to vector<16xf32>
        %get3A_396 = arith.constant 0 : i32
        %get3A_397 = arith.index_cast %get3A_396 : i32 to index
        %get3A_398 = arith.index_cast %add3A_257 : i32 to index
        %get3A_399 = arith.constant 96 : index
        %get3A_400 = tpu.vector_load %arg15[%get3A_397, %get3A_398, %get3A_399] {strides = array<i32>} : memref<2x100x128xf32, #tpu.memory_space<vmem>>, vector<1x1x16xf32>,
        %get3A_401 = vector.shape_cast %get3A_400 : vector<1x1x16xf32> to vector<16xf32>
        %mul3A_402 = arith.mulf %broadcast_in_dim3A_258, %get3A_401 : vector<16xf32>
        %add3A_403 = arith.addf %get3A_395, %mul3A_402 : vector<16xf32>
        %add3A_404 = arith.addf %add3A_403, %mul3A_227 : vector<16xf32>
        %swap3A_405 = arith.constant 0 : i32
        %swap3A_406 = arith.index_cast %swap3A_405 : i32 to index
        %swap3A_407 = arith.index_cast %add3A_257 : i32 to index
        %swap3A_408 = arith.constant 96 : index
        %swap3A_409 = tpu.vector_load %arg17[%swap3A_406, %swap3A_407, %swap3A_408] {strides = array<i32>} : memref<2x100x128xf32, #tpu.memory_space<vmem>>, vector<1x1x16xf32>,
        %swap3A_410 = vector.shape_cast %swap3A_409 : vector<1x1x16xf32> to vector<16xf32>
        %swap3A_411 = vector.shape_cast %add3A_404 : vector<16xf32> to vector<1x1x16xf32>
        tpu.vector_store %arg17[%swap3A_406, %swap3A_407, %swap3A_408], %swap3A_411 {strides = array<i32>} : memref<2x100x128xf32, #tpu.memory_space<vmem>>, vector<1x1x16xf32>,
        %get3A_412 = arith.constant 0 : i32
        %get3A_413 = arith.index_cast %get3A_412 : i32 to index
        %get3A_414 = arith.index_cast %add3A_257 : i32 to index
        %get3A_415 = arith.constant 112 : index
        %get3A_416 = tpu.vector_load %arg13[%get3A_413, %get3A_414, %get3A_415] {strides = array<i32>} : memref<2x100x128xf32, #tpu.memory_space<vmem>>, vector<1x1x16xf32>,
        %get3A_417 = vector.shape_cast %get3A_416 : vector<1x1x16xf32> to vector<16xf32>
        %get3A_418 = arith.constant 0 : i32
        %get3A_419 = arith.index_cast %get3A_418 : i32 to index
        %get3A_420 = arith.index_cast %add3A_257 : i32 to index
        %get3A_421 = arith.constant 112 : index
        %get3A_422 = tpu.vector_load %arg15[%get3A_419, %get3A_420, %get3A_421] {strides = array<i32>} : memref<2x100x128xf32, #tpu.memory_space<vmem>>, vector<1x1x16xf32>,
        %get3A_423 = vector.shape_cast %get3A_422 : vector<1x1x16xf32> to vector<16xf32>
        %mul3A_424 = arith.mulf %broadcast_in_dim3A_258, %get3A_423 : vector<16xf32>
        %add3A_425 = arith.addf %get3A_417, %mul3A_424 : vector<16xf32>
        %add3A_426 = arith.addf %add3A_425, %mul3A_230 : vector<16xf32>
        %swap3A_427 = arith.constant 0 : i32
        %swap3A_428 = arith.index_cast %swap3A_427 : i32 to index
        %swap3A_429 = arith.index_cast %add3A_257 : i32 to index
        %swap3A_430 = arith.constant 112 : index
        %swap3A_431 = tpu.vector_load %arg17[%swap3A_428, %swap3A_429, %swap3A_430] {strides = array<i32>} : memref<2x100x128xf32, #tpu.memory_space<vmem>>, vector<1x1x16xf32>,
        %swap3A_432 = vector.shape_cast %swap3A_431 : vector<1x1x16xf32> to vector<16xf32>
        %swap3A_433 = vector.shape_cast %add3A_426 : vector<16xf32> to vector<1x1x16xf32>
        tpu.vector_store %arg17[%swap3A_428, %swap3A_429, %swap3A_430], %swap3A_433 {strides = array<i32>} : memref<2x100x128xf32, #tpu.memory_space<vmem>>, vector<1x1x16xf32>,
        %mul3A_434 = arith.constant 4 : i32
        %mul3A_435 = arith.muli %scan3A_246, %mul3A_434 : i32
        %add3A_436 = arith.constant 1 : i32
        %add3A_437 = arith.addi %mul3A_435, %add3A_436 : i32
        %slice3A_438 = vector.extract_strided_slice %get3A_253 {offsets = [1], sizes = [1], strides = [1]} : vector<16xf32> to vector<1xf32>
        %squeeze3A_439 = vector.extract %slice3A_438[0] : f32 from vector<1xf32>
        %broadcast_in_dim3A_440 = vector.broadcast %squeeze3A_439 : f32 to vector<16xf32>
        %get3A_441 = arith.constant 0 : i32
        %get3A_442 = arith.index_cast %get3A_441 : i32 to index
        %get3A_443 = arith.index_cast %add3A_437 : i32 to index
        %get3A_444 = arith.constant 0 : index
        %get3A_445 = tpu.vector_load %arg13[%get3A_442, %get3A_443, %get3A_444] {strides = array<i32>} : memref<2x100x128xf32, #tpu.memory_space<vmem>>, vector<1x1x16xf32>,
        %get3A_446 = vector.shape_cast %get3A_445 : vector<1x1x16xf32> to vector<16xf32>
        %get3A_447 = arith.constant 0 : i32
        %get3A_448 = arith.index_cast %get3A_447 : i32 to index
        %get3A_449 = arith.index_cast %add3A_437 : i32 to index
        %get3A_450 = arith.constant 0 : index
        %get3A_451 = tpu.vector_load %arg15[%get3A_448, %get3A_449, %get3A_450] {strides = array<i32>} : memref<2x100x128xf32, #tpu.memory_space<vmem>>, vector<1x1x16xf32>,
        %get3A_452 = vector.shape_cast %get3A_451 : vector<1x1x16xf32> to vector<16xf32>
        %mul3A_453 = arith.mulf %broadcast_in_dim3A_440, %get3A_452 : vector<16xf32>
        %add3A_454 = arith.addf %get3A_446, %mul3A_453 : vector<16xf32>
        %add3A_455 = arith.addf %add3A_454, %mul3A_209 : vector<16xf32>
        %swap3A_456 = arith.constant 0 : i32
        %swap3A_457 = arith.index_cast %swap3A_456 : i32 to index
        %swap3A_458 = arith.index_cast %add3A_437 : i32 to index
        %swap3A_459 = arith.constant 0 : index
        %swap3A_460 = tpu.vector_load %arg17[%swap3A_457, %swap3A_458, %swap3A_459] {strides = array<i32>} : memref<2x100x128xf32, #tpu.memory_space<vmem>>, vector<1x1x16xf32>,
        %swap3A_461 = vector.shape_cast %swap3A_460 : vector<1x1x16xf32> to vector<16xf32>
        %swap3A_462 = vector.shape_cast %add3A_455 : vector<16xf32> to vector<1x1x16xf32>
        tpu.vector_store %arg17[%swap3A_457, %swap3A_458, %swap3A_459], %swap3A_462 {strides = array<i32>} : memref<2x100x128xf32, #tpu.memory_space<vmem>>, vector<1x1x16xf32>,
        %get3A_463 = arith.constant 0 : i32
        %get3A_464 = arith.index_cast %get3A_463 : i32 to index
        %get3A_465 = arith.index_cast %add3A_437 : i32 to index
        %get3A_466 = arith.constant 16 : index
        %get3A_467 = tpu.vector_load %arg13[%get3A_464, %get3A_465, %get3A_466] {strides = array<i32>} : memref<2x100x128xf32, #tpu.memory_space<vmem>>, vector<1x1x16xf32>,
        %get3A_468 = vector.shape_cast %get3A_467 : vector<1x1x16xf32> to vector<16xf32>
        %get3A_469 = arith.constant 0 : i32
        %get3A_470 = arith.index_cast %get3A_469 : i32 to index
        %get3A_471 = arith.index_cast %add3A_437 : i32 to index
        %get3A_472 = arith.constant 16 : index
        %get3A_473 = tpu.vector_load %arg15[%get3A_470, %get3A_471, %get3A_472] {strides = array<i32>} : memref<2x100x128xf32, #tpu.memory_space<vmem>>, vector<1x1x16xf32>,
        %get3A_474 = vector.shape_cast %get3A_473 : vector<1x1x16xf32> to vector<16xf32>
        %mul3A_475 = arith.mulf %broadcast_in_dim3A_440, %get3A_474 : vector<16xf32>
        %add3A_476 = arith.addf %get3A_468, %mul3A_475 : vector<16xf32>
        %add3A_477 = arith.addf %add3A_476, %mul3A_212 : vector<16xf32>
        %swap3A_478 = arith.constant 0 : i32
        %swap3A_479 = arith.index_cast %swap3A_478 : i32 to index
        %swap3A_480 = arith.index_cast %add3A_437 : i32 to index
        %swap3A_481 = arith.constant 16 : index
        %swap3A_482 = tpu.vector_load %arg17[%swap3A_479, %swap3A_480, %swap3A_481] {strides = array<i32>} : memref<2x100x128xf32, #tpu.memory_space<vmem>>, vector<1x1x16xf32>,
        %swap3A_483 = vector.shape_cast %swap3A_482 : vector<1x1x16xf32> to vector<16xf32>
        %swap3A_484 = vector.shape_cast %add3A_477 : vector<16xf32> to vector<1x1x16xf32>
        tpu.vector_store %arg17[%swap3A_479, %swap3A_480, %swap3A_481], %swap3A_484 {strides = array<i32>} : memref<2x100x128xf32, #tpu.memory_space<vmem>>, vector<1x1x16xf32>,
        %get3A_485 = arith.constant 0 : i32
        %get3A_486 = arith.index_cast %get3A_485 : i32 to index
        %get3A_487 = arith.index_cast %add3A_437 : i32 to index
        %get3A_488 = arith.constant 32 : index
        %get3A_489 = tpu.vector_load %arg13[%get3A_486, %get3A_487, %get3A_488] {strides = array<i32>} : memref<2x100x128xf32, #tpu.memory_space<vmem>>, vector<1x1x16xf32>,
        %get3A_490 = vector.shape_cast %get3A_489 : vector<1x1x16xf32> to vector<16xf32>
        %get3A_491 = arith.constant 0 : i32
        %get3A_492 = arith.index_cast %get3A_491 : i32 to index
        %get3A_493 = arith.index_cast %add3A_437 : i32 to index
        %get3A_494 = arith.constant 32 : index
        %get3A_495 = tpu.vector_load %arg15[%get3A_492, %get3A_493, %get3A_494] {strides = array<i32>} : memref<2x100x128xf32, #tpu.memory_space<vmem>>, vector<1x1x16xf32>,
        %get3A_496 = vector.shape_cast %get3A_495 : vector<1x1x16xf32> to vector<16xf32>
        %mul3A_497 = arith.mulf %broadcast_in_dim3A_440, %get3A_496 : vector<16xf32>
        %add3A_498 = arith.addf %get3A_490, %mul3A_497 : vector<16xf32>
        %add3A_499 = arith.addf %add3A_498, %mul3A_215 : vector<16xf32>
        %swap3A_500 = arith.constant 0 : i32
        %swap3A_501 = arith.index_cast %swap3A_500 : i32 to index
        %swap3A_502 = arith.index_cast %add3A_437 : i32 to index
        %swap3A_503 = arith.constant 32 : index
        %swap3A_504 = tpu.vector_load %arg17[%swap3A_501, %swap3A_502, %swap3A_503] {strides = array<i32>} : memref<2x100x128xf32, #tpu.memory_space<vmem>>, vector<1x1x16xf32>,
        %swap3A_505 = vector.shape_cast %swap3A_504 : vector<1x1x16xf32> to vector<16xf32>
        %swap3A_506 = vector.shape_cast %add3A_499 : vector<16xf32> to vector<1x1x16xf32>
        tpu.vector_store %arg17[%swap3A_501, %swap3A_502, %swap3A_503], %swap3A_506 {strides = array<i32>} : memref<2x100x128xf32, #tpu.memory_space<vmem>>, vector<1x1x16xf32>,
        %get3A_507 = arith.constant 0 : i32
        %get3A_508 = arith.index_cast %get3A_507 : i32 to index
        %get3A_509 = arith.index_cast %add3A_437 : i32 to index
        %get3A_510 = arith.constant 48 : index
        %get3A_511 = tpu.vector_load %arg13[%get3A_508, %get3A_509, %get3A_510] {strides = array<i32>} : memref<2x100x128xf32, #tpu.memory_space<vmem>>, vector<1x1x16xf32>,
        %get3A_512 = vector.shape_cast %get3A_511 : vector<1x1x16xf32> to vector<16xf32>
        %get3A_513 = arith.constant 0 : i32
        %get3A_514 = arith.index_cast %get3A_513 : i32 to index
        %get3A_515 = arith.index_cast %add3A_437 : i32 to index
        %get3A_516 = arith.constant 48 : index
        %get3A_517 = tpu.vector_load %arg15[%get3A_514, %get3A_515, %get3A_516] {strides = array<i32>} : memref<2x100x128xf32, #tpu.memory_space<vmem>>, vector<1x1x16xf32>,
        %get3A_518 = vector.shape_cast %get3A_517 : vector<1x1x16xf32> to vector<16xf32>
        %mul3A_519 = arith.mulf %broadcast_in_dim3A_440, %get3A_518 : vector<16xf32>
        %add3A_520 = arith.addf %get3A_512, %mul3A_519 : vector<16xf32>
        %add3A_521 = arith.addf %add3A_520, %mul3A_218 : vector<16xf32>
        %swap3A_522 = arith.constant 0 : i32
        %swap3A_523 = arith.index_cast %swap3A_522 : i32 to index
        %swap3A_524 = arith.index_cast %add3A_437 : i32 to index
        %swap3A_525 = arith.constant 48 : index
        %swap3A_526 = tpu.vector_load %arg17[%swap3A_523, %swap3A_524, %swap3A_525] {strides = array<i32>} : memref<2x100x128xf32, #tpu.memory_space<vmem>>, vector<1x1x16xf32>,
        %swap3A_527 = vector.shape_cast %swap3A_526 : vector<1x1x16xf32> to vector<16xf32>
        %swap3A_528 = vector.shape_cast %add3A_521 : vector<16xf32> to vector<1x1x16xf32>
        tpu.vector_store %arg17[%swap3A_523, %swap3A_524, %swap3A_525], %swap3A_528 {strides = array<i32>} : memref<2x100x128xf32, #tpu.memory_space<vmem>>, vector<1x1x16xf32>,
        %get3A_529 = arith.constant 0 : i32
        %get3A_530 = arith.index_cast %get3A_529 : i32 to index
        %get3A_531 = arith.index_cast %add3A_437 : i32 to index
        %get3A_532 = arith.constant 64 : index
        %get3A_533 = tpu.vector_load %arg13[%get3A_530, %get3A_531, %get3A_532] {strides = array<i32>} : memref<2x100x128xf32, #tpu.memory_space<vmem>>, vector<1x1x16xf32>,
        %get3A_534 = vector.shape_cast %get3A_533 : vector<1x1x16xf32> to vector<16xf32>
        %get3A_535 = arith.constant 0 : i32
        %get3A_536 = arith.index_cast %get3A_535 : i32 to index
        %get3A_537 = arith.index_cast %add3A_437 : i32 to index
        %get3A_538 = arith.constant 64 : index
        %get3A_539 = tpu.vector_load %arg15[%get3A_536, %get3A_537, %get3A_538] {strides = array<i32>} : memref<2x100x128xf32, #tpu.memory_space<vmem>>, vector<1x1x16xf32>,
        %get3A_540 = vector.shape_cast %get3A_539 : vector<1x1x16xf32> to vector<16xf32>
        %mul3A_541 = arith.mulf %broadcast_in_dim3A_440, %get3A_540 : vector<16xf32>
        %add3A_542 = arith.addf %get3A_534, %mul3A_541 : vector<16xf32>
        %add3A_543 = arith.addf %add3A_542, %mul3A_221 : vector<16xf32>
        %swap3A_544 = arith.constant 0 : i32
        %swap3A_545 = arith.index_cast %swap3A_544 : i32 to index
        %swap3A_546 = arith.index_cast %add3A_437 : i32 to index
        %swap3A_547 = arith.constant 64 : index
        %swap3A_548 = tpu.vector_load %arg17[%swap3A_545, %swap3A_546, %swap3A_547] {strides = array<i32>} : memref<2x100x128xf32, #tpu.memory_space<vmem>>, vector<1x1x16xf32>,
        %swap3A_549 = vector.shape_cast %swap3A_548 : vector<1x1x16xf32> to vector<16xf32>
        %swap3A_550 = vector.shape_cast %add3A_543 : vector<16xf32> to vector<1x1x16xf32>
        tpu.vector_store %arg17[%swap3A_545, %swap3A_546, %swap3A_547], %swap3A_550 {strides = array<i32>} : memref<2x100x128xf32, #tpu.memory_space<vmem>>, vector<1x1x16xf32>,
        %get3A_551 = arith.constant 0 : i32
        %get3A_552 = arith.index_cast %get3A_551 : i32 to index
        %get3A_553 = arith.index_cast %add3A_437 : i32 to index
        %get3A_554 = arith.constant 80 : index
        %get3A_555 = tpu.vector_load %arg13[%get3A_552, %get3A_553, %get3A_554] {strides = array<i32>} : memref<2x100x128xf32, #tpu.memory_space<vmem>>, vector<1x1x16xf32>,
        %get3A_556 = vector.shape_cast %get3A_555 : vector<1x1x16xf32> to vector<16xf32>
        %get3A_557 = arith.constant 0 : i32
        %get3A_558 = arith.index_cast %get3A_557 : i32 to index
        %get3A_559 = arith.index_cast %add3A_437 : i32 to index
        %get3A_560 = arith.constant 80 : index
        %get3A_561 = tpu.vector_load %arg15[%get3A_558, %get3A_559, %get3A_560] {strides = array<i32>} : memref<2x100x128xf32, #tpu.memory_space<vmem>>, vector<1x1x16xf32>,
        %get3A_562 = vector.shape_cast %get3A_561 : vector<1x1x16xf32> to vector<16xf32>
        %mul3A_563 = arith.mulf %broadcast_in_dim3A_440, %get3A_562 : vector<16xf32>
        %add3A_564 = arith.addf %get3A_556, %mul3A_563 : vector<16xf32>
        %add3A_565 = arith.addf %add3A_564, %mul3A_224 : vector<16xf32>
        %swap3A_566 = arith.constant 0 : i32
        %swap3A_567 = arith.index_cast %swap3A_566 : i32 to index
        %swap3A_568 = arith.index_cast %add3A_437 : i32 to index
        %swap3A_569 = arith.constant 80 : index
        %swap3A_570 = tpu.vector_load %arg17[%swap3A_567, %swap3A_568, %swap3A_569] {strides = array<i32>} : memref<2x100x128xf32, #tpu.memory_space<vmem>>, vector<1x1x16xf32>,
        %swap3A_571 = vector.shape_cast %swap3A_570 : vector<1x1x16xf32> to vector<16xf32>
        %swap3A_572 = vector.shape_cast %add3A_565 : vector<16xf32> to vector<1x1x16xf32>
        tpu.vector_store %arg17[%swap3A_567, %swap3A_568, %swap3A_569], %swap3A_572 {strides = array<i32>} : memref<2x100x128xf32, #tpu.memory_space<vmem>>, vector<1x1x16xf32>,
        %get3A_573 = arith.constant 0 : i32
        %get3A_574 = arith.index_cast %get3A_573 : i32 to index
        %get3A_575 = arith.index_cast %add3A_437 : i32 to index
        %get3A_576 = arith.constant 96 : index
        %get3A_577 = tpu.vector_load %arg13[%get3A_574, %get3A_575, %get3A_576] {strides = array<i32>} : memref<2x100x128xf32, #tpu.memory_space<vmem>>, vector<1x1x16xf32>,
        %get3A_578 = vector.shape_cast %get3A_577 : vector<1x1x16xf32> to vector<16xf32>
        %get3A_579 = arith.constant 0 : i32
        %get3A_580 = arith.index_cast %get3A_579 : i32 to index
        %get3A_581 = arith.index_cast %add3A_437 : i32 to index
        %get3A_582 = arith.constant 96 : index
        %get3A_583 = tpu.vector_load %arg15[%get3A_580, %get3A_581, %get3A_582] {strides = array<i32>} : memref<2x100x128xf32, #tpu.memory_space<vmem>>, vector<1x1x16xf32>,
        %get3A_584 = vector.shape_cast %get3A_583 : vector<1x1x16xf32> to vector<16xf32>
        %mul3A_585 = arith.mulf %broadcast_in_dim3A_440, %get3A_584 : vector<16xf32>
        %add3A_586 = arith.addf %get3A_578, %mul3A_585 : vector<16xf32>
        %add3A_587 = arith.addf %add3A_586, %mul3A_227 : vector<16xf32>
        %swap3A_588 = arith.constant 0 : i32
        %swap3A_589 = arith.index_cast %swap3A_588 : i32 to index
        %swap3A_590 = arith.index_cast %add3A_437 : i32 to index
        %swap3A_591 = arith.constant 96 : index
        %swap3A_592 = tpu.vector_load %arg17[%swap3A_589, %swap3A_590, %swap3A_591] {strides = array<i32>} : memref<2x100x128xf32, #tpu.memory_space<vmem>>, vector<1x1x16xf32>,
        %swap3A_593 = vector.shape_cast %swap3A_592 : vector<1x1x16xf32> to vector<16xf32>
        %swap3A_594 = vector.shape_cast %add3A_587 : vector<16xf32> to vector<1x1x16xf32>
        tpu.vector_store %arg17[%swap3A_589, %swap3A_590, %swap3A_591], %swap3A_594 {strides = array<i32>} : memref<2x100x128xf32, #tpu.memory_space<vmem>>, vector<1x1x16xf32>,
        %get3A_595 = arith.constant 0 : i32
        %get3A_596 = arith.index_cast %get3A_595 : i32 to index
        %get3A_597 = arith.index_cast %add3A_437 : i32 to index
        %get3A_598 = arith.constant 112 : index
        %get3A_599 = tpu.vector_load %arg13[%get3A_596, %get3A_597, %get3A_598] {strides = array<i32>} : memref<2x100x128xf32, #tpu.memory_space<vmem>>, vector<1x1x16xf32>,
        %get3A_600 = vector.shape_cast %get3A_599 : vector<1x1x16xf32> to vector<16xf32>
        %get3A_601 = arith.constant 0 : i32
        %get3A_602 = arith.index_cast %get3A_601 : i32 to index
        %get3A_603 = arith.index_cast %add3A_437 : i32 to index
        %get3A_604 = arith.constant 112 : index
        %get3A_605 = tpu.vector_load %arg15[%get3A_602, %get3A_603, %get3A_604] {strides = array<i32>} : memref<2x100x128xf32, #tpu.memory_space<vmem>>, vector<1x1x16xf32>,
        %get3A_606 = vector.shape_cast %get3A_605 : vector<1x1x16xf32> to vector<16xf32>
        %mul3A_607 = arith.mulf %broadcast_in_dim3A_440, %get3A_606 : vector<16xf32>
        %add3A_608 = arith.addf %get3A_600, %mul3A_607 : vector<16xf32>
        %add3A_609 = arith.addf %add3A_608, %mul3A_230 : vector<16xf32>
        %swap3A_610 = arith.constant 0 : i32
        %swap3A_611 = arith.index_cast %swap3A_610 : i32 to index
        %swap3A_612 = arith.index_cast %add3A_437 : i32 to index
        %swap3A_613 = arith.constant 112 : index
        %swap3A_614 = tpu.vector_load %arg17[%swap3A_611, %swap3A_612, %swap3A_613] {strides = array<i32>} : memref<2x100x128xf32, #tpu.memory_space<vmem>>, vector<1x1x16xf32>,
        %swap3A_615 = vector.shape_cast %swap3A_614 : vector<1x1x16xf32> to vector<16xf32>
        %swap3A_616 = vector.shape_cast %add3A_609 : vector<16xf32> to vector<1x1x16xf32>
        tpu.vector_store %arg17[%swap3A_611, %swap3A_612, %swap3A_613], %swap3A_616 {strides = array<i32>} : memref<2x100x128xf32, #tpu.memory_space<vmem>>, vector<1x1x16xf32>,
        %mul3A_617 = arith.constant 4 : i32
        %mul3A_618 = arith.muli %scan3A_246, %mul3A_617 : i32
        %add3A_619 = arith.constant 2 : i32
        %add3A_620 = arith.addi %mul3A_618, %add3A_619 : i32
        %slice3A_621 = vector.extract_strided_slice %get3A_253 {offsets = [2], sizes = [1], strides = [1]} : vector<16xf32> to vector<1xf32>
        %squeeze3A_622 = vector.extract %slice3A_621[0] : f32 from vector<1xf32>
        %broadcast_in_dim3A_623 = vector.broadcast %squeeze3A_622 : f32 to vector<16xf32>
        %get3A_624 = arith.constant 0 : i32
        %get3A_625 = arith.index_cast %get3A_624 : i32 to index
        %get3A_626 = arith.index_cast %add3A_620 : i32 to index
        %get3A_627 = arith.constant 0 : index
        %get3A_628 = tpu.vector_load %arg13[%get3A_625, %get3A_626, %get3A_627] {strides = array<i32>} : memref<2x100x128xf32, #tpu.memory_space<vmem>>, vector<1x1x16xf32>,
        %get3A_629 = vector.shape_cast %get3A_628 : vector<1x1x16xf32> to vector<16xf32>
        %get3A_630 = arith.constant 0 : i32
        %get3A_631 = arith.index_cast %get3A_630 : i32 to index
        %get3A_632 = arith.index_cast %add3A_620 : i32 to index
        %get3A_633 = arith.constant 0 : index
        %get3A_634 = tpu.vector_load %arg15[%get3A_631, %get3A_632, %get3A_633] {strides = array<i32>} : memref<2x100x128xf32, #tpu.memory_space<vmem>>, vector<1x1x16xf32>,
        %get3A_635 = vector.shape_cast %get3A_634 : vector<1x1x16xf32> to vector<16xf32>
        %mul3A_636 = arith.mulf %broadcast_in_dim3A_623, %get3A_635 : vector<16xf32>
        %add3A_637 = arith.addf %get3A_629, %mul3A_636 : vector<16xf32>
        %add3A_638 = arith.addf %add3A_637, %mul3A_209 : vector<16xf32>
        %swap3A_639 = arith.constant 0 : i32
        %swap3A_640 = arith.index_cast %swap3A_639 : i32 to index
        %swap3A_641 = arith.index_cast %add3A_620 : i32 to index
        %swap3A_642 = arith.constant 0 : index
        %swap3A_643 = tpu.vector_load %arg17[%swap3A_640, %swap3A_641, %swap3A_642] {strides = array<i32>} : memref<2x100x128xf32, #tpu.memory_space<vmem>>, vector<1x1x16xf32>,
        %swap3A_644 = vector.shape_cast %swap3A_643 : vector<1x1x16xf32> to vector<16xf32>
        %swap3A_645 = vector.shape_cast %add3A_638 : vector<16xf32> to vector<1x1x16xf32>
        tpu.vector_store %arg17[%swap3A_640, %swap3A_641, %swap3A_642], %swap3A_645 {strides = array<i32>} : memref<2x100x128xf32, #tpu.memory_space<vmem>>, vector<1x1x16xf32>,
        %get3A_646 = arith.constant 0 : i32
        %get3A_647 = arith.index_cast %get3A_646 : i32 to index
        %get3A_648 = arith.index_cast %add3A_620 : i32 to index
        %get3A_649 = arith.constant 16 : index
        %get3A_650 = tpu.vector_load %arg13[%get3A_647, %get3A_648, %get3A_649] {strides = array<i32>} : memref<2x100x128xf32, #tpu.memory_space<vmem>>, vector<1x1x16xf32>,
        %get3A_651 = vector.shape_cast %get3A_650 : vector<1x1x16xf32> to vector<16xf32>
        %get3A_652 = arith.constant 0 : i32
        %get3A_653 = arith.index_cast %get3A_652 : i32 to index
        %get3A_654 = arith.index_cast %add3A_620 : i32 to index
        %get3A_655 = arith.constant 16 : index
        %get3A_656 = tpu.vector_load %arg15[%get3A_653, %get3A_654, %get3A_655] {strides = array<i32>} : memref<2x100x128xf32, #tpu.memory_space<vmem>>, vector<1x1x16xf32>,
        %get3A_657 = vector.shape_cast %get3A_656 : vector<1x1x16xf32> to vector<16xf32>
        %mul3A_658 = arith.mulf %broadcast_in_dim3A_623, %get3A_657 : vector<16xf32>
        %add3A_659 = arith.addf %get3A_651, %mul3A_658 : vector<16xf32>
        %add3A_660 = arith.addf %add3A_659, %mul3A_212 : vector<16xf32>
        %swap3A_661 = arith.constant 0 : i32
        %swap3A_662 = arith.index_cast %swap3A_661 : i32 to index
        %swap3A_663 = arith.index_cast %add3A_620 : i32 to index
        %swap3A_664 = arith.constant 16 : index
        %swap3A_665 = tpu.vector_load %arg17[%swap3A_662, %swap3A_663, %swap3A_664] {strides = array<i32>} : memref<2x100x128xf32, #tpu.memory_space<vmem>>, vector<1x1x16xf32>,
        %swap3A_666 = vector.shape_cast %swap3A_665 : vector<1x1x16xf32> to vector<16xf32>
        %swap3A_667 = vector.shape_cast %add3A_660 : vector<16xf32> to vector<1x1x16xf32>
        tpu.vector_store %arg17[%swap3A_662, %swap3A_663, %swap3A_664], %swap3A_667 {strides = array<i32>} : memref<2x100x128xf32, #tpu.memory_space<vmem>>, vector<1x1x16xf32>,
        %get3A_668 = arith.constant 0 : i32
        %get3A_669 = arith.index_cast %get3A_668 : i32 to index
        %get3A_670 = arith.index_cast %add3A_620 : i32 to index
        %get3A_671 = arith.constant 32 : index
        %get3A_672 = tpu.vector_load %arg13[%get3A_669, %get3A_670, %get3A_671] {strides = array<i32>} : memref<2x100x128xf32, #tpu.memory_space<vmem>>, vector<1x1x16xf32>,
        %get3A_673 = vector.shape_cast %get3A_672 : vector<1x1x16xf32> to vector<16xf32>
        %get3A_674 = arith.constant 0 : i32
        %get3A_675 = arith.index_cast %get3A_674 : i32 to index
        %get3A_676 = arith.index_cast %add3A_620 : i32 to index
        %get3A_677 = arith.constant 32 : index
        %get3A_678 = tpu.vector_load %arg15[%get3A_675, %get3A_676, %get3A_677] {strides = array<i32>} : memref<2x100x128xf32, #tpu.memory_space<vmem>>, vector<1x1x16xf32>,
        %get3A_679 = vector.shape_cast %get3A_678 : vector<1x1x16xf32> to vector<16xf32>
        %mul3A_680 = arith.mulf %broadcast_in_dim3A_623, %get3A_679 : vector<16xf32>
        %add3A_681 = arith.addf %get3A_673, %mul3A_680 : vector<16xf32>
        %add3A_682 = arith.addf %add3A_681, %mul3A_215 : vector<16xf32>
        %swap3A_683 = arith.constant 0 : i32
        %swap3A_684 = arith.index_cast %swap3A_683 : i32 to index
        %swap3A_685 = arith.index_cast %add3A_620 : i32 to index
        %swap3A_686 = arith.constant 32 : index
        %swap3A_687 = tpu.vector_load %arg17[%swap3A_684, %swap3A_685, %swap3A_686] {strides = array<i32>} : memref<2x100x128xf32, #tpu.memory_space<vmem>>, vector<1x1x16xf32>,
        %swap3A_688 = vector.shape_cast %swap3A_687 : vector<1x1x16xf32> to vector<16xf32>
        %swap3A_689 = vector.shape_cast %add3A_682 : vector<16xf32> to vector<1x1x16xf32>
        tpu.vector_store %arg17[%swap3A_684, %swap3A_685, %swap3A_686], %swap3A_689 {strides = array<i32>} : memref<2x100x128xf32, #tpu.memory_space<vmem>>, vector<1x1x16xf32>,
        %get3A_690 = arith.constant 0 : i32
        %get3A_691 = arith.index_cast %get3A_690 : i32 to index
        %get3A_692 = arith.index_cast %add3A_620 : i32 to index
        %get3A_693 = arith.constant 48 : index
        %get3A_694 = tpu.vector_load %arg13[%get3A_691, %get3A_692, %get3A_693] {strides = array<i32>} : memref<2x100x128xf32, #tpu.memory_space<vmem>>, vector<1x1x16xf32>,
        %get3A_695 = vector.shape_cast %get3A_694 : vector<1x1x16xf32> to vector<16xf32>
        %get3A_696 = arith.constant 0 : i32
        %get3A_697 = arith.index_cast %get3A_696 : i32 to index
        %get3A_698 = arith.index_cast %add3A_620 : i32 to index
        %get3A_699 = arith.constant 48 : index
        %get3A_700 = tpu.vector_load %arg15[%get3A_697, %get3A_698, %get3A_699] {strides = array<i32>} : memref<2x100x128xf32, #tpu.memory_space<vmem>>, vector<1x1x16xf32>,
        %get3A_701 = vector.shape_cast %get3A_700 : vector<1x1x16xf32> to vector<16xf32>
        %mul3A_702 = arith.mulf %broadcast_in_dim3A_623, %get3A_701 : vector<16xf32>
        %add3A_703 = arith.addf %get3A_695, %mul3A_702 : vector<16xf32>
        %add3A_704 = arith.addf %add3A_703, %mul3A_218 : vector<16xf32>
        %swap3A_705 = arith.constant 0 : i32
        %swap3A_706 = arith.index_cast %swap3A_705 : i32 to index
        %swap3A_707 = arith.index_cast %add3A_620 : i32 to index
        %swap3A_708 = arith.constant 48 : index
        %swap3A_709 = tpu.vector_load %arg17[%swap3A_706, %swap3A_707, %swap3A_708] {strides = array<i32>} : memref<2x100x128xf32, #tpu.memory_space<vmem>>, vector<1x1x16xf32>,
        %swap3A_710 = vector.shape_cast %swap3A_709 : vector<1x1x16xf32> to vector<16xf32>
        %swap3A_711 = vector.shape_cast %add3A_704 : vector<16xf32> to vector<1x1x16xf32>
        tpu.vector_store %arg17[%swap3A_706, %swap3A_707, %swap3A_708], %swap3A_711 {strides = array<i32>} : memref<2x100x128xf32, #tpu.memory_space<vmem>>, vector<1x1x16xf32>,
        %get3A_712 = arith.constant 0 : i32
        %get3A_713 = arith.index_cast %get3A_712 : i32 to index
        %get3A_714 = arith.index_cast %add3A_620 : i32 to index
        %get3A_715 = arith.constant 64 : index
        %get3A_716 = tpu.vector_load %arg13[%get3A_713, %get3A_714, %get3A_715] {strides = array<i32>} : memref<2x100x128xf32, #tpu.memory_space<vmem>>, vector<1x1x16xf32>,
        %get3A_717 = vector.shape_cast %get3A_716 : vector<1x1x16xf32> to vector<16xf32>
        %get3A_718 = arith.constant 0 : i32
        %get3A_719 = arith.index_cast %get3A_718 : i32 to index
        %get3A_720 = arith.index_cast %add3A_620 : i32 to index
        %get3A_721 = arith.constant 64 : index
        %get3A_722 = tpu.vector_load %arg15[%get3A_719, %get3A_720, %get3A_721] {strides = array<i32>} : memref<2x100x128xf32, #tpu.memory_space<vmem>>, vector<1x1x16xf32>,
        %get3A_723 = vector.shape_cast %get3A_722 : vector<1x1x16xf32> to vector<16xf32>
        %mul3A_724 = arith.mulf %broadcast_in_dim3A_623, %get3A_723 : vector<16xf32>
        %add3A_725 = arith.addf %get3A_717, %mul3A_724 : vector<16xf32>
        %add3A_726 = arith.addf %add3A_725, %mul3A_221 : vector<16xf32>
        %swap3A_727 = arith.constant 0 : i32
        %swap3A_728 = arith.index_cast %swap3A_727 : i32 to index
        %swap3A_729 = arith.index_cast %add3A_620 : i32 to index
        %swap3A_730 = arith.constant 64 : index
        %swap3A_731 = tpu.vector_load %arg17[%swap3A_728, %swap3A_729, %swap3A_730] {strides = array<i32>} : memref<2x100x128xf32, #tpu.memory_space<vmem>>, vector<1x1x16xf32>,
        %swap3A_732 = vector.shape_cast %swap3A_731 : vector<1x1x16xf32> to vector<16xf32>
        %swap3A_733 = vector.shape_cast %add3A_726 : vector<16xf32> to vector<1x1x16xf32>
        tpu.vector_store %arg17[%swap3A_728, %swap3A_729, %swap3A_730], %swap3A_733 {strides = array<i32>} : memref<2x100x128xf32, #tpu.memory_space<vmem>>, vector<1x1x16xf32>,
        %get3A_734 = arith.constant 0 : i32
        %get3A_735 = arith.index_cast %get3A_734 : i32 to index
        %get3A_736 = arith.index_cast %add3A_620 : i32 to index
        %get3A_737 = arith.constant 80 : index
        %get3A_738 = tpu.vector_load %arg13[%get3A_735, %get3A_736, %get3A_737] {strides = array<i32>} : memref<2x100x128xf32, #tpu.memory_space<vmem>>, vector<1x1x16xf32>,
        %get3A_739 = vector.shape_cast %get3A_738 : vector<1x1x16xf32> to vector<16xf32>
        %get3A_740 = arith.constant 0 : i32
        %get3A_741 = arith.index_cast %get3A_740 : i32 to index
        %get3A_742 = arith.index_cast %add3A_620 : i32 to index
        %get3A_743 = arith.constant 80 : index
        %get3A_744 = tpu.vector_load %arg15[%get3A_741, %get3A_742, %get3A_743] {strides = array<i32>} : memref<2x100x128xf32, #tpu.memory_space<vmem>>, vector<1x1x16xf32>,
        %get3A_745 = vector.shape_cast %get3A_744 : vector<1x1x16xf32> to vector<16xf32>
        %mul3A_746 = arith.mulf %broadcast_in_dim3A_623, %get3A_745 : vector<16xf32>
        %add3A_747 = arith.addf %get3A_739, %mul3A_746 : vector<16xf32>
        %add3A_748 = arith.addf %add3A_747, %mul3A_224 : vector<16xf32>
        %swap3A_749 = arith.constant 0 : i32
        %swap3A_750 = arith.index_cast %swap3A_749 : i32 to index
        %swap3A_751 = arith.index_cast %add3A_620 : i32 to index
        %swap3A_752 = arith.constant 80 : index
        %swap3A_753 = tpu.vector_load %arg17[%swap3A_750, %swap3A_751, %swap3A_752] {strides = array<i32>} : memref<2x100x128xf32, #tpu.memory_space<vmem>>, vector<1x1x16xf32>,
        %swap3A_754 = vector.shape_cast %swap3A_753 : vector<1x1x16xf32> to vector<16xf32>
        %swap3A_755 = vector.shape_cast %add3A_748 : vector<16xf32> to vector<1x1x16xf32>
        tpu.vector_store %arg17[%swap3A_750, %swap3A_751, %swap3A_752], %swap3A_755 {strides = array<i32>} : memref<2x100x128xf32, #tpu.memory_space<vmem>>, vector<1x1x16xf32>,
        %get3A_756 = arith.constant 0 : i32
        %get3A_757 = arith.index_cast %get3A_756 : i32 to index
        %get3A_758 = arith.index_cast %add3A_620 : i32 to index
        %get3A_759 = arith.constant 96 : index
        %get3A_760 = tpu.vector_load %arg13[%get3A_757, %get3A_758, %get3A_759] {strides = array<i32>} : memref<2x100x128xf32, #tpu.memory_space<vmem>>, vector<1x1x16xf32>,
        %get3A_761 = vector.shape_cast %get3A_760 : vector<1x1x16xf32> to vector<16xf32>
        %get3A_762 = arith.constant 0 : i32
        %get3A_763 = arith.index_cast %get3A_762 : i32 to index
        %get3A_764 = arith.index_cast %add3A_620 : i32 to index
        %get3A_765 = arith.constant 96 : index
        %get3A_766 = tpu.vector_load %arg15[%get3A_763, %get3A_764, %get3A_765] {strides = array<i32>} : memref<2x100x128xf32, #tpu.memory_space<vmem>>, vector<1x1x16xf32>,
        %get3A_767 = vector.shape_cast %get3A_766 : vector<1x1x16xf32> to vector<16xf32>
        %mul3A_768 = arith.mulf %broadcast_in_dim3A_623, %get3A_767 : vector<16xf32>
        %add3A_769 = arith.addf %get3A_761, %mul3A_768 : vector<16xf32>
        %add3A_770 = arith.addf %add3A_769, %mul3A_227 : vector<16xf32>
        %swap3A_771 = arith.constant 0 : i32
        %swap3A_772 = arith.index_cast %swap3A_771 : i32 to index
        %swap3A_773 = arith.index_cast %add3A_620 : i32 to index
        %swap3A_774 = arith.constant 96 : index
        %swap3A_775 = tpu.vector_load %arg17[%swap3A_772, %swap3A_773, %swap3A_774] {strides = array<i32>} : memref<2x100x128xf32, #tpu.memory_space<vmem>>, vector<1x1x16xf32>,
        %swap3A_776 = vector.shape_cast %swap3A_775 : vector<1x1x16xf32> to vector<16xf32>
        %swap3A_777 = vector.shape_cast %add3A_770 : vector<16xf32> to vector<1x1x16xf32>
        tpu.vector_store %arg17[%swap3A_772, %swap3A_773, %swap3A_774], %swap3A_777 {strides = array<i32>} : memref<2x100x128xf32, #tpu.memory_space<vmem>>, vector<1x1x16xf32>,
        %get3A_778 = arith.constant 0 : i32
        %get3A_779 = arith.index_cast %get3A_778 : i32 to index
        %get3A_780 = arith.index_cast %add3A_620 : i32 to index
        %get3A_781 = arith.constant 112 : index
        %get3A_782 = tpu.vector_load %arg13[%get3A_779, %get3A_780, %get3A_781] {strides = array<i32>} : memref<2x100x128xf32, #tpu.memory_space<vmem>>, vector<1x1x16xf32>,
        %get3A_783 = vector.shape_cast %get3A_782 : vector<1x1x16xf32> to vector<16xf32>
        %get3A_784 = arith.constant 0 : i32
        %get3A_785 = arith.index_cast %get3A_784 : i32 to index
        %get3A_786 = arith.index_cast %add3A_620 : i32 to index
        %get3A_787 = arith.constant 112 : index
        %get3A_788 = tpu.vector_load %arg15[%get3A_785, %get3A_786, %get3A_787] {strides = array<i32>} : memref<2x100x128xf32, #tpu.memory_space<vmem>>, vector<1x1x16xf32>,
        %get3A_789 = vector.shape_cast %get3A_788 : vector<1x1x16xf32> to vector<16xf32>
        %mul3A_790 = arith.mulf %broadcast_in_dim3A_623, %get3A_789 : vector<16xf32>
        %add3A_791 = arith.addf %get3A_783, %mul3A_790 : vector<16xf32>
        %add3A_792 = arith.addf %add3A_791, %mul3A_230 : vector<16xf32>
        %swap3A_793 = arith.constant 0 : i32
        %swap3A_794 = arith.index_cast %swap3A_793 : i32 to index
        %swap3A_795 = arith.index_cast %add3A_620 : i32 to index
        %swap3A_796 = arith.constant 112 : index
        %swap3A_797 = tpu.vector_load %arg17[%swap3A_794, %swap3A_795, %swap3A_796] {strides = array<i32>} : memref<2x100x128xf32, #tpu.memory_space<vmem>>, vector<1x1x16xf32>,
        %swap3A_798 = vector.shape_cast %swap3A_797 : vector<1x1x16xf32> to vector<16xf32>
        %swap3A_799 = vector.shape_cast %add3A_792 : vector<16xf32> to vector<1x1x16xf32>
        tpu.vector_store %arg17[%swap3A_794, %swap3A_795, %swap3A_796], %swap3A_799 {strides = array<i32>} : memref<2x100x128xf32, #tpu.memory_space<vmem>>, vector<1x1x16xf32>,
        %mul3A_800 = arith.constant 4 : i32
        %mul3A_801 = arith.muli %scan3A_246, %mul3A_800 : i32
        %add3A_802 = arith.constant 3 : i32
        %add3A_803 = arith.addi %mul3A_801, %add3A_802 : i32
        %slice3A_804 = vector.extract_strided_slice %get3A_253 {offsets = [3], sizes = [1], strides = [1]} : vector<16xf32> to vector<1xf32>
        %squeeze3A_805 = vector.extract %slice3A_804[0] : f32 from vector<1xf32>
        %broadcast_in_dim3A_806 = vector.broadcast %squeeze3A_805 : f32 to vector<16xf32>
        %get3A_807 = arith.constant 0 : i32
        %get3A_808 = arith.index_cast %get3A_807 : i32 to index
        %get3A_809 = arith.index_cast %add3A_803 : i32 to index
        %get3A_810 = arith.constant 0 : index
        %get3A_811 = tpu.vector_load %arg13[%get3A_808, %get3A_809, %get3A_810] {strides = array<i32>} : memref<2x100x128xf32, #tpu.memory_space<vmem>>, vector<1x1x16xf32>,
        %get3A_812 = vector.shape_cast %get3A_811 : vector<1x1x16xf32> to vector<16xf32>
        %get3A_813 = arith.constant 0 : i32
        %get3A_814 = arith.index_cast %get3A_813 : i32 to index
        %get3A_815 = arith.index_cast %add3A_803 : i32 to index
        %get3A_816 = arith.constant 0 : index
        %get3A_817 = tpu.vector_load %arg15[%get3A_814, %get3A_815, %get3A_816] {strides = array<i32>} : memref<2x100x128xf32, #tpu.memory_space<vmem>>, vector<1x1x16xf32>,
        %get3A_818 = vector.shape_cast %get3A_817 : vector<1x1x16xf32> to vector<16xf32>
        %mul3A_819 = arith.mulf %broadcast_in_dim3A_806, %get3A_818 : vector<16xf32>
        %add3A_820 = arith.addf %get3A_812, %mul3A_819 : vector<16xf32>
        %add3A_821 = arith.addf %add3A_820, %mul3A_209 : vector<16xf32>
        %swap3A_822 = arith.constant 0 : i32
        %swap3A_823 = arith.index_cast %swap3A_822 : i32 to index
        %swap3A_824 = arith.index_cast %add3A_803 : i32 to index
        %swap3A_825 = arith.constant 0 : index
        %swap3A_826 = tpu.vector_load %arg17[%swap3A_823, %swap3A_824, %swap3A_825] {strides = array<i32>} : memref<2x100x128xf32, #tpu.memory_space<vmem>>, vector<1x1x16xf32>,
        %swap3A_827 = vector.shape_cast %swap3A_826 : vector<1x1x16xf32> to vector<16xf32>
        %swap3A_828 = vector.shape_cast %add3A_821 : vector<16xf32> to vector<1x1x16xf32>
        tpu.vector_store %arg17[%swap3A_823, %swap3A_824, %swap3A_825], %swap3A_828 {strides = array<i32>} : memref<2x100x128xf32, #tpu.memory_space<vmem>>, vector<1x1x16xf32>,
        %get3A_829 = arith.constant 0 : i32
        %get3A_830 = arith.index_cast %get3A_829 : i32 to index
        %get3A_831 = arith.index_cast %add3A_803 : i32 to index
        %get3A_832 = arith.constant 16 : index
        %get3A_833 = tpu.vector_load %arg13[%get3A_830, %get3A_831, %get3A_832] {strides = array<i32>} : memref<2x100x128xf32, #tpu.memory_space<vmem>>, vector<1x1x16xf32>,
        %get3A_834 = vector.shape_cast %get3A_833 : vector<1x1x16xf32> to vector<16xf32>
        %get3A_835 = arith.constant 0 : i32
        %get3A_836 = arith.index_cast %get3A_835 : i32 to index
        %get3A_837 = arith.index_cast %add3A_803 : i32 to index
        %get3A_838 = arith.constant 16 : index
        %get3A_839 = tpu.vector_load %arg15[%get3A_836, %get3A_837, %get3A_838] {strides = array<i32>} : memref<2x100x128xf32, #tpu.memory_space<vmem>>, vector<1x1x16xf32>,
        %get3A_840 = vector.shape_cast %get3A_839 : vector<1x1x16xf32> to vector<16xf32>
        %mul3A_841 = arith.mulf %broadcast_in_dim3A_806, %get3A_840 : vector<16xf32>
        %add3A_842 = arith.addf %get3A_834, %mul3A_841 : vector<16xf32>
        %add3A_843 = arith.addf %add3A_842, %mul3A_212 : vector<16xf32>
        %swap3A_844 = arith.constant 0 : i32
        %swap3A_845 = arith.index_cast %swap3A_844 : i32 to index
        %swap3A_846 = arith.index_cast %add3A_803 : i32 to index
        %swap3A_847 = arith.constant 16 : index
        %swap3A_848 = tpu.vector_load %arg17[%swap3A_845, %swap3A_846, %swap3A_847] {strides = array<i32>} : memref<2x100x128xf32, #tpu.memory_space<vmem>>, vector<1x1x16xf32>,
        %swap3A_849 = vector.shape_cast %swap3A_848 : vector<1x1x16xf32> to vector<16xf32>
        %swap3A_850 = vector.shape_cast %add3A_843 : vector<16xf32> to vector<1x1x16xf32>
        tpu.vector_store %arg17[%swap3A_845, %swap3A_846, %swap3A_847], %swap3A_850 {strides = array<i32>} : memref<2x100x128xf32, #tpu.memory_space<vmem>>, vector<1x1x16xf32>,
        %get3A_851 = arith.constant 0 : i32
        %get3A_852 = arith.index_cast %get3A_851 : i32 to index
        %get3A_853 = arith.index_cast %add3A_803 : i32 to index
        %get3A_854 = arith.constant 32 : index
        %get3A_855 = tpu.vector_load %arg13[%get3A_852, %get3A_853, %get3A_854] {strides = array<i32>} : memref<2x100x128xf32, #tpu.memory_space<vmem>>, vector<1x1x16xf32>,
        %get3A_856 = vector.shape_cast %get3A_855 : vector<1x1x16xf32> to vector<16xf32>
        %get3A_857 = arith.constant 0 : i32
        %get3A_858 = arith.index_cast %get3A_857 : i32 to index
        %get3A_859 = arith.index_cast %add3A_803 : i32 to index
        %get3A_860 = arith.constant 32 : index
        %get3A_861 = tpu.vector_load %arg15[%get3A_858, %get3A_859, %get3A_860] {strides = array<i32>} : memref<2x100x128xf32, #tpu.memory_space<vmem>>, vector<1x1x16xf32>,
        %get3A_862 = vector.shape_cast %get3A_861 : vector<1x1x16xf32> to vector<16xf32>
        %mul3A_863 = arith.mulf %broadcast_in_dim3A_806, %get3A_862 : vector<16xf32>
        %add3A_864 = arith.addf %get3A_856, %mul3A_863 : vector<16xf32>
        %add3A_865 = arith.addf %add3A_864, %mul3A_215 : vector<16xf32>
        %swap3A_866 = arith.constant 0 : i32
        %swap3A_867 = arith.index_cast %swap3A_866 : i32 to index
        %swap3A_868 = arith.index_cast %add3A_803 : i32 to index
        %swap3A_869 = arith.constant 32 : index
        %swap3A_870 = tpu.vector_load %arg17[%swap3A_867, %swap3A_868, %swap3A_869] {strides = array<i32>} : memref<2x100x128xf32, #tpu.memory_space<vmem>>, vector<1x1x16xf32>,
        %swap3A_871 = vector.shape_cast %swap3A_870 : vector<1x1x16xf32> to vector<16xf32>
        %swap3A_872 = vector.shape_cast %add3A_865 : vector<16xf32> to vector<1x1x16xf32>
        tpu.vector_store %arg17[%swap3A_867, %swap3A_868, %swap3A_869], %swap3A_872 {strides = array<i32>} : memref<2x100x128xf32, #tpu.memory_space<vmem>>, vector<1x1x16xf32>,
        %get3A_873 = arith.constant 0 : i32
        %get3A_874 = arith.index_cast %get3A_873 : i32 to index
        %get3A_875 = arith.index_cast %add3A_803 : i32 to index
        %get3A_876 = arith.constant 48 : index
        %get3A_877 = tpu.vector_load %arg13[%get3A_874, %get3A_875, %get3A_876] {strides = array<i32>} : memref<2x100x128xf32, #tpu.memory_space<vmem>>, vector<1x1x16xf32>,
        %get3A_878 = vector.shape_cast %get3A_877 : vector<1x1x16xf32> to vector<16xf32>
        %get3A_879 = arith.constant 0 : i32
        %get3A_880 = arith.index_cast %get3A_879 : i32 to index
        %get3A_881 = arith.index_cast %add3A_803 : i32 to index
        %get3A_882 = arith.constant 48 : index
        %get3A_883 = tpu.vector_load %arg15[%get3A_880, %get3A_881, %get3A_882] {strides = array<i32>} : memref<2x100x128xf32, #tpu.memory_space<vmem>>, vector<1x1x16xf32>,
        %get3A_884 = vector.shape_cast %get3A_883 : vector<1x1x16xf32> to vector<16xf32>
        %mul3A_885 = arith.mulf %broadcast_in_dim3A_806, %get3A_884 : vector<16xf32>
        %add3A_886 = arith.addf %get3A_878, %mul3A_885 : vector<16xf32>
        %add3A_887 = arith.addf %add3A_886, %mul3A_218 : vector<16xf32>
        %swap3A_888 = arith.constant 0 : i32
        %swap3A_889 = arith.index_cast %swap3A_888 : i32 to index
        %swap3A_890 = arith.index_cast %add3A_803 : i32 to index
        %swap3A_891 = arith.constant 48 : index
        %swap3A_892 = tpu.vector_load %arg17[%swap3A_889, %swap3A_890, %swap3A_891] {strides = array<i32>} : memref<2x100x128xf32, #tpu.memory_space<vmem>>, vector<1x1x16xf32>,
        %swap3A_893 = vector.shape_cast %swap3A_892 : vector<1x1x16xf32> to vector<16xf32>
        %swap3A_894 = vector.shape_cast %add3A_887 : vector<16xf32> to vector<1x1x16xf32>
        tpu.vector_store %arg17[%swap3A_889, %swap3A_890, %swap3A_891], %swap3A_894 {strides = array<i32>} : memref<2x100x128xf32, #tpu.memory_space<vmem>>, vector<1x1x16xf32>,
        %get3A_895 = arith.constant 0 : i32
        %get3A_896 = arith.index_cast %get3A_895 : i32 to index
        %get3A_897 = arith.index_cast %add3A_803 : i32 to index
        %get3A_898 = arith.constant 64 : index
        %get3A_899 = tpu.vector_load %arg13[%get3A_896, %get3A_897, %get3A_898] {strides = array<i32>} : memref<2x100x128xf32, #tpu.memory_space<vmem>>, vector<1x1x16xf32>,
        %get3A_900 = vector.shape_cast %get3A_899 : vector<1x1x16xf32> to vector<16xf32>
        %get3A_901 = arith.constant 0 : i32
        %get3A_902 = arith.index_cast %get3A_901 : i32 to index
        %get3A_903 = arith.index_cast %add3A_803 : i32 to index
        %get3A_904 = arith.constant 64 : index
        %get3A_905 = tpu.vector_load %arg15[%get3A_902, %get3A_903, %get3A_904] {strides = array<i32>} : memref<2x100x128xf32, #tpu.memory_space<vmem>>, vector<1x1x16xf32>,
        %get3A_906 = vector.shape_cast %get3A_905 : vector<1x1x16xf32> to vector<16xf32>
        %mul3A_907 = arith.mulf %broadcast_in_dim3A_806, %get3A_906 : vector<16xf32>
        %add3A_908 = arith.addf %get3A_900, %mul3A_907 : vector<16xf32>
        %add3A_909 = arith.addf %add3A_908, %mul3A_221 : vector<16xf32>
        %swap3A_910 = arith.constant 0 : i32
        %swap3A_911 = arith.index_cast %swap3A_910 : i32 to index
        %swap3A_912 = arith.index_cast %add3A_803 : i32 to index
        %swap3A_913 = arith.constant 64 : index
        %swap3A_914 = tpu.vector_load %arg17[%swap3A_911, %swap3A_912, %swap3A_913] {strides = array<i32>} : memref<2x100x128xf32, #tpu.memory_space<vmem>>, vector<1x1x16xf32>,
        %swap3A_915 = vector.shape_cast %swap3A_914 : vector<1x1x16xf32> to vector<16xf32>
        %swap3A_916 = vector.shape_cast %add3A_909 : vector<16xf32> to vector<1x1x16xf32>
        tpu.vector_store %arg17[%swap3A_911, %swap3A_912, %swap3A_913], %swap3A_916 {strides = array<i32>} : memref<2x100x128xf32, #tpu.memory_space<vmem>>, vector<1x1x16xf32>,
        %get3A_917 = arith.constant 0 : i32
        %get3A_918 = arith.index_cast %get3A_917 : i32 to index
        %get3A_919 = arith.index_cast %add3A_803 : i32 to index
        %get3A_920 = arith.constant 80 : index
        %get3A_921 = tpu.vector_load %arg13[%get3A_918, %get3A_919, %get3A_920] {strides = array<i32>} : memref<2x100x128xf32, #tpu.memory_space<vmem>>, vector<1x1x16xf32>,
        %get3A_922 = vector.shape_cast %get3A_921 : vector<1x1x16xf32> to vector<16xf32>
        %get3A_923 = arith.constant 0 : i32
        %get3A_924 = arith.index_cast %get3A_923 : i32 to index
        %get3A_925 = arith.index_cast %add3A_803 : i32 to index
        %get3A_926 = arith.constant 80 : index
        %get3A_927 = tpu.vector_load %arg15[%get3A_924, %get3A_925, %get3A_926] {strides = array<i32>} : memref<2x100x128xf32, #tpu.memory_space<vmem>>, vector<1x1x16xf32>,
        %get3A_928 = vector.shape_cast %get3A_927 : vector<1x1x16xf32> to vector<16xf32>
        %mul3A_929 = arith.mulf %broadcast_in_dim3A_806, %get3A_928 : vector<16xf32>
        %add3A_930 = arith.addf %get3A_922, %mul3A_929 : vector<16xf32>
        %add3A_931 = arith.addf %add3A_930, %mul3A_224 : vector<16xf32>
        %swap3A_932 = arith.constant 0 : i32
        %swap3A_933 = arith.index_cast %swap3A_932 : i32 to index
        %swap3A_934 = arith.index_cast %add3A_803 : i32 to index
        %swap3A_935 = arith.constant 80 : index
        %swap3A_936 = tpu.vector_load %arg17[%swap3A_933, %swap3A_934, %swap3A_935] {strides = array<i32>} : memref<2x100x128xf32, #tpu.memory_space<vmem>>, vector<1x1x16xf32>,
        %swap3A_937 = vector.shape_cast %swap3A_936 : vector<1x1x16xf32> to vector<16xf32>
        %swap3A_938 = vector.shape_cast %add3A_931 : vector<16xf32> to vector<1x1x16xf32>
        tpu.vector_store %arg17[%swap3A_933, %swap3A_934, %swap3A_935], %swap3A_938 {strides = array<i32>} : memref<2x100x128xf32, #tpu.memory_space<vmem>>, vector<1x1x16xf32>,
        %get3A_939 = arith.constant 0 : i32
        %get3A_940 = arith.index_cast %get3A_939 : i32 to index
        %get3A_941 = arith.index_cast %add3A_803 : i32 to index
        %get3A_942 = arith.constant 96 : index
        %get3A_943 = tpu.vector_load %arg13[%get3A_940, %get3A_941, %get3A_942] {strides = array<i32>} : memref<2x100x128xf32, #tpu.memory_space<vmem>>, vector<1x1x16xf32>,
        %get3A_944 = vector.shape_cast %get3A_943 : vector<1x1x16xf32> to vector<16xf32>
        %get3A_945 = arith.constant 0 : i32
        %get3A_946 = arith.index_cast %get3A_945 : i32 to index
        %get3A_947 = arith.index_cast %add3A_803 : i32 to index
        %get3A_948 = arith.constant 96 : index
        %get3A_949 = tpu.vector_load %arg15[%get3A_946, %get3A_947, %get3A_948] {strides = array<i32>} : memref<2x100x128xf32, #tpu.memory_space<vmem>>, vector<1x1x16xf32>,
        %get3A_950 = vector.shape_cast %get3A_949 : vector<1x1x16xf32> to vector<16xf32>
        %mul3A_951 = arith.mulf %broadcast_in_dim3A_806, %get3A_950 : vector<16xf32>
        %add3A_952 = arith.addf %get3A_944, %mul3A_951 : vector<16xf32>
        %add3A_953 = arith.addf %add3A_952, %mul3A_227 : vector<16xf32>
        %swap3A_954 = arith.constant 0 : i32
        %swap3A_955 = arith.index_cast %swap3A_954 : i32 to index
        %swap3A_956 = arith.index_cast %add3A_803 : i32 to index
        %swap3A_957 = arith.constant 96 : index
        %swap3A_958 = tpu.vector_load %arg17[%swap3A_955, %swap3A_956, %swap3A_957] {strides = array<i32>} : memref<2x100x128xf32, #tpu.memory_space<vmem>>, vector<1x1x16xf32>,
        %swap3A_959 = vector.shape_cast %swap3A_958 : vector<1x1x16xf32> to vector<16xf32>
        %swap3A_960 = vector.shape_cast %add3A_953 : vector<16xf32> to vector<1x1x16xf32>
        tpu.vector_store %arg17[%swap3A_955, %swap3A_956, %swap3A_957], %swap3A_960 {strides = array<i32>} : memref<2x100x128xf32, #tpu.memory_space<vmem>>, vector<1x1x16xf32>,
        %get3A_961 = arith.constant 0 : i32
        %get3A_962 = arith.index_cast %get3A_961 : i32 to index
        %get3A_963 = arith.index_cast %add3A_803 : i32 to index
        %get3A_964 = arith.constant 112 : index
        %get3A_965 = tpu.vector_load %arg13[%get3A_962, %get3A_963, %get3A_964] {strides = array<i32>} : memref<2x100x128xf32, #tpu.memory_space<vmem>>, vector<1x1x16xf32>,
        %get3A_966 = vector.shape_cast %get3A_965 : vector<1x1x16xf32> to vector<16xf32>
        %get3A_967 = arith.constant 0 : i32
        %get3A_968 = arith.index_cast %get3A_967 : i32 to index
        %get3A_969 = arith.index_cast %add3A_803 : i32 to index
        %get3A_970 = arith.constant 112 : index
        %get3A_971 = tpu.vector_load %arg15[%get3A_968, %get3A_969, %get3A_970] {strides = array<i32>} : memref<2x100x128xf32, #tpu.memory_space<vmem>>, vector<1x1x16xf32>,
        %get3A_972 = vector.shape_cast %get3A_971 : vector<1x1x16xf32> to vector<16xf32>
        %mul3A_973 = arith.mulf %broadcast_in_dim3A_806, %get3A_972 : vector<16xf32>
        %add3A_974 = arith.addf %get3A_966, %mul3A_973 : vector<16xf32>
        %add3A_975 = arith.addf %add3A_974, %mul3A_230 : vector<16xf32>
        %swap3A_976 = arith.constant 0 : i32
        %swap3A_977 = arith.index_cast %swap3A_976 : i32 to index
        %swap3A_978 = arith.index_cast %add3A_803 : i32 to index
        %swap3A_979 = arith.constant 112 : index
        %swap3A_980 = tpu.vector_load %arg17[%swap3A_977, %swap3A_978, %swap3A_979] {strides = array<i32>} : memref<2x100x128xf32, #tpu.memory_space<vmem>>, vector<1x1x16xf32>,
        %swap3A_981 = vector.shape_cast %swap3A_980 : vector<1x1x16xf32> to vector<16xf32>
        %swap3A_982 = vector.shape_cast %add3A_975 : vector<16xf32> to vector<1x1x16xf32>
        tpu.vector_store %arg17[%swap3A_977, %swap3A_978, %swap3A_979], %swap3A_982 {strides = array<i32>} : memref<2x100x128xf32, #tpu.memory_space<vmem>>, vector<1x1x16xf32>,
        %scan3A_983 = arith.constant 0 : i32
        scf.yield %scan3A_983 : i32
      }
      %scan3A_237 = arith.constant 25 : i32
      %scan3A_238 = arith.constant 0 : i32
      %scan3A_239 = arith.constant 0 : i32
      %scan3A_240 = arith.constant 25 : i32
      %scan3A_241 = arith.addi %scan3A_239, %scan3A_240 : i32
      %scan3A_242 = arith.constant 1 : i32
      %scan3A_243 = scf.for %scan3A_246 = %scan3A_239 to %scan3A_241 step %scan3A_242 iter_args(%scan3A_247 = %scan3A_238) -> (i32)  : i32 {
        %mul3A_248 = arith.constant 4 : i32
        %mul3A_249 = arith.muli %scan3A_246, %mul3A_248 : i32
        %add3A_250 = arith.constant 128 : i32
        %add3A_251 = arith.addi %add3A_250, %mul3A_249 : i32
        %get3A = arith.index_cast %add3A_251 : i32 to index
        %get3A_252 = tpu.vector_load %arg16[%get3A] {strides = array<i32>} : memref<256xf32, #tpu.memory_space<vmem>>, vector<16xf32>,
        %get3A_253 = vector.shape_cast %get3A_252 : vector<16xf32> to vector<16xf32>
        %mul3A_254 = arith.constant 4 : i32
        %mul3A_255 = arith.muli %scan3A_246, %mul3A_254 : i32
        %add3A_256 = arith.constant 0 : i32
        %add3A_257 = arith.addi %mul3A_255, %add3A_256 : i32
        %slice3A = vector.extract_strided_slice %get3A_253 {offsets = [0], sizes = [1], strides = [1]} : vector<16xf32> to vector<1xf32>
        %squeeze3A = vector.extract %slice3A[0] : f32 from vector<1xf32>
        %broadcast_in_dim3A_258 = vector.broadcast %squeeze3A : f32 to vector<16xf32>
        %get3A_259 = arith.constant 1 : i32
        %get3A_260 = arith.index_cast %get3A_259 : i32 to index
        %get3A_261 = arith.index_cast %add3A_257 : i32 to index
        %get3A_262 = arith.constant 0 : index
        %get3A_263 = tpu.vector_load %arg13[%get3A_260, %get3A_261, %get3A_262] {strides = array<i32>} : memref<2x100x128xf32, #tpu.memory_space<vmem>>, vector<1x1x16xf32>,
        %get3A_264 = vector.shape_cast %get3A_263 : vector<1x1x16xf32> to vector<16xf32>
        %get3A_265 = arith.constant 1 : i32
        %get3A_266 = arith.index_cast %get3A_265 : i32 to index
        %get3A_267 = arith.index_cast %add3A_257 : i32 to index
        %get3A_268 = arith.constant 0 : index
        %get3A_269 = tpu.vector_load %arg15[%get3A_266, %get3A_267, %get3A_268] {strides = array<i32>} : memref<2x100x128xf32, #tpu.memory_space<vmem>>, vector<1x1x16xf32>,
        %get3A_270 = vector.shape_cast %get3A_269 : vector<1x1x16xf32> to vector<16xf32>
        %mul3A_271 = arith.mulf %broadcast_in_dim3A_258, %get3A_270 : vector<16xf32>
        %add3A_272 = arith.addf %get3A_264, %mul3A_271 : vector<16xf32>
        %add3A_273 = arith.addf %add3A_272, %mul3A_209 : vector<16xf32>
        %swap3A = arith.constant 1 : i32
        %swap3A_274 = arith.index_cast %swap3A : i32 to index
        %swap3A_275 = arith.index_cast %add3A_257 : i32 to index
        %swap3A_276 = arith.constant 0 : index
        %swap3A_277 = tpu.vector_load %arg17[%swap3A_274, %swap3A_275, %swap3A_276] {strides = array<i32>} : memref<2x100x128xf32, #tpu.memory_space<vmem>>, vector<1x1x16xf32>,
        %swap3A_278 = vector.shape_cast %swap3A_277 : vector<1x1x16xf32> to vector<16xf32>
        %swap3A_279 = vector.shape_cast %add3A_273 : vector<16xf32> to vector<1x1x16xf32>
        tpu.vector_store %arg17[%swap3A_274, %swap3A_275, %swap3A_276], %swap3A_279 {strides = array<i32>} : memref<2x100x128xf32, #tpu.memory_space<vmem>>, vector<1x1x16xf32>,
        %get3A_280 = arith.constant 1 : i32
        %get3A_281 = arith.index_cast %get3A_280 : i32 to index
        %get3A_282 = arith.index_cast %add3A_257 : i32 to index
        %get3A_283 = arith.constant 16 : index
        %get3A_284 = tpu.vector_load %arg13[%get3A_281, %get3A_282, %get3A_283] {strides = array<i32>} : memref<2x100x128xf32, #tpu.memory_space<vmem>>, vector<1x1x16xf32>,
        %get3A_285 = vector.shape_cast %get3A_284 : vector<1x1x16xf32> to vector<16xf32>
        %get3A_286 = arith.constant 1 : i32
        %get3A_287 = arith.index_cast %get3A_286 : i32 to index
        %get3A_288 = arith.index_cast %add3A_257 : i32 to index
        %get3A_289 = arith.constant 16 : index
        %get3A_290 = tpu.vector_load %arg15[%get3A_287, %get3A_288, %get3A_289] {strides = array<i32>} : memref<2x100x128xf32, #tpu.memory_space<vmem>>, vector<1x1x16xf32>,
        %get3A_291 = vector.shape_cast %get3A_290 : vector<1x1x16xf32> to vector<16xf32>
        %mul3A_292 = arith.mulf %broadcast_in_dim3A_258, %get3A_291 : vector<16xf32>
        %add3A_293 = arith.addf %get3A_285, %mul3A_292 : vector<16xf32>
        %add3A_294 = arith.addf %add3A_293, %mul3A_212 : vector<16xf32>
        %swap3A_295 = arith.constant 1 : i32
        %swap3A_296 = arith.index_cast %swap3A_295 : i32 to index
        %swap3A_297 = arith.index_cast %add3A_257 : i32 to index
        %swap3A_298 = arith.constant 16 : index
        %swap3A_299 = tpu.vector_load %arg17[%swap3A_296, %swap3A_297, %swap3A_298] {strides = array<i32>} : memref<2x100x128xf32, #tpu.memory_space<vmem>>, vector<1x1x16xf32>,
        %swap3A_300 = vector.shape_cast %swap3A_299 : vector<1x1x16xf32> to vector<16xf32>
        %swap3A_301 = vector.shape_cast %add3A_294 : vector<16xf32> to vector<1x1x16xf32>
        tpu.vector_store %arg17[%swap3A_296, %swap3A_297, %swap3A_298], %swap3A_301 {strides = array<i32>} : memref<2x100x128xf32, #tpu.memory_space<vmem>>, vector<1x1x16xf32>,
        %get3A_302 = arith.constant 1 : i32
        %get3A_303 = arith.index_cast %get3A_302 : i32 to index
        %get3A_304 = arith.index_cast %add3A_257 : i32 to index
        %get3A_305 = arith.constant 32 : index
        %get3A_306 = tpu.vector_load %arg13[%get3A_303, %get3A_304, %get3A_305] {strides = array<i32>} : memref<2x100x128xf32, #tpu.memory_space<vmem>>, vector<1x1x16xf32>,
        %get3A_307 = vector.shape_cast %get3A_306 : vector<1x1x16xf32> to vector<16xf32>
        %get3A_308 = arith.constant 1 : i32
        %get3A_309 = arith.index_cast %get3A_308 : i32 to index
        %get3A_310 = arith.index_cast %add3A_257 : i32 to index
        %get3A_311 = arith.constant 32 : index
        %get3A_312 = tpu.vector_load %arg15[%get3A_309, %get3A_310, %get3A_311] {strides = array<i32>} : memref<2x100x128xf32, #tpu.memory_space<vmem>>, vector<1x1x16xf32>,
        %get3A_313 = vector.shape_cast %get3A_312 : vector<1x1x16xf32> to vector<16xf32>
        %mul3A_314 = arith.mulf %broadcast_in_dim3A_258, %get3A_313 : vector<16xf32>
        %add3A_315 = arith.addf %get3A_307, %mul3A_314 : vector<16xf32>
        %add3A_316 = arith.addf %add3A_315, %mul3A_215 : vector<16xf32>
        %swap3A_317 = arith.constant 1 : i32
        %swap3A_318 = arith.index_cast %swap3A_317 : i32 to index
        %swap3A_319 = arith.index_cast %add3A_257 : i32 to index
        %swap3A_320 = arith.constant 32 : index
        %swap3A_321 = tpu.vector_load %arg17[%swap3A_318, %swap3A_319, %swap3A_320] {strides = array<i32>} : memref<2x100x128xf32, #tpu.memory_space<vmem>>, vector<1x1x16xf32>,
        %swap3A_322 = vector.shape_cast %swap3A_321 : vector<1x1x16xf32> to vector<16xf32>
        %swap3A_323 = vector.shape_cast %add3A_316 : vector<16xf32> to vector<1x1x16xf32>
        tpu.vector_store %arg17[%swap3A_318, %swap3A_319, %swap3A_320], %swap3A_323 {strides = array<i32>} : memref<2x100x128xf32, #tpu.memory_space<vmem>>, vector<1x1x16xf32>,
        %get3A_324 = arith.constant 1 : i32
        %get3A_325 = arith.index_cast %get3A_324 : i32 to index
        %get3A_326 = arith.index_cast %add3A_257 : i32 to index
        %get3A_327 = arith.constant 48 : index
        %get3A_328 = tpu.vector_load %arg13[%get3A_325, %get3A_326, %get3A_327] {strides = array<i32>} : memref<2x100x128xf32, #tpu.memory_space<vmem>>, vector<1x1x16xf32>,
        %get3A_329 = vector.shape_cast %get3A_328 : vector<1x1x16xf32> to vector<16xf32>
        %get3A_330 = arith.constant 1 : i32
        %get3A_331 = arith.index_cast %get3A_330 : i32 to index
        %get3A_332 = arith.index_cast %add3A_257 : i32 to index
        %get3A_333 = arith.constant 48 : index
        %get3A_334 = tpu.vector_load %arg15[%get3A_331, %get3A_332, %get3A_333] {strides = array<i32>} : memref<2x100x128xf32, #tpu.memory_space<vmem>>, vector<1x1x16xf32>,
        %get3A_335 = vector.shape_cast %get3A_334 : vector<1x1x16xf32> to vector<16xf32>
        %mul3A_336 = arith.mulf %broadcast_in_dim3A_258, %get3A_335 : vector<16xf32>
        %add3A_337 = arith.addf %get3A_329, %mul3A_336 : vector<16xf32>
        %add3A_338 = arith.addf %add3A_337, %mul3A_218 : vector<16xf32>
        %swap3A_339 = arith.constant 1 : i32
        %swap3A_340 = arith.index_cast %swap3A_339 : i32 to index
        %swap3A_341 = arith.index_cast %add3A_257 : i32 to index
        %swap3A_342 = arith.constant 48 : index
        %swap3A_343 = tpu.vector_load %arg17[%swap3A_340, %swap3A_341, %swap3A_342] {strides = array<i32>} : memref<2x100x128xf32, #tpu.memory_space<vmem>>, vector<1x1x16xf32>,
        %swap3A_344 = vector.shape_cast %swap3A_343 : vector<1x1x16xf32> to vector<16xf32>
        %swap3A_345 = vector.shape_cast %add3A_338 : vector<16xf32> to vector<1x1x16xf32>
        tpu.vector_store %arg17[%swap3A_340, %swap3A_341, %swap3A_342], %swap3A_345 {strides = array<i32>} : memref<2x100x128xf32, #tpu.memory_space<vmem>>, vector<1x1x16xf32>,
        %get3A_346 = arith.constant 1 : i32
        %get3A_347 = arith.index_cast %get3A_346 : i32 to index
        %get3A_348 = arith.index_cast %add3A_257 : i32 to index
        %get3A_349 = arith.constant 64 : index
        %get3A_350 = tpu.vector_load %arg13[%get3A_347, %get3A_348, %get3A_349] {strides = array<i32>} : memref<2x100x128xf32, #tpu.memory_space<vmem>>, vector<1x1x16xf32>,
        %get3A_351 = vector.shape_cast %get3A_350 : vector<1x1x16xf32> to vector<16xf32>
        %get3A_352 = arith.constant 1 : i32
        %get3A_353 = arith.index_cast %get3A_352 : i32 to index
        %get3A_354 = arith.index_cast %add3A_257 : i32 to index
        %get3A_355 = arith.constant 64 : index
        %get3A_356 = tpu.vector_load %arg15[%get3A_353, %get3A_354, %get3A_355] {strides = array<i32>} : memref<2x100x128xf32, #tpu.memory_space<vmem>>, vector<1x1x16xf32>,
        %get3A_357 = vector.shape_cast %get3A_356 : vector<1x1x16xf32> to vector<16xf32>
        %mul3A_358 = arith.mulf %broadcast_in_dim3A_258, %get3A_357 : vector<16xf32>
        %add3A_359 = arith.addf %get3A_351, %mul3A_358 : vector<16xf32>
        %add3A_360 = arith.addf %add3A_359, %mul3A_221 : vector<16xf32>
        %swap3A_361 = arith.constant 1 : i32
        %swap3A_362 = arith.index_cast %swap3A_361 : i32 to index
        %swap3A_363 = arith.index_cast %add3A_257 : i32 to index
        %swap3A_364 = arith.constant 64 : index
        %swap3A_365 = tpu.vector_load %arg17[%swap3A_362, %swap3A_363, %swap3A_364] {strides = array<i32>} : memref<2x100x128xf32, #tpu.memory_space<vmem>>, vector<1x1x16xf32>,
        %swap3A_366 = vector.shape_cast %swap3A_365 : vector<1x1x16xf32> to vector<16xf32>
        %swap3A_367 = vector.shape_cast %add3A_360 : vector<16xf32> to vector<1x1x16xf32>
        tpu.vector_store %arg17[%swap3A_362, %swap3A_363, %swap3A_364], %swap3A_367 {strides = array<i32>} : memref<2x100x128xf32, #tpu.memory_space<vmem>>, vector<1x1x16xf32>,
        %get3A_368 = arith.constant 1 : i32
        %get3A_369 = arith.index_cast %get3A_368 : i32 to index
        %get3A_370 = arith.index_cast %add3A_257 : i32 to index
        %get3A_371 = arith.constant 80 : index
        %get3A_372 = tpu.vector_load %arg13[%get3A_369, %get3A_370, %get3A_371] {strides = array<i32>} : memref<2x100x128xf32, #tpu.memory_space<vmem>>, vector<1x1x16xf32>,
        %get3A_373 = vector.shape_cast %get3A_372 : vector<1x1x16xf32> to vector<16xf32>
        %get3A_374 = arith.constant 1 : i32
        %get3A_375 = arith.index_cast %get3A_374 : i32 to index
        %get3A_376 = arith.index_cast %add3A_257 : i32 to index
        %get3A_377 = arith.constant 80 : index
        %get3A_378 = tpu.vector_load %arg15[%get3A_375, %get3A_376, %get3A_377] {strides = array<i32>} : memref<2x100x128xf32, #tpu.memory_space<vmem>>, vector<1x1x16xf32>,
        %get3A_379 = vector.shape_cast %get3A_378 : vector<1x1x16xf32> to vector<16xf32>
        %mul3A_380 = arith.mulf %broadcast_in_dim3A_258, %get3A_379 : vector<16xf32>
        %add3A_381 = arith.addf %get3A_373, %mul3A_380 : vector<16xf32>
        %add3A_382 = arith.addf %add3A_381, %mul3A_224 : vector<16xf32>
        %swap3A_383 = arith.constant 1 : i32
        %swap3A_384 = arith.index_cast %swap3A_383 : i32 to index
        %swap3A_385 = arith.index_cast %add3A_257 : i32 to index
        %swap3A_386 = arith.constant 80 : index
        %swap3A_387 = tpu.vector_load %arg17[%swap3A_384, %swap3A_385, %swap3A_386] {strides = array<i32>} : memref<2x100x128xf32, #tpu.memory_space<vmem>>, vector<1x1x16xf32>,
        %swap3A_388 = vector.shape_cast %swap3A_387 : vector<1x1x16xf32> to vector<16xf32>
        %swap3A_389 = vector.shape_cast %add3A_382 : vector<16xf32> to vector<1x1x16xf32>
        tpu.vector_store %arg17[%swap3A_384, %swap3A_385, %swap3A_386], %swap3A_389 {strides = array<i32>} : memref<2x100x128xf32, #tpu.memory_space<vmem>>, vector<1x1x16xf32>,
        %get3A_390 = arith.constant 1 : i32
        %get3A_391 = arith.index_cast %get3A_390 : i32 to index
        %get3A_392 = arith.index_cast %add3A_257 : i32 to index
        %get3A_393 = arith.constant 96 : index
        %get3A_394 = tpu.vector_load %arg13[%get3A_391, %get3A_392, %get3A_393] {strides = array<i32>} : memref<2x100x128xf32, #tpu.memory_space<vmem>>, vector<1x1x16xf32>,
        %get3A_395 = vector.shape_cast %get3A_394 : vector<1x1x16xf32> to vector<16xf32>
        %get3A_396 = arith.constant 1 : i32
        %get3A_397 = arith.index_cast %get3A_396 : i32 to index
        %get3A_398 = arith.index_cast %add3A_257 : i32 to index
        %get3A_399 = arith.constant 96 : index
        %get3A_400 = tpu.vector_load %arg15[%get3A_397, %get3A_398, %get3A_399] {strides = array<i32>} : memref<2x100x128xf32, #tpu.memory_space<vmem>>, vector<1x1x16xf32>,
        %get3A_401 = vector.shape_cast %get3A_400 : vector<1x1x16xf32> to vector<16xf32>
        %mul3A_402 = arith.mulf %broadcast_in_dim3A_258, %get3A_401 : vector<16xf32>
        %add3A_403 = arith.addf %get3A_395, %mul3A_402 : vector<16xf32>
        %add3A_404 = arith.addf %add3A_403, %mul3A_227 : vector<16xf32>
        %swap3A_405 = arith.constant 1 : i32
        %swap3A_406 = arith.index_cast %swap3A_405 : i32 to index
        %swap3A_407 = arith.index_cast %add3A_257 : i32 to index
        %swap3A_408 = arith.constant 96 : index
        %swap3A_409 = tpu.vector_load %arg17[%swap3A_406, %swap3A_407, %swap3A_408] {strides = array<i32>} : memref<2x100x128xf32, #tpu.memory_space<vmem>>, vector<1x1x16xf32>,
        %swap3A_410 = vector.shape_cast %swap3A_409 : vector<1x1x16xf32> to vector<16xf32>
        %swap3A_411 = vector.shape_cast %add3A_404 : vector<16xf32> to vector<1x1x16xf32>
        tpu.vector_store %arg17[%swap3A_406, %swap3A_407, %swap3A_408], %swap3A_411 {strides = array<i32>} : memref<2x100x128xf32, #tpu.memory_space<vmem>>, vector<1x1x16xf32>,
        %get3A_412 = arith.constant 1 : i32
        %get3A_413 = arith.index_cast %get3A_412 : i32 to index
        %get3A_414 = arith.index_cast %add3A_257 : i32 to index
        %get3A_415 = arith.constant 112 : index
        %get3A_416 = tpu.vector_load %arg13[%get3A_413, %get3A_414, %get3A_415] {strides = array<i32>} : memref<2x100x128xf32, #tpu.memory_space<vmem>>, vector<1x1x16xf32>,
        %get3A_417 = vector.shape_cast %get3A_416 : vector<1x1x16xf32> to vector<16xf32>
        %get3A_418 = arith.constant 1 : i32
        %get3A_419 = arith.index_cast %get3A_418 : i32 to index
        %get3A_420 = arith.index_cast %add3A_257 : i32 to index
        %get3A_421 = arith.constant 112 : index
        %get3A_422 = tpu.vector_load %arg15[%get3A_419, %get3A_420, %get3A_421] {strides = array<i32>} : memref<2x100x128xf32, #tpu.memory_space<vmem>>, vector<1x1x16xf32>,
        %get3A_423 = vector.shape_cast %get3A_422 : vector<1x1x16xf32> to vector<16xf32>
        %mul3A_424 = arith.mulf %broadcast_in_dim3A_258, %get3A_423 : vector<16xf32>
        %add3A_425 = arith.addf %get3A_417, %mul3A_424 : vector<16xf32>
        %add3A_426 = arith.addf %add3A_425, %mul3A_230 : vector<16xf32>
        %swap3A_427 = arith.constant 1 : i32
        %swap3A_428 = arith.index_cast %swap3A_427 : i32 to index
        %swap3A_429 = arith.index_cast %add3A_257 : i32 to index
        %swap3A_430 = arith.constant 112 : index
        %swap3A_431 = tpu.vector_load %arg17[%swap3A_428, %swap3A_429, %swap3A_430] {strides = array<i32>} : memref<2x100x128xf32, #tpu.memory_space<vmem>>, vector<1x1x16xf32>,
        %swap3A_432 = vector.shape_cast %swap3A_431 : vector<1x1x16xf32> to vector<16xf32>
        %swap3A_433 = vector.shape_cast %add3A_426 : vector<16xf32> to vector<1x1x16xf32>
        tpu.vector_store %arg17[%swap3A_428, %swap3A_429, %swap3A_430], %swap3A_433 {strides = array<i32>} : memref<2x100x128xf32, #tpu.memory_space<vmem>>, vector<1x1x16xf32>,
        %mul3A_434 = arith.constant 4 : i32
        %mul3A_435 = arith.muli %scan3A_246, %mul3A_434 : i32
        %add3A_436 = arith.constant 1 : i32
        %add3A_437 = arith.addi %mul3A_435, %add3A_436 : i32
        %slice3A_438 = vector.extract_strided_slice %get3A_253 {offsets = [1], sizes = [1], strides = [1]} : vector<16xf32> to vector<1xf32>
        %squeeze3A_439 = vector.extract %slice3A_438[0] : f32 from vector<1xf32>
        %broadcast_in_dim3A_440 = vector.broadcast %squeeze3A_439 : f32 to vector<16xf32>
        %get3A_441 = arith.constant 1 : i32
        %get3A_442 = arith.index_cast %get3A_441 : i32 to index
        %get3A_443 = arith.index_cast %add3A_437 : i32 to index
        %get3A_444 = arith.constant 0 : index
        %get3A_445 = tpu.vector_load %arg13[%get3A_442, %get3A_443, %get3A_444] {strides = array<i32>} : memref<2x100x128xf32, #tpu.memory_space<vmem>>, vector<1x1x16xf32>,
        %get3A_446 = vector.shape_cast %get3A_445 : vector<1x1x16xf32> to vector<16xf32>
        %get3A_447 = arith.constant 1 : i32
        %get3A_448 = arith.index_cast %get3A_447 : i32 to index
        %get3A_449 = arith.index_cast %add3A_437 : i32 to index
        %get3A_450 = arith.constant 0 : index
        %get3A_451 = tpu.vector_load %arg15[%get3A_448, %get3A_449, %get3A_450] {strides = array<i32>} : memref<2x100x128xf32, #tpu.memory_space<vmem>>, vector<1x1x16xf32>,
        %get3A_452 = vector.shape_cast %get3A_451 : vector<1x1x16xf32> to vector<16xf32>
        %mul3A_453 = arith.mulf %broadcast_in_dim3A_440, %get3A_452 : vector<16xf32>
        %add3A_454 = arith.addf %get3A_446, %mul3A_453 : vector<16xf32>
        %add3A_455 = arith.addf %add3A_454, %mul3A_209 : vector<16xf32>
        %swap3A_456 = arith.constant 1 : i32
        %swap3A_457 = arith.index_cast %swap3A_456 : i32 to index
        %swap3A_458 = arith.index_cast %add3A_437 : i32 to index
        %swap3A_459 = arith.constant 0 : index
        %swap3A_460 = tpu.vector_load %arg17[%swap3A_457, %swap3A_458, %swap3A_459] {strides = array<i32>} : memref<2x100x128xf32, #tpu.memory_space<vmem>>, vector<1x1x16xf32>,
        %swap3A_461 = vector.shape_cast %swap3A_460 : vector<1x1x16xf32> to vector<16xf32>
        %swap3A_462 = vector.shape_cast %add3A_455 : vector<16xf32> to vector<1x1x16xf32>
        tpu.vector_store %arg17[%swap3A_457, %swap3A_458, %swap3A_459], %swap3A_462 {strides = array<i32>} : memref<2x100x128xf32, #tpu.memory_space<vmem>>, vector<1x1x16xf32>,
        %get3A_463 = arith.constant 1 : i32
        %get3A_464 = arith.index_cast %get3A_463 : i32 to index
        %get3A_465 = arith.index_cast %add3A_437 : i32 to index
        %get3A_466 = arith.constant 16 : index
        %get3A_467 = tpu.vector_load %arg13[%get3A_464, %get3A_465, %get3A_466] {strides = array<i32>} : memref<2x100x128xf32, #tpu.memory_space<vmem>>, vector<1x1x16xf32>,
        %get3A_468 = vector.shape_cast %get3A_467 : vector<1x1x16xf32> to vector<16xf32>
        %get3A_469 = arith.constant 1 : i32
        %get3A_470 = arith.index_cast %get3A_469 : i32 to index
        %get3A_471 = arith.index_cast %add3A_437 : i32 to index
        %get3A_472 = arith.constant 16 : index
        %get3A_473 = tpu.vector_load %arg15[%get3A_470, %get3A_471, %get3A_472] {strides = array<i32>} : memref<2x100x128xf32, #tpu.memory_space<vmem>>, vector<1x1x16xf32>,
        %get3A_474 = vector.shape_cast %get3A_473 : vector<1x1x16xf32> to vector<16xf32>
        %mul3A_475 = arith.mulf %broadcast_in_dim3A_440, %get3A_474 : vector<16xf32>
        %add3A_476 = arith.addf %get3A_468, %mul3A_475 : vector<16xf32>
        %add3A_477 = arith.addf %add3A_476, %mul3A_212 : vector<16xf32>
        %swap3A_478 = arith.constant 1 : i32
        %swap3A_479 = arith.index_cast %swap3A_478 : i32 to index
        %swap3A_480 = arith.index_cast %add3A_437 : i32 to index
        %swap3A_481 = arith.constant 16 : index
        %swap3A_482 = tpu.vector_load %arg17[%swap3A_479, %swap3A_480, %swap3A_481] {strides = array<i32>} : memref<2x100x128xf32, #tpu.memory_space<vmem>>, vector<1x1x16xf32>,
        %swap3A_483 = vector.shape_cast %swap3A_482 : vector<1x1x16xf32> to vector<16xf32>
        %swap3A_484 = vector.shape_cast %add3A_477 : vector<16xf32> to vector<1x1x16xf32>
        tpu.vector_store %arg17[%swap3A_479, %swap3A_480, %swap3A_481], %swap3A_484 {strides = array<i32>} : memref<2x100x128xf32, #tpu.memory_space<vmem>>, vector<1x1x16xf32>,
        %get3A_485 = arith.constant 1 : i32
        %get3A_486 = arith.index_cast %get3A_485 : i32 to index
        %get3A_487 = arith.index_cast %add3A_437 : i32 to index
        %get3A_488 = arith.constant 32 : index
        %get3A_489 = tpu.vector_load %arg13[%get3A_486, %get3A_487, %get3A_488] {strides = array<i32>} : memref<2x100x128xf32, #tpu.memory_space<vmem>>, vector<1x1x16xf32>,
        %get3A_490 = vector.shape_cast %get3A_489 : vector<1x1x16xf32> to vector<16xf32>
        %get3A_491 = arith.constant 1 : i32
        %get3A_492 = arith.index_cast %get3A_491 : i32 to index
        %get3A_493 = arith.index_cast %add3A_437 : i32 to index
        %get3A_494 = arith.constant 32 : index
        %get3A_495 = tpu.vector_load %arg15[%get3A_492, %get3A_493, %get3A_494] {strides = array<i32>} : memref<2x100x128xf32, #tpu.memory_space<vmem>>, vector<1x1x16xf32>,
        %get3A_496 = vector.shape_cast %get3A_495 : vector<1x1x16xf32> to vector<16xf32>
        %mul3A_497 = arith.mulf %broadcast_in_dim3A_440, %get3A_496 : vector<16xf32>
        %add3A_498 = arith.addf %get3A_490, %mul3A_497 : vector<16xf32>
        %add3A_499 = arith.addf %add3A_498, %mul3A_215 : vector<16xf32>
        %swap3A_500 = arith.constant 1 : i32
        %swap3A_501 = arith.index_cast %swap3A_500 : i32 to index
        %swap3A_502 = arith.index_cast %add3A_437 : i32 to index
        %swap3A_503 = arith.constant 32 : index
        %swap3A_504 = tpu.vector_load %arg17[%swap3A_501, %swap3A_502, %swap3A_503] {strides = array<i32>} : memref<2x100x128xf32, #tpu.memory_space<vmem>>, vector<1x1x16xf32>,
        %swap3A_505 = vector.shape_cast %swap3A_504 : vector<1x1x16xf32> to vector<16xf32>
        %swap3A_506 = vector.shape_cast %add3A_499 : vector<16xf32> to vector<1x1x16xf32>
        tpu.vector_store %arg17[%swap3A_501, %swap3A_502, %swap3A_503], %swap3A_506 {strides = array<i32>} : memref<2x100x128xf32, #tpu.memory_space<vmem>>, vector<1x1x16xf32>,
        %get3A_507 = arith.constant 1 : i32
        %get3A_508 = arith.index_cast %get3A_507 : i32 to index
        %get3A_509 = arith.index_cast %add3A_437 : i32 to index
        %get3A_510 = arith.constant 48 : index
        %get3A_511 = tpu.vector_load %arg13[%get3A_508, %get3A_509, %get3A_510] {strides = array<i32>} : memref<2x100x128xf32, #tpu.memory_space<vmem>>, vector<1x1x16xf32>,
        %get3A_512 = vector.shape_cast %get3A_511 : vector<1x1x16xf32> to vector<16xf32>
        %get3A_513 = arith.constant 1 : i32
        %get3A_514 = arith.index_cast %get3A_513 : i32 to index
        %get3A_515 = arith.index_cast %add3A_437 : i32 to index
        %get3A_516 = arith.constant 48 : index
        %get3A_517 = tpu.vector_load %arg15[%get3A_514, %get3A_515, %get3A_516] {strides = array<i32>} : memref<2x100x128xf32, #tpu.memory_space<vmem>>, vector<1x1x16xf32>,
        %get3A_518 = vector.shape_cast %get3A_517 : vector<1x1x16xf32> to vector<16xf32>
        %mul3A_519 = arith.mulf %broadcast_in_dim3A_440, %get3A_518 : vector<16xf32>
        %add3A_520 = arith.addf %get3A_512, %mul3A_519 : vector<16xf32>
        %add3A_521 = arith.addf %add3A_520, %mul3A_218 : vector<16xf32>
        %swap3A_522 = arith.constant 1 : i32
        %swap3A_523 = arith.index_cast %swap3A_522 : i32 to index
        %swap3A_524 = arith.index_cast %add3A_437 : i32 to index
        %swap3A_525 = arith.constant 48 : index
        %swap3A_526 = tpu.vector_load %arg17[%swap3A_523, %swap3A_524, %swap3A_525] {strides = array<i32>} : memref<2x100x128xf32, #tpu.memory_space<vmem>>, vector<1x1x16xf32>,
        %swap3A_527 = vector.shape_cast %swap3A_526 : vector<1x1x16xf32> to vector<16xf32>
        %swap3A_528 = vector.shape_cast %add3A_521 : vector<16xf32> to vector<1x1x16xf32>
        tpu.vector_store %arg17[%swap3A_523, %swap3A_524, %swap3A_525], %swap3A_528 {strides = array<i32>} : memref<2x100x128xf32, #tpu.memory_space<vmem>>, vector<1x1x16xf32>,
        %get3A_529 = arith.constant 1 : i32
        %get3A_530 = arith.index_cast %get3A_529 : i32 to index
        %get3A_531 = arith.index_cast %add3A_437 : i32 to index
        %get3A_532 = arith.constant 64 : index
        %get3A_533 = tpu.vector_load %arg13[%get3A_530, %get3A_531, %get3A_532] {strides = array<i32>} : memref<2x100x128xf32, #tpu.memory_space<vmem>>, vector<1x1x16xf32>,
        %get3A_534 = vector.shape_cast %get3A_533 : vector<1x1x16xf32> to vector<16xf32>
        %get3A_535 = arith.constant 1 : i32
        %get3A_536 = arith.index_cast %get3A_535 : i32 to index
        %get3A_537 = arith.index_cast %add3A_437 : i32 to index
        %get3A_538 = arith.constant 64 : index
        %get3A_539 = tpu.vector_load %arg15[%get3A_536, %get3A_537, %get3A_538] {strides = array<i32>} : memref<2x100x128xf32, #tpu.memory_space<vmem>>, vector<1x1x16xf32>,
        %get3A_540 = vector.shape_cast %get3A_539 : vector<1x1x16xf32> to vector<16xf32>
        %mul3A_541 = arith.mulf %broadcast_in_dim3A_440, %get3A_540 : vector<16xf32>
        %add3A_542 = arith.addf %get3A_534, %mul3A_541 : vector<16xf32>
        %add3A_543 = arith.addf %add3A_542, %mul3A_221 : vector<16xf32>
        %swap3A_544 = arith.constant 1 : i32
        %swap3A_545 = arith.index_cast %swap3A_544 : i32 to index
        %swap3A_546 = arith.index_cast %add3A_437 : i32 to index
        %swap3A_547 = arith.constant 64 : index
        %swap3A_548 = tpu.vector_load %arg17[%swap3A_545, %swap3A_546, %swap3A_547] {strides = array<i32>} : memref<2x100x128xf32, #tpu.memory_space<vmem>>, vector<1x1x16xf32>,
        %swap3A_549 = vector.shape_cast %swap3A_548 : vector<1x1x16xf32> to vector<16xf32>
        %swap3A_550 = vector.shape_cast %add3A_543 : vector<16xf32> to vector<1x1x16xf32>
        tpu.vector_store %arg17[%swap3A_545, %swap3A_546, %swap3A_547], %swap3A_550 {strides = array<i32>} : memref<2x100x128xf32, #tpu.memory_space<vmem>>, vector<1x1x16xf32>,
        %get3A_551 = arith.constant 1 : i32
        %get3A_552 = arith.index_cast %get3A_551 : i32 to index
        %get3A_553 = arith.index_cast %add3A_437 : i32 to index
        %get3A_554 = arith.constant 80 : index
        %get3A_555 = tpu.vector_load %arg13[%get3A_552, %get3A_553, %get3A_554] {strides = array<i32>} : memref<2x100x128xf32, #tpu.memory_space<vmem>>, vector<1x1x16xf32>,
        %get3A_556 = vector.shape_cast %get3A_555 : vector<1x1x16xf32> to vector<16xf32>
        %get3A_557 = arith.constant 1 : i32
        %get3A_558 = arith.index_cast %get3A_557 : i32 to index
        %get3A_559 = arith.index_cast %add3A_437 : i32 to index
        %get3A_560 = arith.constant 80 : index
        %get3A_561 = tpu.vector_load %arg15[%get3A_558, %get3A_559, %get3A_560] {strides = array<i32>} : memref<2x100x128xf32, #tpu.memory_space<vmem>>, vector<1x1x16xf32>,
        %get3A_562 = vector.shape_cast %get3A_561 : vector<1x1x16xf32> to vector<16xf32>
        %mul3A_563 = arith.mulf %broadcast_in_dim3A_440, %get3A_562 : vector<16xf32>
        %add3A_564 = arith.addf %get3A_556, %mul3A_563 : vector<16xf32>
        %add3A_565 = arith.addf %add3A_564, %mul3A_224 : vector<16xf32>
        %swap3A_566 = arith.constant 1 : i32
        %swap3A_567 = arith.index_cast %swap3A_566 : i32 to index
        %swap3A_568 = arith.index_cast %add3A_437 : i32 to index
        %swap3A_569 = arith.constant 80 : index
        %swap3A_570 = tpu.vector_load %arg17[%swap3A_567, %swap3A_568, %swap3A_569] {strides = array<i32>} : memref<2x100x128xf32, #tpu.memory_space<vmem>>, vector<1x1x16xf32>,
        %swap3A_571 = vector.shape_cast %swap3A_570 : vector<1x1x16xf32> to vector<16xf32>
        %swap3A_572 = vector.shape_cast %add3A_565 : vector<16xf32> to vector<1x1x16xf32>
        tpu.vector_store %arg17[%swap3A_567, %swap3A_568, %swap3A_569], %swap3A_572 {strides = array<i32>} : memref<2x100x128xf32, #tpu.memory_space<vmem>>, vector<1x1x16xf32>,
        %get3A_573 = arith.constant 1 : i32
        %get3A_574 = arith.index_cast %get3A_573 : i32 to index
        %get3A_575 = arith.index_cast %add3A_437 : i32 to index
        %get3A_576 = arith.constant 96 : index
        %get3A_577 = tpu.vector_load %arg13[%get3A_574, %get3A_575, %get3A_576] {strides = array<i32>} : memref<2x100x128xf32, #tpu.memory_space<vmem>>, vector<1x1x16xf32>,
        %get3A_578 = vector.shape_cast %get3A_577 : vector<1x1x16xf32> to vector<16xf32>
        %get3A_579 = arith.constant 1 : i32
        %get3A_580 = arith.index_cast %get3A_579 : i32 to index
        %get3A_581 = arith.index_cast %add3A_437 : i32 to index
        %get3A_582 = arith.constant 96 : index
        %get3A_583 = tpu.vector_load %arg15[%get3A_580, %get3A_581, %get3A_582] {strides = array<i32>} : memref<2x100x128xf32, #tpu.memory_space<vmem>>, vector<1x1x16xf32>,
        %get3A_584 = vector.shape_cast %get3A_583 : vector<1x1x16xf32> to vector<16xf32>
        %mul3A_585 = arith.mulf %broadcast_in_dim3A_440, %get3A_584 : vector<16xf32>
        %add3A_586 = arith.addf %get3A_578, %mul3A_585 : vector<16xf32>
        %add3A_587 = arith.addf %add3A_586, %mul3A_227 : vector<16xf32>
        %swap3A_588 = arith.constant 1 : i32
        %swap3A_589 = arith.index_cast %swap3A_588 : i32 to index
        %swap3A_590 = arith.index_cast %add3A_437 : i32 to index
        %swap3A_591 = arith.constant 96 : index
        %swap3A_592 = tpu.vector_load %arg17[%swap3A_589, %swap3A_590, %swap3A_591] {strides = array<i32>} : memref<2x100x128xf32, #tpu.memory_space<vmem>>, vector<1x1x16xf32>,
        %swap3A_593 = vector.shape_cast %swap3A_592 : vector<1x1x16xf32> to vector<16xf32>
        %swap3A_594 = vector.shape_cast %add3A_587 : vector<16xf32> to vector<1x1x16xf32>
        tpu.vector_store %arg17[%swap3A_589, %swap3A_590, %swap3A_591], %swap3A_594 {strides = array<i32>} : memref<2x100x128xf32, #tpu.memory_space<vmem>>, vector<1x1x16xf32>,
        %get3A_595 = arith.constant 1 : i32
        %get3A_596 = arith.index_cast %get3A_595 : i32 to index
        %get3A_597 = arith.index_cast %add3A_437 : i32 to index
        %get3A_598 = arith.constant 112 : index
        %get3A_599 = tpu.vector_load %arg13[%get3A_596, %get3A_597, %get3A_598] {strides = array<i32>} : memref<2x100x128xf32, #tpu.memory_space<vmem>>, vector<1x1x16xf32>,
        %get3A_600 = vector.shape_cast %get3A_599 : vector<1x1x16xf32> to vector<16xf32>
        %get3A_601 = arith.constant 1 : i32
        %get3A_602 = arith.index_cast %get3A_601 : i32 to index
        %get3A_603 = arith.index_cast %add3A_437 : i32 to index
        %get3A_604 = arith.constant 112 : index
        %get3A_605 = tpu.vector_load %arg15[%get3A_602, %get3A_603, %get3A_604] {strides = array<i32>} : memref<2x100x128xf32, #tpu.memory_space<vmem>>, vector<1x1x16xf32>,
        %get3A_606 = vector.shape_cast %get3A_605 : vector<1x1x16xf32> to vector<16xf32>
        %mul3A_607 = arith.mulf %broadcast_in_dim3A_440, %get3A_606 : vector<16xf32>
        %add3A_608 = arith.addf %get3A_600, %mul3A_607 : vector<16xf32>
        %add3A_609 = arith.addf %add3A_608, %mul3A_230 : vector<16xf32>
        %swap3A_610 = arith.constant 1 : i32
        %swap3A_611 = arith.index_cast %swap3A_610 : i32 to index
        %swap3A_612 = arith.index_cast %add3A_437 : i32 to index
        %swap3A_613 = arith.constant 112 : index
        %swap3A_614 = tpu.vector_load %arg17[%swap3A_611, %swap3A_612, %swap3A_613] {strides = array<i32>} : memref<2x100x128xf32, #tpu.memory_space<vmem>>, vector<1x1x16xf32>,
        %swap3A_615 = vector.shape_cast %swap3A_614 : vector<1x1x16xf32> to vector<16xf32>
        %swap3A_616 = vector.shape_cast %add3A_609 : vector<16xf32> to vector<1x1x16xf32>
        tpu.vector_store %arg17[%swap3A_611, %swap3A_612, %swap3A_613], %swap3A_616 {strides = array<i32>} : memref<2x100x128xf32, #tpu.memory_space<vmem>>, vector<1x1x16xf32>,
        %mul3A_617 = arith.constant 4 : i32
        %mul3A_618 = arith.muli %scan3A_246, %mul3A_617 : i32
        %add3A_619 = arith.constant 2 : i32
        %add3A_620 = arith.addi %mul3A_618, %add3A_619 : i32
        %slice3A_621 = vector.extract_strided_slice %get3A_253 {offsets = [2], sizes = [1], strides = [1]} : vector<16xf32> to vector<1xf32>
        %squeeze3A_622 = vector.extract %slice3A_621[0] : f32 from vector<1xf32>
        %broadcast_in_dim3A_623 = vector.broadcast %squeeze3A_622 : f32 to vector<16xf32>
        %get3A_624 = arith.constant 1 : i32
        %get3A_625 = arith.index_cast %get3A_624 : i32 to index
        %get3A_626 = arith.index_cast %add3A_620 : i32 to index
        %get3A_627 = arith.constant 0 : index
        %get3A_628 = tpu.vector_load %arg13[%get3A_625, %get3A_626, %get3A_627] {strides = array<i32>} : memref<2x100x128xf32, #tpu.memory_space<vmem>>, vector<1x1x16xf32>,
        %get3A_629 = vector.shape_cast %get3A_628 : vector<1x1x16xf32> to vector<16xf32>
        %get3A_630 = arith.constant 1 : i32
        %get3A_631 = arith.index_cast %get3A_630 : i32 to index
        %get3A_632 = arith.index_cast %add3A_620 : i32 to index
        %get3A_633 = arith.constant 0 : index
        %get3A_634 = tpu.vector_load %arg15[%get3A_631, %get3A_632, %get3A_633] {strides = array<i32>} : memref<2x100x128xf32, #tpu.memory_space<vmem>>, vector<1x1x16xf32>,
        %get3A_635 = vector.shape_cast %get3A_634 : vector<1x1x16xf32> to vector<16xf32>
        %mul3A_636 = arith.mulf %broadcast_in_dim3A_623, %get3A_635 : vector<16xf32>
        %add3A_637 = arith.addf %get3A_629, %mul3A_636 : vector<16xf32>
        %add3A_638 = arith.addf %add3A_637, %mul3A_209 : vector<16xf32>
        %swap3A_639 = arith.constant 1 : i32
        %swap3A_640 = arith.index_cast %swap3A_639 : i32 to index
        %swap3A_641 = arith.index_cast %add3A_620 : i32 to index
        %swap3A_642 = arith.constant 0 : index
        %swap3A_643 = tpu.vector_load %arg17[%swap3A_640, %swap3A_641, %swap3A_642] {strides = array<i32>} : memref<2x100x128xf32, #tpu.memory_space<vmem>>, vector<1x1x16xf32>,
        %swap3A_644 = vector.shape_cast %swap3A_643 : vector<1x1x16xf32> to vector<16xf32>
        %swap3A_645 = vector.shape_cast %add3A_638 : vector<16xf32> to vector<1x1x16xf32>
        tpu.vector_store %arg17[%swap3A_640, %swap3A_641, %swap3A_642], %swap3A_645 {strides = array<i32>} : memref<2x100x128xf32, #tpu.memory_space<vmem>>, vector<1x1x16xf32>,
        %get3A_646 = arith.constant 1 : i32
        %get3A_647 = arith.index_cast %get3A_646 : i32 to index
        %get3A_648 = arith.index_cast %add3A_620 : i32 to index
        %get3A_649 = arith.constant 16 : index
        %get3A_650 = tpu.vector_load %arg13[%get3A_647, %get3A_648, %get3A_649] {strides = array<i32>} : memref<2x100x128xf32, #tpu.memory_space<vmem>>, vector<1x1x16xf32>,
        %get3A_651 = vector.shape_cast %get3A_650 : vector<1x1x16xf32> to vector<16xf32>
        %get3A_652 = arith.constant 1 : i32
        %get3A_653 = arith.index_cast %get3A_652 : i32 to index
        %get3A_654 = arith.index_cast %add3A_620 : i32 to index
        %get3A_655 = arith.constant 16 : index
        %get3A_656 = tpu.vector_load %arg15[%get3A_653, %get3A_654, %get3A_655] {strides = array<i32>} : memref<2x100x128xf32, #tpu.memory_space<vmem>>, vector<1x1x16xf32>,
        %get3A_657 = vector.shape_cast %get3A_656 : vector<1x1x16xf32> to vector<16xf32>
        %mul3A_658 = arith.mulf %broadcast_in_dim3A_623, %get3A_657 : vector<16xf32>
        %add3A_659 = arith.addf %get3A_651, %mul3A_658 : vector<16xf32>
        %add3A_660 = arith.addf %add3A_659, %mul3A_212 : vector<16xf32>
        %swap3A_661 = arith.constant 1 : i32
        %swap3A_662 = arith.index_cast %swap3A_661 : i32 to index
        %swap3A_663 = arith.index_cast %add3A_620 : i32 to index
        %swap3A_664 = arith.constant 16 : index
        %swap3A_665 = tpu.vector_load %arg17[%swap3A_662, %swap3A_663, %swap3A_664] {strides = array<i32>} : memref<2x100x128xf32, #tpu.memory_space<vmem>>, vector<1x1x16xf32>,
        %swap3A_666 = vector.shape_cast %swap3A_665 : vector<1x1x16xf32> to vector<16xf32>
        %swap3A_667 = vector.shape_cast %add3A_660 : vector<16xf32> to vector<1x1x16xf32>
        tpu.vector_store %arg17[%swap3A_662, %swap3A_663, %swap3A_664], %swap3A_667 {strides = array<i32>} : memref<2x100x128xf32, #tpu.memory_space<vmem>>, vector<1x1x16xf32>,
        %get3A_668 = arith.constant 1 : i32
        %get3A_669 = arith.index_cast %get3A_668 : i32 to index
        %get3A_670 = arith.index_cast %add3A_620 : i32 to index
        %get3A_671 = arith.constant 32 : index
        %get3A_672 = tpu.vector_load %arg13[%get3A_669, %get3A_670, %get3A_671] {strides = array<i32>} : memref<2x100x128xf32, #tpu.memory_space<vmem>>, vector<1x1x16xf32>,
        %get3A_673 = vector.shape_cast %get3A_672 : vector<1x1x16xf32> to vector<16xf32>
        %get3A_674 = arith.constant 1 : i32
        %get3A_675 = arith.index_cast %get3A_674 : i32 to index
        %get3A_676 = arith.index_cast %add3A_620 : i32 to index
        %get3A_677 = arith.constant 32 : index
        %get3A_678 = tpu.vector_load %arg15[%get3A_675, %get3A_676, %get3A_677] {strides = array<i32>} : memref<2x100x128xf32, #tpu.memory_space<vmem>>, vector<1x1x16xf32>,
        %get3A_679 = vector.shape_cast %get3A_678 : vector<1x1x16xf32> to vector<16xf32>
        %mul3A_680 = arith.mulf %broadcast_in_dim3A_623, %get3A_679 : vector<16xf32>
        %add3A_681 = arith.addf %get3A_673, %mul3A_680 : vector<16xf32>
        %add3A_682 = arith.addf %add3A_681, %mul3A_215 : vector<16xf32>
        %swap3A_683 = arith.constant 1 : i32
        %swap3A_684 = arith.index_cast %swap3A_683 : i32 to index
        %swap3A_685 = arith.index_cast %add3A_620 : i32 to index
        %swap3A_686 = arith.constant 32 : index
        %swap3A_687 = tpu.vector_load %arg17[%swap3A_684, %swap3A_685, %swap3A_686] {strides = array<i32>} : memref<2x100x128xf32, #tpu.memory_space<vmem>>, vector<1x1x16xf32>,
        %swap3A_688 = vector.shape_cast %swap3A_687 : vector<1x1x16xf32> to vector<16xf32>
        %swap3A_689 = vector.shape_cast %add3A_682 : vector<16xf32> to vector<1x1x16xf32>
        tpu.vector_store %arg17[%swap3A_684, %swap3A_685, %swap3A_686], %swap3A_689 {strides = array<i32>} : memref<2x100x128xf32, #tpu.memory_space<vmem>>, vector<1x1x16xf32>,
        %get3A_690 = arith.constant 1 : i32
        %get3A_691 = arith.index_cast %get3A_690 : i32 to index
        %get3A_692 = arith.index_cast %add3A_620 : i32 to index
        %get3A_693 = arith.constant 48 : index
        %get3A_694 = tpu.vector_load %arg13[%get3A_691, %get3A_692, %get3A_693] {strides = array<i32>} : memref<2x100x128xf32, #tpu.memory_space<vmem>>, vector<1x1x16xf32>,
        %get3A_695 = vector.shape_cast %get3A_694 : vector<1x1x16xf32> to vector<16xf32>
        %get3A_696 = arith.constant 1 : i32
        %get3A_697 = arith.index_cast %get3A_696 : i32 to index
        %get3A_698 = arith.index_cast %add3A_620 : i32 to index
        %get3A_699 = arith.constant 48 : index
        %get3A_700 = tpu.vector_load %arg15[%get3A_697, %get3A_698, %get3A_699] {strides = array<i32>} : memref<2x100x128xf32, #tpu.memory_space<vmem>>, vector<1x1x16xf32>,
        %get3A_701 = vector.shape_cast %get3A_700 : vector<1x1x16xf32> to vector<16xf32>
        %mul3A_702 = arith.mulf %broadcast_in_dim3A_623, %get3A_701 : vector<16xf32>
        %add3A_703 = arith.addf %get3A_695, %mul3A_702 : vector<16xf32>
        %add3A_704 = arith.addf %add3A_703, %mul3A_218 : vector<16xf32>
        %swap3A_705 = arith.constant 1 : i32
        %swap3A_706 = arith.index_cast %swap3A_705 : i32 to index
        %swap3A_707 = arith.index_cast %add3A_620 : i32 to index
        %swap3A_708 = arith.constant 48 : index
        %swap3A_709 = tpu.vector_load %arg17[%swap3A_706, %swap3A_707, %swap3A_708] {strides = array<i32>} : memref<2x100x128xf32, #tpu.memory_space<vmem>>, vector<1x1x16xf32>,
        %swap3A_710 = vector.shape_cast %swap3A_709 : vector<1x1x16xf32> to vector<16xf32>
        %swap3A_711 = vector.shape_cast %add3A_704 : vector<16xf32> to vector<1x1x16xf32>
        tpu.vector_store %arg17[%swap3A_706, %swap3A_707, %swap3A_708], %swap3A_711 {strides = array<i32>} : memref<2x100x128xf32, #tpu.memory_space<vmem>>, vector<1x1x16xf32>,
        %get3A_712 = arith.constant 1 : i32
        %get3A_713 = arith.index_cast %get3A_712 : i32 to index
        %get3A_714 = arith.index_cast %add3A_620 : i32 to index
        %get3A_715 = arith.constant 64 : index
        %get3A_716 = tpu.vector_load %arg13[%get3A_713, %get3A_714, %get3A_715] {strides = array<i32>} : memref<2x100x128xf32, #tpu.memory_space<vmem>>, vector<1x1x16xf32>,
        %get3A_717 = vector.shape_cast %get3A_716 : vector<1x1x16xf32> to vector<16xf32>
        %get3A_718 = arith.constant 1 : i32
        %get3A_719 = arith.index_cast %get3A_718 : i32 to index
        %get3A_720 = arith.index_cast %add3A_620 : i32 to index
        %get3A_721 = arith.constant 64 : index
        %get3A_722 = tpu.vector_load %arg15[%get3A_719, %get3A_720, %get3A_721] {strides = array<i32>} : memref<2x100x128xf32, #tpu.memory_space<vmem>>, vector<1x1x16xf32>,
        %get3A_723 = vector.shape_cast %get3A_722 : vector<1x1x16xf32> to vector<16xf32>
        %mul3A_724 = arith.mulf %broadcast_in_dim3A_623, %get3A_723 : vector<16xf32>
        %add3A_725 = arith.addf %get3A_717, %mul3A_724 : vector<16xf32>
        %add3A_726 = arith.addf %add3A_725, %mul3A_221 : vector<16xf32>
        %swap3A_727 = arith.constant 1 : i32
        %swap3A_728 = arith.index_cast %swap3A_727 : i32 to index
        %swap3A_729 = arith.index_cast %add3A_620 : i32 to index
        %swap3A_730 = arith.constant 64 : index
        %swap3A_731 = tpu.vector_load %arg17[%swap3A_728, %swap3A_729, %swap3A_730] {strides = array<i32>} : memref<2x100x128xf32, #tpu.memory_space<vmem>>, vector<1x1x16xf32>,
        %swap3A_732 = vector.shape_cast %swap3A_731 : vector<1x1x16xf32> to vector<16xf32>
        %swap3A_733 = vector.shape_cast %add3A_726 : vector<16xf32> to vector<1x1x16xf32>
        tpu.vector_store %arg17[%swap3A_728, %swap3A_729, %swap3A_730], %swap3A_733 {strides = array<i32>} : memref<2x100x128xf32, #tpu.memory_space<vmem>>, vector<1x1x16xf32>,
        %get3A_734 = arith.constant 1 : i32
        %get3A_735 = arith.index_cast %get3A_734 : i32 to index
        %get3A_736 = arith.index_cast %add3A_620 : i32 to index
        %get3A_737 = arith.constant 80 : index
        %get3A_738 = tpu.vector_load %arg13[%get3A_735, %get3A_736, %get3A_737] {strides = array<i32>} : memref<2x100x128xf32, #tpu.memory_space<vmem>>, vector<1x1x16xf32>,
        %get3A_739 = vector.shape_cast %get3A_738 : vector<1x1x16xf32> to vector<16xf32>
        %get3A_740 = arith.constant 1 : i32
        %get3A_741 = arith.index_cast %get3A_740 : i32 to index
        %get3A_742 = arith.index_cast %add3A_620 : i32 to index
        %get3A_743 = arith.constant 80 : index
        %get3A_744 = tpu.vector_load %arg15[%get3A_741, %get3A_742, %get3A_743] {strides = array<i32>} : memref<2x100x128xf32, #tpu.memory_space<vmem>>, vector<1x1x16xf32>,
        %get3A_745 = vector.shape_cast %get3A_744 : vector<1x1x16xf32> to vector<16xf32>
        %mul3A_746 = arith.mulf %broadcast_in_dim3A_623, %get3A_745 : vector<16xf32>
        %add3A_747 = arith.addf %get3A_739, %mul3A_746 : vector<16xf32>
        %add3A_748 = arith.addf %add3A_747, %mul3A_224 : vector<16xf32>
        %swap3A_749 = arith.constant 1 : i32
        %swap3A_750 = arith.index_cast %swap3A_749 : i32 to index
        %swap3A_751 = arith.index_cast %add3A_620 : i32 to index
        %swap3A_752 = arith.constant 80 : index
        %swap3A_753 = tpu.vector_load %arg17[%swap3A_750, %swap3A_751, %swap3A_752] {strides = array<i32>} : memref<2x100x128xf32, #tpu.memory_space<vmem>>, vector<1x1x16xf32>,
        %swap3A_754 = vector.shape_cast %swap3A_753 : vector<1x1x16xf32> to vector<16xf32>
        %swap3A_755 = vector.shape_cast %add3A_748 : vector<16xf32> to vector<1x1x16xf32>
        tpu.vector_store %arg17[%swap3A_750, %swap3A_751, %swap3A_752], %swap3A_755 {strides = array<i32>} : memref<2x100x128xf32, #tpu.memory_space<vmem>>, vector<1x1x16xf32>,
        %get3A_756 = arith.constant 1 : i32
        %get3A_757 = arith.index_cast %get3A_756 : i32 to index
        %get3A_758 = arith.index_cast %add3A_620 : i32 to index
        %get3A_759 = arith.constant 96 : index
        %get3A_760 = tpu.vector_load %arg13[%get3A_757, %get3A_758, %get3A_759] {strides = array<i32>} : memref<2x100x128xf32, #tpu.memory_space<vmem>>, vector<1x1x16xf32>,
        %get3A_761 = vector.shape_cast %get3A_760 : vector<1x1x16xf32> to vector<16xf32>
        %get3A_762 = arith.constant 1 : i32
        %get3A_763 = arith.index_cast %get3A_762 : i32 to index
        %get3A_764 = arith.index_cast %add3A_620 : i32 to index
        %get3A_765 = arith.constant 96 : index
        %get3A_766 = tpu.vector_load %arg15[%get3A_763, %get3A_764, %get3A_765] {strides = array<i32>} : memref<2x100x128xf32, #tpu.memory_space<vmem>>, vector<1x1x16xf32>,
        %get3A_767 = vector.shape_cast %get3A_766 : vector<1x1x16xf32> to vector<16xf32>
        %mul3A_768 = arith.mulf %broadcast_in_dim3A_623, %get3A_767 : vector<16xf32>
        %add3A_769 = arith.addf %get3A_761, %mul3A_768 : vector<16xf32>
        %add3A_770 = arith.addf %add3A_769, %mul3A_227 : vector<16xf32>
        %swap3A_771 = arith.constant 1 : i32
        %swap3A_772 = arith.index_cast %swap3A_771 : i32 to index
        %swap3A_773 = arith.index_cast %add3A_620 : i32 to index
        %swap3A_774 = arith.constant 96 : index
        %swap3A_775 = tpu.vector_load %arg17[%swap3A_772, %swap3A_773, %swap3A_774] {strides = array<i32>} : memref<2x100x128xf32, #tpu.memory_space<vmem>>, vector<1x1x16xf32>,
        %swap3A_776 = vector.shape_cast %swap3A_775 : vector<1x1x16xf32> to vector<16xf32>
        %swap3A_777 = vector.shape_cast %add3A_770 : vector<16xf32> to vector<1x1x16xf32>
        tpu.vector_store %arg17[%swap3A_772, %swap3A_773, %swap3A_774], %swap3A_777 {strides = array<i32>} : memref<2x100x128xf32, #tpu.memory_space<vmem>>, vector<1x1x16xf32>,
        %get3A_778 = arith.constant 1 : i32
        %get3A_779 = arith.index_cast %get3A_778 : i32 to index
        %get3A_780 = arith.index_cast %add3A_620 : i32 to index
        %get3A_781 = arith.constant 112 : index
        %get3A_782 = tpu.vector_load %arg13[%get3A_779, %get3A_780, %get3A_781] {strides = array<i32>} : memref<2x100x128xf32, #tpu.memory_space<vmem>>, vector<1x1x16xf32>,
        %get3A_783 = vector.shape_cast %get3A_782 : vector<1x1x16xf32> to vector<16xf32>
        %get3A_784 = arith.constant 1 : i32
        %get3A_785 = arith.index_cast %get3A_784 : i32 to index
        %get3A_786 = arith.index_cast %add3A_620 : i32 to index
        %get3A_787 = arith.constant 112 : index
        %get3A_788 = tpu.vector_load %arg15[%get3A_785, %get3A_786, %get3A_787] {strides = array<i32>} : memref<2x100x128xf32, #tpu.memory_space<vmem>>, vector<1x1x16xf32>,
        %get3A_789 = vector.shape_cast %get3A_788 : vector<1x1x16xf32> to vector<16xf32>
        %mul3A_790 = arith.mulf %broadcast_in_dim3A_623, %get3A_789 : vector<16xf32>
        %add3A_791 = arith.addf %get3A_783, %mul3A_790 : vector<16xf32>
        %add3A_792 = arith.addf %add3A_791, %mul3A_230 : vector<16xf32>
        %swap3A_793 = arith.constant 1 : i32
        %swap3A_794 = arith.index_cast %swap3A_793 : i32 to index
        %swap3A_795 = arith.index_cast %add3A_620 : i32 to index
        %swap3A_796 = arith.constant 112 : index
        %swap3A_797 = tpu.vector_load %arg17[%swap3A_794, %swap3A_795, %swap3A_796] {strides = array<i32>} : memref<2x100x128xf32, #tpu.memory_space<vmem>>, vector<1x1x16xf32>,
        %swap3A_798 = vector.shape_cast %swap3A_797 : vector<1x1x16xf32> to vector<16xf32>
        %swap3A_799 = vector.shape_cast %add3A_792 : vector<16xf32> to vector<1x1x16xf32>
        tpu.vector_store %arg17[%swap3A_794, %swap3A_795, %swap3A_796], %swap3A_799 {strides = array<i32>} : memref<2x100x128xf32, #tpu.memory_space<vmem>>, vector<1x1x16xf32>,
        %mul3A_800 = arith.constant 4 : i32
        %mul3A_801 = arith.muli %scan3A_246, %mul3A_800 : i32
        %add3A_802 = arith.constant 3 : i32
        %add3A_803 = arith.addi %mul3A_801, %add3A_802 : i32
        %slice3A_804 = vector.extract_strided_slice %get3A_253 {offsets = [3], sizes = [1], strides = [1]} : vector<16xf32> to vector<1xf32>
        %squeeze3A_805 = vector.extract %slice3A_804[0] : f32 from vector<1xf32>
        %broadcast_in_dim3A_806 = vector.broadcast %squeeze3A_805 : f32 to vector<16xf32>
        %get3A_807 = arith.constant 1 : i32
        %get3A_808 = arith.index_cast %get3A_807 : i32 to index
        %get3A_809 = arith.index_cast %add3A_803 : i32 to index
        %get3A_810 = arith.constant 0 : index
        %get3A_811 = tpu.vector_load %arg13[%get3A_808, %get3A_809, %get3A_810] {strides = array<i32>} : memref<2x100x128xf32, #tpu.memory_space<vmem>>, vector<1x1x16xf32>,
        %get3A_812 = vector.shape_cast %get3A_811 : vector<1x1x16xf32> to vector<16xf32>
        %get3A_813 = arith.constant 1 : i32
        %get3A_814 = arith.index_cast %get3A_813 : i32 to index
        %get3A_815 = arith.index_cast %add3A_803 : i32 to index
        %get3A_816 = arith.constant 0 : index
        %get3A_817 = tpu.vector_load %arg15[%get3A_814, %get3A_815, %get3A_816] {strides = array<i32>} : memref<2x100x128xf32, #tpu.memory_space<vmem>>, vector<1x1x16xf32>,
        %get3A_818 = vector.shape_cast %get3A_817 : vector<1x1x16xf32> to vector<16xf32>
        %mul3A_819 = arith.mulf %broadcast_in_dim3A_806, %get3A_818 : vector<16xf32>
        %add3A_820 = arith.addf %get3A_812, %mul3A_819 : vector<16xf32>
        %add3A_821 = arith.addf %add3A_820, %mul3A_209 : vector<16xf32>
        %swap3A_822 = arith.constant 1 : i32
        %swap3A_823 = arith.index_cast %swap3A_822 : i32 to index
        %swap3A_824 = arith.index_cast %add3A_803 : i32 to index
        %swap3A_825 = arith.constant 0 : index
        %swap3A_826 = tpu.vector_load %arg17[%swap3A_823, %swap3A_824, %swap3A_825] {strides = array<i32>} : memref<2x100x128xf32, #tpu.memory_space<vmem>>, vector<1x1x16xf32>,
        %swap3A_827 = vector.shape_cast %swap3A_826 : vector<1x1x16xf32> to vector<16xf32>
        %swap3A_828 = vector.shape_cast %add3A_821 : vector<16xf32> to vector<1x1x16xf32>
        tpu.vector_store %arg17[%swap3A_823, %swap3A_824, %swap3A_825], %swap3A_828 {strides = array<i32>} : memref<2x100x128xf32, #tpu.memory_space<vmem>>, vector<1x1x16xf32>,
        %get3A_829 = arith.constant 1 : i32
        %get3A_830 = arith.index_cast %get3A_829 : i32 to index
        %get3A_831 = arith.index_cast %add3A_803 : i32 to index
        %get3A_832 = arith.constant 16 : index
        %get3A_833 = tpu.vector_load %arg13[%get3A_830, %get3A_831, %get3A_832] {strides = array<i32>} : memref<2x100x128xf32, #tpu.memory_space<vmem>>, vector<1x1x16xf32>,
        %get3A_834 = vector.shape_cast %get3A_833 : vector<1x1x16xf32> to vector<16xf32>
        %get3A_835 = arith.constant 1 : i32
        %get3A_836 = arith.index_cast %get3A_835 : i32 to index
        %get3A_837 = arith.index_cast %add3A_803 : i32 to index
        %get3A_838 = arith.constant 16 : index
        %get3A_839 = tpu.vector_load %arg15[%get3A_836, %get3A_837, %get3A_838] {strides = array<i32>} : memref<2x100x128xf32, #tpu.memory_space<vmem>>, vector<1x1x16xf32>,
        %get3A_840 = vector.shape_cast %get3A_839 : vector<1x1x16xf32> to vector<16xf32>
        %mul3A_841 = arith.mulf %broadcast_in_dim3A_806, %get3A_840 : vector<16xf32>
        %add3A_842 = arith.addf %get3A_834, %mul3A_841 : vector<16xf32>
        %add3A_843 = arith.addf %add3A_842, %mul3A_212 : vector<16xf32>
        %swap3A_844 = arith.constant 1 : i32
        %swap3A_845 = arith.index_cast %swap3A_844 : i32 to index
        %swap3A_846 = arith.index_cast %add3A_803 : i32 to index
        %swap3A_847 = arith.constant 16 : index
        %swap3A_848 = tpu.vector_load %arg17[%swap3A_845, %swap3A_846, %swap3A_847] {strides = array<i32>} : memref<2x100x128xf32, #tpu.memory_space<vmem>>, vector<1x1x16xf32>,
        %swap3A_849 = vector.shape_cast %swap3A_848 : vector<1x1x16xf32> to vector<16xf32>
        %swap3A_850 = vector.shape_cast %add3A_843 : vector<16xf32> to vector<1x1x16xf32>
        tpu.vector_store %arg17[%swap3A_845, %swap3A_846, %swap3A_847], %swap3A_850 {strides = array<i32>} : memref<2x100x128xf32, #tpu.memory_space<vmem>>, vector<1x1x16xf32>,
        %get3A_851 = arith.constant 1 : i32
        %get3A_852 = arith.index_cast %get3A_851 : i32 to index
        %get3A_853 = arith.index_cast %add3A_803 : i32 to index
        %get3A_854 = arith.constant 32 : index
        %get3A_855 = tpu.vector_load %arg13[%get3A_852, %get3A_853, %get3A_854] {strides = array<i32>} : memref<2x100x128xf32, #tpu.memory_space<vmem>>, vector<1x1x16xf32>,
        %get3A_856 = vector.shape_cast %get3A_855 : vector<1x1x16xf32> to vector<16xf32>
        %get3A_857 = arith.constant 1 : i32
        %get3A_858 = arith.index_cast %get3A_857 : i32 to index
        %get3A_859 = arith.index_cast %add3A_803 : i32 to index
        %get3A_860 = arith.constant 32 : index
        %get3A_861 = tpu.vector_load %arg15[%get3A_858, %get3A_859, %get3A_860] {strides = array<i32>} : memref<2x100x128xf32, #tpu.memory_space<vmem>>, vector<1x1x16xf32>,
        %get3A_862 = vector.shape_cast %get3A_861 : vector<1x1x16xf32> to vector<16xf32>
        %mul3A_863 = arith.mulf %broadcast_in_dim3A_806, %get3A_862 : vector<16xf32>
        %add3A_864 = arith.addf %get3A_856, %mul3A_863 : vector<16xf32>
        %add3A_865 = arith.addf %add3A_864, %mul3A_215 : vector<16xf32>
        %swap3A_866 = arith.constant 1 : i32
        %swap3A_867 = arith.index_cast %swap3A_866 : i32 to index
        %swap3A_868 = arith.index_cast %add3A_803 : i32 to index
        %swap3A_869 = arith.constant 32 : index
        %swap3A_870 = tpu.vector_load %arg17[%swap3A_867, %swap3A_868, %swap3A_869] {strides = array<i32>} : memref<2x100x128xf32, #tpu.memory_space<vmem>>, vector<1x1x16xf32>,
        %swap3A_871 = vector.shape_cast %swap3A_870 : vector<1x1x16xf32> to vector<16xf32>
        %swap3A_872 = vector.shape_cast %add3A_865 : vector<16xf32> to vector<1x1x16xf32>
        tpu.vector_store %arg17[%swap3A_867, %swap3A_868, %swap3A_869], %swap3A_872 {strides = array<i32>} : memref<2x100x128xf32, #tpu.memory_space<vmem>>, vector<1x1x16xf32>,
        %get3A_873 = arith.constant 1 : i32
        %get3A_874 = arith.index_cast %get3A_873 : i32 to index
        %get3A_875 = arith.index_cast %add3A_803 : i32 to index
        %get3A_876 = arith.constant 48 : index
        %get3A_877 = tpu.vector_load %arg13[%get3A_874, %get3A_875, %get3A_876] {strides = array<i32>} : memref<2x100x128xf32, #tpu.memory_space<vmem>>, vector<1x1x16xf32>,
        %get3A_878 = vector.shape_cast %get3A_877 : vector<1x1x16xf32> to vector<16xf32>
        %get3A_879 = arith.constant 1 : i32
        %get3A_880 = arith.index_cast %get3A_879 : i32 to index
        %get3A_881 = arith.index_cast %add3A_803 : i32 to index
        %get3A_882 = arith.constant 48 : index
        %get3A_883 = tpu.vector_load %arg15[%get3A_880, %get3A_881, %get3A_882] {strides = array<i32>} : memref<2x100x128xf32, #tpu.memory_space<vmem>>, vector<1x1x16xf32>,
        %get3A_884 = vector.shape_cast %get3A_883 : vector<1x1x16xf32> to vector<16xf32>
        %mul3A_885 = arith.mulf %broadcast_in_dim3A_806, %get3A_884 : vector<16xf32>
        %add3A_886 = arith.addf %get3A_878, %mul3A_885 : vector<16xf32>
        %add3A_887 = arith.addf %add3A_886, %mul3A_218 : vector<16xf32>
        %swap3A_888 = arith.constant 1 : i32
        %swap3A_889 = arith.index_cast %swap3A_888 : i32 to index
        %swap3A_890 = arith.index_cast %add3A_803 : i32 to index
        %swap3A_891 = arith.constant 48 : index
        %swap3A_892 = tpu.vector_load %arg17[%swap3A_889, %swap3A_890, %swap3A_891] {strides = array<i32>} : memref<2x100x128xf32, #tpu.memory_space<vmem>>, vector<1x1x16xf32>,
        %swap3A_893 = vector.shape_cast %swap3A_892 : vector<1x1x16xf32> to vector<16xf32>
        %swap3A_894 = vector.shape_cast %add3A_887 : vector<16xf32> to vector<1x1x16xf32>
        tpu.vector_store %arg17[%swap3A_889, %swap3A_890, %swap3A_891], %swap3A_894 {strides = array<i32>} : memref<2x100x128xf32, #tpu.memory_space<vmem>>, vector<1x1x16xf32>,
        %get3A_895 = arith.constant 1 : i32
        %get3A_896 = arith.index_cast %get3A_895 : i32 to index
        %get3A_897 = arith.index_cast %add3A_803 : i32 to index
        %get3A_898 = arith.constant 64 : index
        %get3A_899 = tpu.vector_load %arg13[%get3A_896, %get3A_897, %get3A_898] {strides = array<i32>} : memref<2x100x128xf32, #tpu.memory_space<vmem>>, vector<1x1x16xf32>,
        %get3A_900 = vector.shape_cast %get3A_899 : vector<1x1x16xf32> to vector<16xf32>
        %get3A_901 = arith.constant 1 : i32
        %get3A_902 = arith.index_cast %get3A_901 : i32 to index
        %get3A_903 = arith.index_cast %add3A_803 : i32 to index
        %get3A_904 = arith.constant 64 : index
        %get3A_905 = tpu.vector_load %arg15[%get3A_902, %get3A_903, %get3A_904] {strides = array<i32>} : memref<2x100x128xf32, #tpu.memory_space<vmem>>, vector<1x1x16xf32>,
        %get3A_906 = vector.shape_cast %get3A_905 : vector<1x1x16xf32> to vector<16xf32>
        %mul3A_907 = arith.mulf %broadcast_in_dim3A_806, %get3A_906 : vector<16xf32>
        %add3A_908 = arith.addf %get3A_900, %mul3A_907 : vector<16xf32>
        %add3A_909 = arith.addf %add3A_908, %mul3A_221 : vector<16xf32>
        %swap3A_910 = arith.constant 1 : i32
        %swap3A_911 = arith.index_cast %swap3A_910 : i32 to index
        %swap3A_912 = arith.index_cast %add3A_803 : i32 to index
        %swap3A_913 = arith.constant 64 : index
        %swap3A_914 = tpu.vector_load %arg17[%swap3A_911, %swap3A_912, %swap3A_913] {strides = array<i32>} : memref<2x100x128xf32, #tpu.memory_space<vmem>>, vector<1x1x16xf32>,
        %swap3A_915 = vector.shape_cast %swap3A_914 : vector<1x1x16xf32> to vector<16xf32>
        %swap3A_916 = vector.shape_cast %add3A_909 : vector<16xf32> to vector<1x1x16xf32>
        tpu.vector_store %arg17[%swap3A_911, %swap3A_912, %swap3A_913], %swap3A_916 {strides = array<i32>} : memref<2x100x128xf32, #tpu.memory_space<vmem>>, vector<1x1x16xf32>,
        %get3A_917 = arith.constant 1 : i32
        %get3A_918 = arith.index_cast %get3A_917 : i32 to index
        %get3A_919 = arith.index_cast %add3A_803 : i32 to index
        %get3A_920 = arith.constant 80 : index
        %get3A_921 = tpu.vector_load %arg13[%get3A_918, %get3A_919, %get3A_920] {strides = array<i32>} : memref<2x100x128xf32, #tpu.memory_space<vmem>>, vector<1x1x16xf32>,
        %get3A_922 = vector.shape_cast %get3A_921 : vector<1x1x16xf32> to vector<16xf32>
        %get3A_923 = arith.constant 1 : i32
        %get3A_924 = arith.index_cast %get3A_923 : i32 to index
        %get3A_925 = arith.index_cast %add3A_803 : i32 to index
        %get3A_926 = arith.constant 80 : index
        %get3A_927 = tpu.vector_load %arg15[%get3A_924, %get3A_925, %get3A_926] {strides = array<i32>} : memref<2x100x128xf32, #tpu.memory_space<vmem>>, vector<1x1x16xf32>,
        %get3A_928 = vector.shape_cast %get3A_927 : vector<1x1x16xf32> to vector<16xf32>
        %mul3A_929 = arith.mulf %broadcast_in_dim3A_806, %get3A_928 : vector<16xf32>
        %add3A_930 = arith.addf %get3A_922, %mul3A_929 : vector<16xf32>
        %add3A_931 = arith.addf %add3A_930, %mul3A_224 : vector<16xf32>
        %swap3A_932 = arith.constant 1 : i32
        %swap3A_933 = arith.index_cast %swap3A_932 : i32 to index
        %swap3A_934 = arith.index_cast %add3A_803 : i32 to index
        %swap3A_935 = arith.constant 80 : index
        %swap3A_936 = tpu.vector_load %arg17[%swap3A_933, %swap3A_934, %swap3A_935] {strides = array<i32>} : memref<2x100x128xf32, #tpu.memory_space<vmem>>, vector<1x1x16xf32>,
        %swap3A_937 = vector.shape_cast %swap3A_936 : vector<1x1x16xf32> to vector<16xf32>
        %swap3A_938 = vector.shape_cast %add3A_931 : vector<16xf32> to vector<1x1x16xf32>
        tpu.vector_store %arg17[%swap3A_933, %swap3A_934, %swap3A_935], %swap3A_938 {strides = array<i32>} : memref<2x100x128xf32, #tpu.memory_space<vmem>>, vector<1x1x16xf32>,
        %get3A_939 = arith.constant 1 : i32
        %get3A_940 = arith.index_cast %get3A_939 : i32 to index
        %get3A_941 = arith.index_cast %add3A_803 : i32 to index
        %get3A_942 = arith.constant 96 : index
        %get3A_943 = tpu.vector_load %arg13[%get3A_940, %get3A_941, %get3A_942] {strides = array<i32>} : memref<2x100x128xf32, #tpu.memory_space<vmem>>, vector<1x1x16xf32>,
        %get3A_944 = vector.shape_cast %get3A_943 : vector<1x1x16xf32> to vector<16xf32>
        %get3A_945 = arith.constant 1 : i32
        %get3A_946 = arith.index_cast %get3A_945 : i32 to index
        %get3A_947 = arith.index_cast %add3A_803 : i32 to index
        %get3A_948 = arith.constant 96 : index
        %get3A_949 = tpu.vector_load %arg15[%get3A_946, %get3A_947, %get3A_948] {strides = array<i32>} : memref<2x100x128xf32, #tpu.memory_space<vmem>>, vector<1x1x16xf32>,
        %get3A_950 = vector.shape_cast %get3A_949 : vector<1x1x16xf32> to vector<16xf32>
        %mul3A_951 = arith.mulf %broadcast_in_dim3A_806, %get3A_950 : vector<16xf32>
        %add3A_952 = arith.addf %get3A_944, %mul3A_951 : vector<16xf32>
        %add3A_953 = arith.addf %add3A_952, %mul3A_227 : vector<16xf32>
        %swap3A_954 = arith.constant 1 : i32
        %swap3A_955 = arith.index_cast %swap3A_954 : i32 to index
        %swap3A_956 = arith.index_cast %add3A_803 : i32 to index
        %swap3A_957 = arith.constant 96 : index
        %swap3A_958 = tpu.vector_load %arg17[%swap3A_955, %swap3A_956, %swap3A_957] {strides = array<i32>} : memref<2x100x128xf32, #tpu.memory_space<vmem>>, vector<1x1x16xf32>,
        %swap3A_959 = vector.shape_cast %swap3A_958 : vector<1x1x16xf32> to vector<16xf32>
        %swap3A_960 = vector.shape_cast %add3A_953 : vector<16xf32> to vector<1x1x16xf32>
        tpu.vector_store %arg17[%swap3A_955, %swap3A_956, %swap3A_957], %swap3A_960 {strides = array<i32>} : memref<2x100x128xf32, #tpu.memory_space<vmem>>, vector<1x1x16xf32>,
        %get3A_961 = arith.constant 1 : i32
        %get3A_962 = arith.index_cast %get3A_961 : i32 to index
        %get3A_963 = arith.index_cast %add3A_803 : i32 to index
        %get3A_964 = arith.constant 112 : index
        %get3A_965 = tpu.vector_load %arg13[%get3A_962, %get3A_963, %get3A_964] {strides = array<i32>} : memref<2x100x128xf32, #tpu.memory_space<vmem>>, vector<1x1x16xf32>,
        %get3A_966 = vector.shape_cast %get3A_965 : vector<1x1x16xf32> to vector<16xf32>
        %get3A_967 = arith.constant 1 : i32
        %get3A_968 = arith.index_cast %get3A_967 : i32 to index
        %get3A_969 = arith.index_cast %add3A_803 : i32 to index
        %get3A_970 = arith.constant 112 : index
        %get3A_971 = tpu.vector_load %arg15[%get3A_968, %get3A_969, %get3A_970] {strides = array<i32>} : memref<2x100x128xf32, #tpu.memory_space<vmem>>, vector<1x1x16xf32>,
        %get3A_972 = vector.shape_cast %get3A_971 : vector<1x1x16xf32> to vector<16xf32>
        %mul3A_973 = arith.mulf %broadcast_in_dim3A_806, %get3A_972 : vector<16xf32>
        %add3A_974 = arith.addf %get3A_966, %mul3A_973 : vector<16xf32>
        %add3A_975 = arith.addf %add3A_974, %mul3A_230 : vector<16xf32>
        %swap3A_976 = arith.constant 1 : i32
        %swap3A_977 = arith.index_cast %swap3A_976 : i32 to index
        %swap3A_978 = arith.index_cast %add3A_803 : i32 to index
        %swap3A_979 = arith.constant 112 : index
        %swap3A_980 = tpu.vector_load %arg17[%swap3A_977, %swap3A_978, %swap3A_979] {strides = array<i32>} : memref<2x100x128xf32, #tpu.memory_space<vmem>>, vector<1x1x16xf32>,
        %swap3A_981 = vector.shape_cast %swap3A_980 : vector<1x1x16xf32> to vector<16xf32>
        %swap3A_982 = vector.shape_cast %add3A_975 : vector<16xf32> to vector<1x1x16xf32>
        tpu.vector_store %arg17[%swap3A_977, %swap3A_978, %swap3A_979], %swap3A_982 {strides = array<i32>} : memref<2x100x128xf32, #tpu.memory_space<vmem>>, vector<1x1x16xf32>,
        %scan3A_983 = arith.constant 0 : i32
        scf.yield %scan3A_983 : i32
      }
      %scan3A_244 = arith.constant 25 : i32
      "tpu.region"() ({
        %run_scoped3A = tpu.sem_alloc : memref<!tpu.dma_semaphore, #tpu.memory_space<semaphore_mem>>
        %dma_start3A_246 = arith.constant 0 : i32
        %dma_start3A_247 = arith.constant 0 : i32
        %dma_start3A_248 = arith.constant 0 : i32
        %dma_start3A_249 = tpu.memref_slice %arg9[%add3A_11, %dma_start3A_246, %dma_start3A_247, %dma_start3A_248] : memref<1024x2x100x128xf32, #tpu.memory_space<hbm>> -> memref<1x2x100x128xf32, #tpu.memory_space<hbm>>
        %dma_start3A_250 = tpu.memref_squeeze %dma_start3A_249 : memref<1x2x100x128xf32, #tpu.memory_space<hbm>> -> memref<2x100x128xf32, #tpu.memory_space<hbm>>
        %dma_start3A_251 = arith.constant 0 : i32
        %dma_start3A_252 = arith.constant 0 : i32
        %dma_start3A_253 = arith.constant 0 : i32
        %dma_start3A_254 = tpu.memref_slice %arg9[%add3A_11, %dma_start3A_251, %dma_start3A_252, %dma_start3A_253] : memref<1024x2x100x128xf32, #tpu.memory_space<hbm>> -> memref<1x2x100x128xf32, #tpu.memory_space<hbm>>
        %dma_start3A_255 = tpu.memref_squeeze %dma_start3A_254 : memref<1x2x100x128xf32, #tpu.memory_space<hbm>> -> memref<2x100x128xf32, #tpu.memory_space<hbm>>
        tpu.enqueue_dma source(%arg17 : memref<2x100x128xf32, #tpu.memory_space<vmem>>) target(%dma_start3A_255 : memref<2x100x128xf32, #tpu.memory_space<hbm>>) target_semaphore(%run_scoped3A : memref<!tpu.dma_semaphore, #tpu.memory_space<semaphore_mem>>)
        %dma_wait3A_256 = arith.constant 0 : i32
        %dma_wait3A_257 = arith.constant 0 : i32
        %dma_wait3A_258 = arith.constant 0 : i32
        %dma_wait3A_259 = tpu.memref_slice %arg9[%add3A_11, %dma_wait3A_256, %dma_wait3A_257, %dma_wait3A_258] : memref<1024x2x100x128xf32, #tpu.memory_space<hbm>> -> memref<1x2x100x128xf32, #tpu.memory_space<hbm>>
        %dma_wait3A_260 = tpu.memref_squeeze %dma_wait3A_259 : memref<1x2x100x128xf32, #tpu.memory_space<hbm>> -> memref<2x100x128xf32, #tpu.memory_space<hbm>>
        %dma_wait3A_261 = arith.constant 0 : i32
        %dma_wait3A_262 = arith.constant 0 : i32
        %dma_wait3A_263 = arith.constant 0 : i32
        %dma_wait3A_264 = tpu.memref_slice %arg9[%add3A_11, %dma_wait3A_261, %dma_wait3A_262, %dma_wait3A_263] : memref<1024x2x100x128xf32, #tpu.memory_space<hbm>> -> memref<1x2x100x128xf32, #tpu.memory_space<hbm>>
        %dma_wait3A_265 = tpu.memref_squeeze %dma_wait3A_264 : memref<1x2x100x128xf32, #tpu.memory_space<hbm>> -> memref<2x100x128xf32, #tpu.memory_space<hbm>>
        tpu.wait_dma2 semaphore(%run_scoped3A : memref<!tpu.dma_semaphore, #tpu.memory_space<semaphore_mem>>) src(%arg17 : memref<2x100x128xf32, #tpu.memory_space<vmem>>) dst(%dma_wait3A_265 : memref<2x100x128xf32, #tpu.memory_space<hbm>>)
        tpu.yield
      }) : () -> ()
      %scan3A_245 = arith.constant 0 : i32
      scf.yield %scan3A_245 : i32
    }
    %scan3A_8 = arith.constant 32 : i32
    return
  }
}

</mosaic_0001>

<sc_bundles>
// kernel: _run.3.cloned.1.call-start
scs
__scs_entry_jumppad:
0x0: {  	(pc) =	sbr.rel $0x88, $3  }
0x1: {  	(tag) =	ssettag $0x0;
	lr =	simm.s32 $0x1  }
0x2: {  	[smem:$0x3F9A] =	sst lr;
	_ =	strace $0xD0000000  }
0x3: {  	_ = 	snop  }
0x4: {  	_ = 	snop  }
0x5: {  	_ = 	snop  }
0x6: {  	_ = 	snop  }
0x7: {  	_ = 	snop  }
__scs_overlays_trampoline_lowered:
0x8: {  	[smem:$0x3FA9] =	sst s0  }
0x9: {  	[smem:$0x3FAA] =	sst s1  }
0xa: {  	[smem:$0x3FAB] =	sst s2  }
0xb: {  	[smem:$0x3FAC] =	sst s3  }
0xc: {  	[smem:$0x3FAD] =	sst s4  }
0xd: {  	[smem:$0x3FAE] =	sst s5  }
0xe: {  	[smem:$0x3FAF] =	sst s6  }
0xf: {  	[smem:$0x3FB0] =	sst s7  }
0x10: {  	[smem:$0x3FB1] =	sst s8  }
0x11: {  	[smem:$0x3FB2] =	sst s9;
	s0 =	simm.s32 @!p0 $0x0  }
0x12: {  	s1 =	sld [smem:$0x3F98];
	s0 =	simm.s32 @p0 $0x1  }
0x13: {  	[smem:$0x3FB3] =	sst s0;
	s0 =	simm.s32 @!p1 $0x0  }
0x14: {  	s2 =	sld [smem:$0x3F97];
	s0 =	simm.s32 @p1 $0x1  }
0x15: {  	[smem:$0x3FB4] =	sst s0;
	s0 =	simm.s32 @!p2 $0x0  }
0x16: {  	s3 =	sld [smem:$0x3FDB];
	s0 =	simm.s32 @p2 $0x1  }
0x17: {  	s4 =	simm.s32 $0x1BF5;
	[smem:$0x3FB6] =	sst s0  }
0x18: {  	s0 =	sld [smem:$0x3F99];
	_ =	swait.ge [sflag:s4], $0x0  }
0x19: {  	s7 =	sld [smem:$0x3F9A]  }
0x1a: {  	s8 =	sadd.s32 $0xFFFFE003, lr  }
0x1b: {  	s9 =	sadd.s32 $0xFFFFFEF7, lr;
	s5 =	simm.s32 $0xFFFFFFFF;
	p2 =	slt.u32 s8, $0xFFFFF086  }
0x1c: {  	p1 =	slt.u32 s9, $0xF7A;
	s5 =	simm.s32 @!p2 $0x0  }
0x1d: {  	s5 =	simm.s32 @p1 $0x1;
	p0 =	seq.s32 s7, s2  }
0x1e: {  	s7 =	smul.u32 @!p0 $0xF7A, s2;
	p2 =	seq.s32 @!p0 s5, $0x0  }
0x1f: {  	s9 =	smul.u32 $0xF7A, s1;
	s8 =	simm.s32 @!p0 $0x1BF5;
	p2 =	por !p2, p0  }
0x20: {  	[sflag:s8] =	ssyncset.s32 @!p0 $0xFFFFF086;
	s6 =	sadd.s32 @!p0 s3, s7;
	s7 =	simm.s32 @!p0 $0x108  }
0x21: {  	s3 =	sadd.s32 s3, s9;
	s6 =	sadd.s32 @!p0 $0x88, s6;
	s7 =	simm.s32 @p2 $0x1082  }
0x22: {  	[simem:s7], [sflag:s8] =	dma.local @!p0 [hbm:s6], $0xF7A  }
0x23: {  	s9 =	sor.u32 $0xD0000000, s2;
	s6 =	simm.s32 $0x108;
	_ =	swait.ge @!p0 [sflag:s8], $0x0  }
0x24: {  	s3 =	sadd.s32 $0x88, s3;
	s6 =	simm.s32 @!p1 $0x1082;
	[sflag:s4] =	ssyncset.s32 $0xFFFFF086  }
0x25: {  	[simem:s6], [sflag:s4] =	dma.local [hbm:s3], $0xF7A  }
0x26: {  	[smem:$0x3F9A] =	sst s1;
	(tag) =	ssettag s2;
	_ =	strace s9  }
0x27: {  	s1 =	sld [smem:$0x3FAA]  }
0x28: {  	s2 =	sld [smem:$0x3FAB]  }
0x29: {  	s4 =	sld [smem:$0x3FAD]  }
0x2a: {  	p0 =	seq.s32 s5, $0x0;
	s5 =	sld [smem:$0x3FAE]  }
0x2b: {  	s6 =	sld [smem:$0x3FAF]  }
0x2c: {  	s7 =	sld [smem:$0x3FB0]  }
0x2d: {  	s3 =	simm.s32 $0x108;
	s8 =	sld [smem:$0x3FB1]  }
0x2e: {  	s3 =	simm.s32 @!p0 $0x1082;
	s9 =	sld [smem:$0x3FB2]  }
0x2f: {  	lr =	sadd.s32 s0, s3;
	s0 =	sld [smem:$0x3FA9]  }
0x30: {  	s3 =	sld [smem:$0x3FAC]  }
0x31: {  	[smem:$0x3FB5] =	sst s10  }
0x32: {  	s10 =	sld [smem:$0x3FB3];
	_ =	sdelay $0x3  }
0x33: {  	p0 =	seq.s32 s10, $0x1;
	s10 =	sld [smem:$0x3FB5];
	_ =	sdelay $0x3  }
0x34: {  	[smem:$0x3FB5] =	sst s10  }
0x35: {  	s10 =	sld [smem:$0x3FB4];
	_ =	sdelay $0x3  }
0x36: {  	p1 =	seq.s32 s10, $0x1;
	s10 =	sld [smem:$0x3FB5];
	_ =	sdelay $0x3  }
0x37: {  	[smem:$0x3FB5] =	sst s10  }
0x38: {  	s10 =	sld [smem:$0x3FB6]  }
0x39: {  	_ = 	snop;
	(pc) =	sbr.ind lr, $3  }
0x3a: {  	_ = 	snop  }
0x3b: {  	_ = 	snop  }
0x3c: {  	p2 =	seq.s32 s10, $0x1;
	s10 =	sld [smem:$0x3FB5]  }
0x3d: {  	_ =	shalt  }
0x3e: {  	_ =	shalt  }
0x3f: {  	_ =	shalt  }
0x40: {  	_ =	shalt  }
0x41: {  	_ =	shalt  }
0x42: {  	_ =	shalt  }
0x43: {  	_ =	shalt  }
0x44: {  	_ =	shalt  }
0x45: {  	_ =	shalt  }
0x46: {  	_ =	shalt  }
0x47: {  	_ =	shalt  }
0x48: {  	_ =	shalt  }
0x49: {  	_ =	shalt  }
0x4a: {  	_ =	shalt  }
0x4b: {  	_ =	shalt  }
0x4c: {  	_ =	shalt  }
0x4d: {  	_ =	shalt  }
0x4e: {  	_ =	shalt  }
0x4f: {  	_ =	shalt  }
0x50: {  	_ =	shalt  }
0x51: {  	_ =	shalt  }
0x52: {  	_ =	shalt  }
0x53: {  	_ =	shalt  }
0x54: {  	_ =	shalt  }
0x55: {  	_ =	shalt  }
0x56: {  	_ =	shalt  }
0x57: {  	_ =	shalt  }
0x58: {  	_ =	shalt  }
0x59: {  	_ =	shalt  }
0x5a: {  	_ =	shalt  }
0x5b: {  	_ =	shalt  }
0x5c: {  	_ =	shalt  }
0x5d: {  	_ =	shalt  }
0x5e: {  	_ =	shalt  }
0x5f: {  	_ =	shalt  }
0x60: {  	_ =	shalt  }
0x61: {  	_ =	shalt  }
0x62: {  	_ =	shalt  }
0x63: {  	_ =	shalt  }
0x64: {  	_ =	shalt  }
0x65: {  	_ =	shalt  }
0x66: {  	_ =	shalt  }
0x67: {  	_ =	shalt  }
0x68: {  	_ =	shalt  }
0x69: {  	_ =	shalt  }
0x6a: {  	_ =	shalt  }
0x6b: {  	_ =	shalt  }
0x6c: {  	_ =	shalt  }
0x6d: {  	_ =	shalt  }
0x6e: {  	_ =	shalt  }
0x6f: {  	_ =	shalt  }
0x70: {  	_ =	shalt  }
0x71: {  	_ =	shalt  }
0x72: {  	_ =	shalt  }
0x73: {  	_ =	shalt  }
0x74: {  	_ =	shalt  }
0x75: {  	_ =	shalt  }
0x76: {  	_ =	shalt  }
0x77: {  	_ =	shalt  }
0x78: {  	_ =	shalt  }
0x79: {  	_ =	shalt  }
0x7a: {  	_ =	shalt  }
0x7b: {  	_ =	shalt  }
0x7c: {  	_ =	shalt  }
0x7d: {  	_ =	shalt  }
0x7e: {  	_ =	shalt  }
0x7f: {  	_ =	shalt  }
0x80: {  	_ =	shalt  }
0x81: {  	_ =	shalt  }
0x82: {  	_ =	shalt  }
0x83: {  	_ =	shalt  }
0x84: {  	_ =	shalt  }
0x85: {  	_ =	shalt  }
0x86: {  	_ =	shalt  }
0x87: {  	_ =	shalt  }
.Lfunc_end0:
.L_simem_size_0:
called_computation.1_lowered:
.L_overlay_start_0:
0x88: {  	s2 =	sld [smem:$0x3FD9]  }
0x89: {  	s3 =	sld [smem:$0x3FFE];
	_ =	sdelay $0x1  }
0x8a: {  	s1 =	srdreg.scid  }
0x8b: {  	s0 =	sand.u32 $0x1, s1  }
0x8c: {  	s17 =	sshll.u32 s0, $0xA;
	s2 =	sadd.s32 s3, s2  }
0x8d: {  	s2 =	sadd.s32 s2, s17  }
0x8e: {  	[smem:$0x3FC1] =	sst s2  }
0x8f: {  	_ = 	snop  }
0x90: {  	s2 =	sld [smem:$0x3FC6]  }
0x91: {  	s18 =	sld [smem:$0x3FC5]  }
0x92: {  	s4 =	sld [smem:$0x3FC4]  }
0x93: {  	s5 =	sld [smem:$0x3FC3]  }
0x94: {  	s6 =	sld [smem:$0x3FD0];
	(tm) =	ssettm $0x1  }
0x95: {  	s7 =	sld [smem:$0x3FFB];
	_ =	sdelay $0x3  }
0x96: {  	_ =	strace s7  }
0x97: {  	s7 =	sld [smem:$0x3FFC];
	_ =	sdelay $0x3  }
0x98: {  	_ =	strace s7  }
0x99: {  	s7 =	sld [smem:$0x3FFD];
	_ =	sdelay $0x3  }
0x9a: {  	_ =	strace s7  }
0x9b: {  	_ =	strace $0x8FFFFFFF  }
0x9c: {  	s19 =	sld [smem:$0x3FDB];
	_ =	sdelay $0x1  }
0x9d: {  	s8 =	simm.s32 $_scs_section_size  }
0x9e: {  	s9 =	simm.s32 $_size__tile_overlayer_lowered;
	s10 =	simm.s32 $_tile_overlayer_lowered  }
0x9f: {  	s22 =	simm.s32 $0x1BFF;
	s21 =	sshll.u32 s10, $0x1;
	s7 =	sadd.s32 s8, s19  }
0xa0: {  	s11 =	simm.s32 $0x0;
	s20 =	sshll.u32 s9, $0x1;
	s9 =	sadd.s32 s21, s7  }
0xa1: {  	[timem:s11], [sflag:s22] =	dma.local [hbm:s9], s20  }
0xa2: {  	_ =	swait.ge [sflag:s22], s20  }
0xa3: {  	s8 =	ssub.s32 $0x0, s20;
	[sflag:s22] =	ssyncset.done $0x0  }
0xa4: {  	[sflag:s22] =	ssyncadd.s32 s8;
	_ =	sdelay $0x1  }
0xa5: {  	s23 =	simm.s32 $0x1B8B  }
0xa6: {  	_ =	swait.ge [sflag:s23], $0x1  }
0xa7: {  	[sflag:s23] =	ssyncset.done $0x0  }
0xa8: {  	s25 =	simm.s32 $0x1B8E;
	s24 =	sld [smem:$0x3FFE];
	[sflag:s23] =	ssyncadd.s32 $0xFFFFFFFF  }
0xa9: {  	s26 =	simm.s32 $execute0_lowered;
	[smem:$0x3FD2] =	sst s25  }
0xaa: {  	s9 =	sshll.u32 s26, $0x1;
	_ =	strace $0x80000046;
	[dreg:$0x1] =	wrdreg $0xFFFFFFFF  }
0xab: {  	s28 =	simm.s32 $_size_execute0_lowered;
	s7 =	sadd.s32 s7, s9;
	[dreg:$0x0] =	wrdreg $0x0  }
0xac: {  	s9 =	sshll.u32 s28, $0x1;
	[dreg:$0x2] =	wrdreg s7  }
0xad: {  	[dreg:$0x3] =	wrdreg s9  }
0xae: {  	[dreg:$0x4] =	wrdreg $0xC0  }
0xaf: {  	_ =	task [dreg:s11], $0x5FFFF  }
0xb0: {  	[dreg:$0x1] =	wrdreg $0xFFFFFFFF  }
0xb1: {  	[dreg:$0x0] =	wrdreg $0x60  }
0xb2: {  	[dreg:$0x2] =	wrdreg s6  }
0xb3: {  	[dreg:$0x3] =	wrdreg s24  }
0xb4: {  	[dreg:$0x4] =	wrdreg s2  }
0xb5: {  	[dreg:$0x5] =	wrdreg s18  }
0xb6: {  	[dreg:$0x6] =	wrdreg s4  }
0xb7: {  	[dreg:$0x7] =	wrdreg s5  }
0xb8: {  	[dreg:$0x8] =	wrdreg $0x9  }
0xb9: {  	_ =	task.clear_ibuf [dreg:s11], $0x9FFFF;
	_ =	strace $0x90000046  }
0xba: {  	s29 =	simm.s32 $0x9;
	_ =	strace $0x80000048  }
0xbb: {  	_ =	swait.ge [sflag:s29], $0x1  }
0xbc: {  	[sflag:s29] =	ssyncadd.s32 $0xFFFFFFFF  }
0xbd: {  	_ =	strace $0x90000048  }
0xbe: {  	_ =	sfence  }
0xbf: {  	s30 =	sld [smem:$0x0];
	_ =	sdelay $0x2  }
0xc0: {  	s31 =	sshll.u32 s1, $0xD;
	s1 =	sshrl.u32 s1, $0x2  }
0xc1: {  	s3 =	sand.u32 $0x4000, s31;
	s1 =	sadd.s32 s1, s30  }
0xc2: {  	s0 =	sor.u32 s3, s0;
	s1 =	sshll.u32 s1, $0x11  }
0xc3: {  	s0 =	sor.u32 s1, s0  }
0xc4: {  	s0 =	sadd.s32 $0x8F2B, s0  }
0xc5: {  	[sflag:s0] =	ssyncadd.remote.s32 $0x1  }
0xc6: {  	_ =	sfence.sel $0xFFFF  }
0xc7: {  	[dreg:$0x0] =	wrdreg $0xFFFFFFFF;
	(pc) =	sbr.abs _section_cstart, $3  }
0xc8: {  	[dreg:$0x1] =	wrdreg $0xFFFFFFFF  }
0xc9: {  	_ =	task.clear_ibuf [dreg:s11], $0x2FFFF;
	_ =	strace $0x9FFFFFFF  }
0xca: {  	(tm) =	ssettm $0x7FFFFFFF  }
0xcb: {  	_ =	shalt  }
tec
execute0_lowered:
.L_overlay_start_1:
0x0: {  	(tag) =	ssettag $0x1  }
0x1: {  	s0 =	rddreg [dreg:$0x1]  }
0x2: {  	s2 =	rddreg [dreg:$0x2]  }
0x3: {  	s3 =	rddreg [dreg:$0x3]  }
0x4: {  	s4 =	rddreg [dreg:$0x4]  }
0x5: {  	s5 =	rddreg [dreg:$0x5]  }
0x6: {  	s6 =	simm.s32 $0x0;
	s1 =	srdreg.scid;
	s11 =	stileid.u32  }
0x7: {  	s13 =	simm.s32 $0x2;
	s14 =	simm.s32 $0x100;
	s15 =	simm.s32 $0x200  }
0x8: {  	s16 =	simm.s32 $0x64;
	s20 =	simm.s32 $0x13B00;
	s21 =	simm.s32 $0x80  }
0x9: {  	s22 =	simm.s32 $0x3700;
	s23 =	simm.s32 $0x10700;
	s24 =	simm.s32 $0x180  }
0xa: {  	s28 =	simm.s32 $0x13B80;
	s29 =	simm.s32 $0x1;
	s30 =	simm.s32 $0x13C00  }
0xb: {  	s31 =	simm.s32 $0x17000;
	[smem:$0x7FF] =	sst s6;
	s1 =	sand.u32 $0x1, s1  }
0xc: {  	s8 =	sadd.s32 $0x800, s0;
	s9 =	sadd.s32 $0x8800, s0;
	s7 =	ssub.s32 $0x2, s1  }
0xd: {  	s10 =	sadd.s32 $0x10800, s0;
	s26 =	sshll.u32 s11, $0x6;
	s25 =	sshrl.u32 s7, $0x1  }
0xe: {  	_ =	strace $0x80000047;
	s1 =	sshll.u32 s1, $0x5;
	s0 =	ssub.s32 s7, s25  }
0xf: {  	s11 =	sor.u32 s1, s26;
	s26 =	simm.s32 $0x280;
	s0 =	smax.u32 s0, $0x1  }
0x10: {  	s1 =	simm.s32 $0x0;
	s25 =	simm.s32 $0x9F00;
	[dreg:$0x7] =	wrdreg s0  }
.LBB2_1:
0x11: {  	[dreg:$0x8] =	wrdreg s1;
	s7 =	simm.s32 $0x0  }
.LBB2_2:
0x12: {  	s12 =	sadd.s32 s11, s7  }
0x13: {  	s1 =	rddreg [dreg:$0x0];
	s0 =	sshll.u32 s12, $0x5  }
0x14: {  	s17 =	simm.s32 $0x0;
	s1 =	sadd.s32 s1, s0  }
0x15: {  	[tilespmem:s17], [sflag:$0x2] =	stream.linear.gather [hbm4b:s1+s17], $0x100, $0x38;
	[tilespmem:$0x1A400] =	vst v63  }
0x16: {  	_ =	swait.ge [sflag:s13], $0x100  }
0x17: {  	[sflag:s13] =	ssyncset.done $0x0  }
0x18: {  	s19 =	sadd.s32 s8, s0;
	[sflag:s13] =	ssyncadd.s32 $0xFFFFFF00  }
0x19: {  	[tilespmem:s14], [sflag:$0x2] =	stream.linear.gather [hbm4b:s19+s17], $0x100, $0x38;
	[tilespmem:$0x1A400] =	vst v63  }
0x1a: {  	_ =	swait.ge [sflag:s13], $0x100  }
0x1b: {  	[sflag:s13] =	ssyncset.done $0x0  }
0x1c: {  	s0 =	sadd.s32 s9, s0;
	[sflag:s13] =	ssyncadd.s32 $0xFFFFFF00  }
0x1d: {  	[tilespmem:s15], [sflag:$0x2] =	stream.linear.gather [hbm4b:s0+s17], $0x100, $0x38;
	[tilespmem:$0x1A400] =	vst v63  }
0x1e: {  	_ =	swait.ge [sflag:s13], $0x100  }
0x1f: {  	[sflag:s13] =	ssyncset.done $0x0  }
0x20: {  	s1 =	simm.s32 $0x300;
	[sflag:s13] =	ssyncadd.s32 $0xFFFFFF00  }
0x21: {  	[tilespmem:s1], [sflag:$0x1] =	stream.indirect.gather [hbm4b:s2+s16], $0x80, s17, s16, $0xb8;
	[tilespmem:$0x1A400] =	vst v63  }
0x22: {  	s18 =	simm.s32 $0xD300  }
0x23: {  	[tilespmem:s18], [sflag:$0x1] =	stream.indirect.gather [hbm4b:s4+s16], $0x80, s17, s16, $0xb8;
	[tilespmem:$0x1A400] =	vst v63  }
0x24: {  	s19 =	simm.s32 $0x6B00  }
0x25: {  	[tilespmem:s19], [sflag:$0x1] =	stream.indirect.gather [hbm4b:s3+s16], $0x80, s14, s16, $0xb8;
	[tilespmem:$0x1A400] =	vst v63  }
0x26: {  	_ = 	snop  }
0x27: {  	[tilespmem:s20], [sflag:$0x1] =	stream.indirect.gather [hbm4b:s5+s16], $0x1, s15, s16, $0xb8;
	[tilespmem:$0x1A400] =	vst v63  }
0x28: {  	_ = 	snop  }
0x29: {  	[tilespmem:s22], [sflag:$0x1] =	stream.indirect.gather [hbm4b:s2+s16], $0x80, s21, s16, $0xb8;
	[tilespmem:$0x1A400] =	vst v63  }
0x2a: {  	_ = 	snop  }
0x2b: {  	[tilespmem:s23], [sflag:$0x1] =	stream.indirect.gather [hbm4b:s4+s16], $0x80, s21, s16, $0xb8;
	[tilespmem:$0x1A400] =	vst v63  }
0x2c: {  	_ = 	snop  }
0x2d: {  	[tilespmem:s25], [sflag:$0x1] =	stream.indirect.gather [hbm4b:s3+s16], $0x80, s24, s16, $0xb8;
	[tilespmem:$0x1A400] =	vst v63  }
0x2e: {  	_ = 	snop  }
0x2f: {  	[tilespmem:s28], [sflag:$0x1] =	stream.indirect.gather [hbm4b:s5+s16], $0x1, s26, s16, $0xb8;
	[tilespmem:$0x1A400] =	vst v63  }
0x30: {  	_ =	swait.ge [sflag:s29], $0x3200  }
0x31: {  	[sflag:s29] =	ssyncset.done $0x0  }
0x32: {  	[sflag:s29] =	ssyncadd.s32 $0xFFFFCE00  }
0x33: {  	_ =	swait.ge [sflag:s29], $0x3200  }
0x34: {  	[sflag:s29] =	ssyncset.done $0x0  }
0x35: {  	[sflag:s29] =	ssyncadd.s32 $0xFFFFCE00  }
0x36: {  	_ =	swait.ge [sflag:s29], $0x3200  }
0x37: {  	[sflag:s29] =	ssyncset.done $0x0  }
0x38: {  	[sflag:s29] =	ssyncadd.s32 $0xFFFFCE00  }
0x39: {  	_ =	swait.ge [sflag:s29], $0x64  }
0x3a: {  	[sflag:s29] =	ssyncset.done $0x0  }
0x3b: {  	[sflag:s29] =	ssyncadd.s32 $0xFFFFFF9C  }
0x3c: {  	_ =	swait.ge [sflag:s29], $0x3200  }
0x3d: {  	[sflag:s29] =	ssyncset.done $0x0  }
0x3e: {  	[sflag:s29] =	ssyncadd.s32 $0xFFFFCE00  }
0x3f: {  	_ =	swait.ge [sflag:s29], $0x3200  }
0x40: {  	[sflag:s29] =	ssyncset.done $0x0  }
0x41: {  	[sflag:s29] =	ssyncadd.s32 $0xFFFFCE00  }
0x42: {  	_ =	swait.ge [sflag:s29], $0x3200  }
0x43: {  	[sflag:s29] =	ssyncset.done $0x0  }
0x44: {  	p0 =	por $0x0, $0x0;
	p1 =	por $0x1, $0x1;
	[sflag:s29] =	ssyncadd.s32 $0xFFFFCE00  }
0x45: {  	s0 =	simm.s32 $0xFFFFCE00;
	s1 =	simm.s32 $0x3400;
	_ =	swait.ge [sflag:s29], $0x64  }
0x46: {  	s0 =	smov.u32 @p1 s17;
	s1 =	simm.s32 @!p0 $0x0;
	[sflag:s29] =	ssyncset.done $0x0  }
0x47: {  	s0 =	sadd.s32 s0, s1;
	[sflag:s29] =	ssyncadd.s32 $0xFFFFFF9C  }
0x48: {  	v0 =	vld [tilespmem:s0+$0x6B70]  }
0x49: {  	v9 =	vld [tilespmem:s0+$0x6B00]  }
0x4a: {  	v10 =	vld [tilespmem:s0+$0x6B10]  }
0x4b: {  	v1 =	vimm.f32 $0.0e+00;
	v3 =	vimm.f32 $0.0e+00;
	v5 =	vld [tilespmem:s0+$0x6B20]  }
0x4c: {  	v4 =	vimm.f32 $0.0e+00;
	v2 =	vimm.f32 $0.0e+00;
	p2 =	por $0x1, $0x1;
	v8 =	vimm.f32 $0.0e+00;
	p1 =	por $0x0, $0x0;
	v11 =	vld [tilespmem:s0+$0x6B30]  }
0x4d: {  	v6 =	vimm.f32 $0.0e+00;
	v7 =	vimm.f32 $0.0e+00;
	s1 =	simm.s32 $0x80;
	s18 =	simm.s32 $0xFFFFCE80;
	s17 =	simm.s32 $0x2;
	v12 =	vld [tilespmem:s0+$0x6B40];
	v0 =	vadd.f32 v0, v1  }
.LBB2_3:
0x4e: {  	s19 =	simm.s32 $0x3400  }
0x4f: {  	p0 =	sne.s32 s17, $0xC7;
	s18 =	smov.u32 @p2 s1;
	v1 =	vadd.f32 v9, v1;
	v13 =	vld [tilespmem:s0+$0x6B50];
	s19 =	simm.s32 @!p1 $0x0  }
0x50: {  	v3 =	vadd.f32 v10, v3;
	v14 =	vld [tilespmem:s0+$0x6B60];
	s0 =	sadd.s32 s18, s19  }
0x51: {  	v4 =	vadd.f32 v5, v4;
	v15 =	vld [tilespmem:s0+$0x6B70]  }
.Ltmp0:
0x52: {  	v2 =	vadd.f32 v11, v2;
	v9 =	vld [tilespmem:s0+$0x6B00];
	(pc) =	sbr.rel @p0 .LBB2_3-.Ltmp0, $4  }
0x53: {  	v8 =	vadd.f32 v12, v8;
	v10 =	vld [tilespmem:s0+$0x6B10]  }
0x54: {  	v6 =	vadd.f32 v13, v6;
	v5 =	vld [tilespmem:s0+$0x6B20]  }
0x55: {  	s1 =	sadd.s32 $0x80, s1;
	p1 =	sgt.u32 s17, $0x63;
	v11 =	vld [tilespmem:s0+$0x6B30];
	v7 =	vadd.f32 v14, v7  }
0x56: {  	p2 =	slt.u32 s17, $0x64;
	s17 =	sadd.s32 $0x1, s17;
	s18 =	sadd.s32 $0xFFFFCE00, s1;
	v12 =	vld [tilespmem:s0+$0x6B40];
	v0 =	vadd.f32 v15, v0  }
0x57: {  	v13 =	vld [tilespmem:s0+$0x6B50]  }
0x58: {  	v38 =	vld [tilespmem:s0+$0x6B60];
	s0 =	simm.s32 $0x1F0  }
0x59: {  	v34 =	vld [tilespmem:s0+$0x110]  }
0x5a: {  	v37 =	vld [tilespmem:s0+$0x120]  }
0x5b: {  	v35 =	vld [tilespmem:s0+$0x130]  }
0x5c: {  	v36 =	vld [tilespmem:s0+$0x140]  }
0x5d: {  	v32 =	vld [tilespmem:s0+$0x150]  }
0x5e: {  	v33 =	vld [tilespmem:s0+$0x160]  }
0x5f: {  	v30 =	vld [tilespmem:s0+$0x170]  }
0x60: {  	v31 =	vld [tilespmem:s0+$0x180]  }
0x61: {  	v29 =	vld [tilespmem:s0+$0x190]  }
0x62: {  	v28 =	vld [tilespmem:s0+$0x1A0]  }
0x63: {  	v27 =	vld [tilespmem:s0+$0x1B0]  }
0x64: {  	v26 =	vld [tilespmem:s0+$0x1C0]  }
0x65: {  	v25 =	vld [tilespmem:s0+$0x1D0]  }
0x66: {  	v24 =	vld [tilespmem:s0+$0x1E0]  }
0x67: {  	v23 =	vld [tilespmem:s0+$0x1F0]  }
0x68: {  	v22 =	vld [tilespmem:s0+$0x200]  }
0x69: {  	v21 =	vld [tilespmem:s0+$0x210]  }
0x6a: {  	v20 =	vld [tilespmem:s0+$0x220]  }
0x6b: {  	v19 =	vld [tilespmem:s0+$0x230]  }
0x6c: {  	v18 =	vld [tilespmem:s0+$0x240]  }
0x6d: {  	v17 =	vld [tilespmem:s0+$0x250]  }
0x6e: {  	v16 =	vld [tilespmem:s0+$0x260]  }
0x6f: {  	s17 =	simm.s32 $0x3400;
	v14 =	vld [tilespmem:s0+$0x270]  }
0x70: {  	s18 =	smov.u32 @p2 s1;
	s17 =	simm.s32 @!p1 $0x0;
	v15 =	vld [tilespmem:s0+$0x280]  }
0x71: {  	v3 =	vadd.f32 v10, v3;
	v10 =	vld [tilespmem:s0+$0x2B0];
	s1 =	sadd.s32 s18, s17  }
0x72: {  	v39 =	vld [tilespmem:s1+$0x6B70]  }
0x73: {  	v40 =	vld [tilespmem:s1+$0x6B00]  }
0x74: {  	v41 =	vld [tilespmem:s1+$0x6B10]  }
0x75: {  	v42 =	vld [tilespmem:s1+$0x6B20]  }
0x76: {  	v43 =	vld [tilespmem:s1+$0x6B30]  }
0x77: {  	v1 =	vadd.f32 v9, v1;
	v4 =	vadd.f32 v5, v4;
	v44 =	vld [tilespmem:s1+$0x6B40]  }
0x78: {  	v45 =	vld [tilespmem:s1+$0x6B50];
	v2 =	vadd.f32 v11, v2;
	v5 =	vadd.f32 v12, v8  }
0x79: {  	v46 =	vld [tilespmem:s1+$0x6B60];
	v6 =	vadd.f32 v13, v6;
	v9 =	vadd.f32 v38, v7  }
0x7a: {  	v11 =	vld [tilespmem:s0+$0x2C0];
	v61 =	vadd.f32 v39, v0;
	v0 =	vadd.f32 v40, v1  }
0x7b: {  	v12 =	vld [tilespmem:s0+$0x290];
	v1 =	vadd.f32 v41, v3;
	v3 =	vadd.f32 v42, v4  }
0x7c: {  	v8 =	vld [tilespmem:s0+$0x2D0];
	v2 =	vadd.f32 v43, v2;
	v62 =	vadd.f32 v44, v5  }
0x7d: {  	s1 =	simm.s32 $0x13B00;
	v13 =	vld [tilespmem:s0+$0x2A0];
	v63 =	vadd.f32 v45, v6;
	v7 =	vmul.f32 $4.999999890e-03, v0;
	v5 =	vmul.f32 $4.999999890e-03, v1  }
0x7e: {  	v38 =	vld [tilespmem:s1+$0x0];
	v1 =	vadd.f32 v46, v9;
	v6 =	vmul.f32 $4.999999890e-03, v3;
	v4 =	vmul.f32 $4.999999890e-03, v2  }
0x7f: {  	v39 =	vld [tilespmem:s0+$0xD110];
	v2 =	vmul.f32 $4.999999890e-03, v62;
	v0 =	vmul.f32 $4.999999890e-03, v63  }
0x80: {  	s17 =	simm.s32 $0xFC0;
	v9 =	vld [tilespmem:s0+$0x2E0];
	v3 =	vmul.f32 $4.999999890e-03, v1;
	v1 =	vmul.f32 $4.999999890e-03, v61  }
.LBB2_5:
0x81: {  	p0 =	sne.s32 s17, $0xC7C0;
	v40 =	vld [tilespmem:s0+$0xD120]  }
0x82: {  	v41 =	vld [tilespmem:s0+$0xD130]  }
0x83: {  	v42 =	vld [tilespmem:s0+$0xD140]  }
0x84: {  	v43 =	vld [tilespmem:s0+$0xD150]  }
0x85: {  	v44 =	vbroadcast v38, $0x0;
	v45 =	vld [tilespmem:s0+$0xD160];
	v46 =	vbroadcast v38, $0x1  }
0x86: {  	v48 =	vbroadcast v38, $0x2;
	v38 =	vbroadcast v38, $0x3;
	v47 =	vld [tilespmem:s0+$0xD170]  }
0x87: {  	v39 =	vmul.f32 v39, v44;
	v40 =	vmul.f32 v40, v44;
	v49 =	vld [tilespmem:s0+$0xD180]  }
0x88: {  	v41 =	vmul.f32 v41, v44;
	v42 =	vmul.f32 v42, v44;
	v50 =	vld [tilespmem:s0+$0xD190]  }
0x89: {  	v34 =	vadd.f32 v39, v34;
	v37 =	vadd.f32 v40, v37;
	v39 =	vmul.f32 v43, v44;
	v40 =	vld [tilespmem:s0+$0xD1A0]  }
0x8a: {  	v35 =	vadd.f32 v41, v35;
	v36 =	vadd.f32 v42, v36;
	v41 =	vmul.f32 v45, v44;
	v42 =	vld [tilespmem:s0+$0xD1B0]  }
0x8b: {  	v34 =	vadd.f32 v34, v7;
	v37 =	vadd.f32 v37, v5;
	v43 =	vmul.f32 v47, v44;
	v45 =	vld [tilespmem:s0+$0xD1C0]  }
0x8c: {  	v35 =	vadd.f32 v35, v6;
	v36 =	vadd.f32 v36, v4;
	v44 =	vmul.f32 v49, v44;
	v47 =	vld [tilespmem:s0+$0xD1D0]  }
0x8d: {  	v32 =	vadd.f32 v39, v32;
	v33 =	vadd.f32 v41, v33;
	[tilespmem:s0+$0x13A10] =	vst v34;
	v34 =	vmul.f32 v50, v46;
	v39 =	vld [tilespmem:s0+$0xD1E0]  }
0x8e: {  	v30 =	vadd.f32 v43, v30;
	[tilespmem:s0+$0x13A20] =	vst v37;
	v31 =	vadd.f32 v44, v31;
	v37 =	vmul.f32 v40, v46;
	v40 =	vld [tilespmem:s0+$0xD1F0]  }
0x8f: {  	v32 =	vadd.f32 v32, v2;
	v33 =	vadd.f32 v33, v0;
	[tilespmem:s0+$0x13A30] =	vst v35;
	v35 =	vmul.f32 v42, v46;
	v41 =	vld [tilespmem:s0+$0xD200]  }
0x90: {  	v30 =	vadd.f32 v30, v3;
	[tilespmem:s0+$0x13A40] =	vst v36;
	v31 =	vadd.f32 v31, v1;
	v36 =	vmul.f32 v45, v46;
	v42 =	vld [tilespmem:s0+$0xD210]  }
0x91: {  	v29 =	vadd.f32 v34, v29;
	v28 =	vadd.f32 v37, v28;
	[tilespmem:s0+$0x13A50] =	vst v32;
	v32 =	vmul.f32 v47, v46;
	v34 =	vld [tilespmem:s0+$0xD220]  }
0x92: {  	v27 =	vadd.f32 v35, v27;
	[tilespmem:s0+$0x13A60] =	vst v33;
	v26 =	vadd.f32 v36, v26;
	v33 =	vmul.f32 v39, v46;
	v35 =	vld [tilespmem:s0+$0xD230]  }
0x93: {  	v29 =	vadd.f32 v29, v7;
	v28 =	vadd.f32 v28, v5;
	[tilespmem:s0+$0x13A70] =	vst v30;
	v30 =	vmul.f32 v40, v46;
	v36 =	vld [tilespmem:s0+$0xD240]  }
0x94: {  	v27 =	vadd.f32 v27, v6;
	[tilespmem:s0+$0x13A80] =	vst v31;
	v26 =	vadd.f32 v26, v4;
	v31 =	vmul.f32 v41, v46;
	v37 =	vld [tilespmem:s0+$0xD250]  }
0x95: {  	v25 =	vadd.f32 v32, v25;
	v24 =	vadd.f32 v33, v24;
	[tilespmem:s0+$0x13A90] =	vst v29;
	v29 =	vmul.f32 v42, v48;
	v32 =	vld [tilespmem:s0+$0xD260]  }
0x96: {  	v23 =	vadd.f32 v30, v23;
	[tilespmem:s0+$0x13AA0] =	vst v28;
	v22 =	vadd.f32 v31, v22;
	v28 =	vmul.f32 v34, v48;
	v30 =	vld [tilespmem:s0+$0xD270]  }
0x97: {  	v25 =	vadd.f32 v25, v2;
	v24 =	vadd.f32 v24, v0;
	[tilespmem:s0+$0x13AB0] =	vst v27;
	v27 =	vmul.f32 v35, v48;
	v31 =	vld [tilespmem:s0+$0xD280]  }
0x98: {  	v23 =	vadd.f32 v23, v3;
	[tilespmem:s0+$0x13AC0] =	vst v26;
	v22 =	vadd.f32 v22, v1;
	v26 =	vmul.f32 v36, v48;
	v33 =	vld [tilespmem:s0+$0xD290]  }
0x99: {  	v21 =	vadd.f32 v29, v21;
	v20 =	vadd.f32 v28, v20;
	[tilespmem:s0+$0x13AD0] =	vst v25;
	v25 =	vmul.f32 v37, v48;
	v28 =	vld [tilespmem:s0+$0xD2A0]  }
0x9a: {  	v19 =	vadd.f32 v27, v19;
	[tilespmem:s0+$0x13AE0] =	vst v24;
	v18 =	vadd.f32 v26, v18;
	v24 =	vmul.f32 v32, v48;
	v26 =	vld [tilespmem:s0+$0xD2B0]  }
0x9b: {  	v21 =	vadd.f32 v21, v7;
	v20 =	vadd.f32 v20, v5;
	[tilespmem:s0+$0x13AF0] =	vst v23;
	v23 =	vmul.f32 v30, v48;
	v27 =	vld [tilespmem:s0+$0xD2C0]  }
0x9c: {  	v19 =	vadd.f32 v19, v6;
	[tilespmem:s0+$0x13B00] =	vst v22;
	v18 =	vadd.f32 v18, v4;
	v22 =	vmul.f32 v31, v48;
	v29 =	vld [tilespmem:s0+$0xD2D0]  }
0x9d: {  	v17 =	vadd.f32 v25, v17;
	v16 =	vadd.f32 v24, v16;
	[tilespmem:s0+$0x13B10] =	vst v21;
	v21 =	vmul.f32 v33, v38;
	v24 =	vld [tilespmem:s0+$0xD2E0]  }
0x9e: {  	v14 =	vadd.f32 v23, v14;
	[tilespmem:s0+$0x13B20] =	vst v20;
	v15 =	vadd.f32 v22, v15;
	v20 =	vmul.f32 v28, v38;
	v22 =	vld [tilespmem:s0+$0xD2F0]  }
0x9f: {  	v17 =	vadd.f32 v17, v2;
	v16 =	vadd.f32 v16, v0;
	[tilespmem:s0+$0x13B30] =	vst v19;
	v19 =	vmul.f32 v26, v38;
	v23 =	vld [tilespmem:s0+$0xD300]  }
0xa0: {  	v14 =	vadd.f32 v14, v3;
	[tilespmem:s0+$0x13B40] =	vst v18;
	v15 =	vadd.f32 v15, v1;
	v18 =	vmul.f32 v27, v38;
	v25 =	vld [tilespmem:s0+$0x2F0]  }
0xa1: {  	s18 =	sshra.s32 s17, $0x2;
	v12 =	vadd.f32 v21, v12;
	v13 =	vadd.f32 v20, v13;
	[tilespmem:s0+$0x13B50] =	vst v17;
	v17 =	vmul.f32 v29, v38;
	v20 =	vld [tilespmem:s0+$0x300]  }
0xa2: {  	v10 =	vadd.f32 v19, v10;
	v34 =	vld [tilespmem:s18+$0x110];
	[tilespmem:s0+$0x13B60] =	vst v16;
	v11 =	vadd.f32 v18, v11;
	v16 =	vmul.f32 v24, v38  }
0xa3: {  	v12 =	vadd.f32 v12, v7;
	v13 =	vadd.f32 v13, v5;
	v37 =	vld [tilespmem:s18+$0x120];
	[tilespmem:s0+$0x13B70] =	vst v14;
	v14 =	vmul.f32 v22, v38  }
0xa4: {  	v10 =	vadd.f32 v10, v6;
	v35 =	vld [tilespmem:s18+$0x130];
	[tilespmem:s0+$0x13B80] =	vst v15;
	v11 =	vadd.f32 v11, v4;
	v15 =	vmul.f32 v23, v38  }
0xa5: {  	v8 =	vadd.f32 v17, v8;
	v9 =	vadd.f32 v16, v9;
	v36 =	vld [tilespmem:s18+$0x140];
	[tilespmem:s0+$0x13B90] =	vst v12  }
0xa6: {  	v12 =	vadd.f32 v14, v25;
	v32 =	vld [tilespmem:s18+$0x150];
	[tilespmem:s0+$0x13BA0] =	vst v13;
	v13 =	vadd.f32 v15, v20  }
0xa7: {  	v8 =	vadd.f32 v8, v2;
	v9 =	vadd.f32 v9, v0;
	v33 =	vld [tilespmem:s18+$0x160];
	[tilespmem:s0+$0x13BB0] =	vst v10  }
0xa8: {  	v10 =	vadd.f32 v12, v3;
	v30 =	vld [tilespmem:s18+$0x170];
	[tilespmem:s0+$0x13BC0] =	vst v11;
	v11 =	vadd.f32 v13, v1  }
0xa9: {  	v31 =	vld [tilespmem:s18+$0x180];
	[tilespmem:s0+$0x13BD0] =	vst v8  }
0xaa: {  	v29 =	vld [tilespmem:s18+$0x190];
	[tilespmem:s0+$0x13BE0] =	vst v9  }
0xab: {  	v28 =	vld [tilespmem:s18+$0x1A0];
	[tilespmem:s0+$0x13BF0] =	vst v10  }
0xac: {  	v27 =	vld [tilespmem:s18+$0x1B0];
	[tilespmem:s0+$0x13C00] =	vst v11;
	s0 =	smov.u32 s18  }
0xad: {  	v26 =	vld [tilespmem:s0+$0x1C0]  }
0xae: {  	v25 =	vld [tilespmem:s0+$0x1D0]  }
0xaf: {  	v24 =	vld [tilespmem:s0+$0x1E0]  }
0xb0: {  	v23 =	vld [tilespmem:s0+$0x1F0]  }
0xb1: {  	v22 =	vld [tilespmem:s0+$0x200]  }
0xb2: {  	v21 =	vld [tilespmem:s0+$0x210]  }
0xb3: {  	v20 =	vld [tilespmem:s0+$0x220]  }
0xb4: {  	v19 =	vld [tilespmem:s0+$0x230]  }
0xb5: {  	v18 =	vld [tilespmem:s0+$0x240]  }
0xb6: {  	v17 =	vld [tilespmem:s0+$0x250]  }
0xb7: {  	v16 =	vld [tilespmem:s0+$0x260]  }
0xb8: {  	v14 =	vld [tilespmem:s0+$0x270]  }
0xb9: {  	v15 =	vld [tilespmem:s0+$0x280]  }
0xba: {  	v12 =	vld [tilespmem:s0+$0x290]  }
0xbb: {  	v13 =	vld [tilespmem:s0+$0x2A0]  }
0xbc: {  	v10 =	vld [tilespmem:s0+$0x2B0]  }
.Ltmp1:
0xbd: {  	v11 =	vld [tilespmem:s0+$0x2C0];
	(pc) =	sbr.rel @p0 .LBB2_5-.Ltmp1, $4  }
0xbe: {  	v8 =	vld [tilespmem:s0+$0x2D0]  }
0xbf: {  	v9 =	vld [tilespmem:s0+$0x2E0]  }
0xc0: {  	s1 =	sadd.s32 $0x4, s1;
	v39 =	vld [tilespmem:s0+$0xD110]  }
0xc1: {  	s17 =	sadd.s32 $0x800, s17;
	v38 =	vld [tilespmem:s1+$0x0]  }
0xc2: {  	v40 =	vld [tilespmem:s0+$0xD120]  }
0xc3: {  	v41 =	vld [tilespmem:s0+$0xD130]  }
0xc4: {  	v42 =	vld [tilespmem:s0+$0xD140]  }
0xc5: {  	v43 =	vld [tilespmem:s0+$0xD150]  }
0xc6: {  	v45 =	vld [tilespmem:s0+$0xD160]  }
0xc7: {  	v46 =	vld [tilespmem:s0+$0xD170];
	v44 =	vbroadcast v38, $0x0  }
0xc8: {  	v47 =	vld [tilespmem:s0+$0xD180];
	v53 =	vbroadcast v38, $0x1  }
0xc9: {  	v48 =	vld [tilespmem:s0+$0xD190];
	v39 =	vmul.f32 v39, v44;
	v40 =	vmul.f32 v40, v44  }
0xca: {  	v49 =	vld [tilespmem:s0+$0xD1B0];
	v41 =	vmul.f32 v41, v44;
	v42 =	vmul.f32 v42, v44  }
0xcb: {  	v60 =	vld [tilespmem:s0+$0xD1A0];
	v62 =	vmul.f32 v43, v44;
	v45 =	vmul.f32 v45, v44;
	v34 =	vadd.f32 v39, v34  }
0xcc: {  	v61 =	vld [tilespmem:s0+$0xD1C0];
	v52 =	vmul.f32 v46, v44;
	v37 =	vadd.f32 v40, v37;
	v35 =	vadd.f32 v41, v35  }
0xcd: {  	v55 =	vmul.f32 v47, v44;
	v36 =	vadd.f32 v42, v36;
	v32 =	vadd.f32 v62, v32  }
0xce: {  	v57 =	vmul.f32 v48, v53;
	v33 =	vadd.f32 v45, v33;
	v34 =	vadd.f32 v34, v7  }
0xcf: {  	v59 =	vmul.f32 v49, v53;
	v30 =	vadd.f32 v52, v30;
	v37 =	vadd.f32 v37, v5  }
0xd0: {  	v50 =	vld [tilespmem:s0+$0xD1D0];
	v31 =	vadd.f32 v55, v31;
	v39 =	vmul.f32 v60, v53;
	v35 =	vadd.f32 v35, v6;
	[tilespmem:s0+$0x13A10] =	vst v34  }
0xd1: {  	v63 =	vld [tilespmem:s0+$0xD1F0];
	v29 =	vadd.f32 v57, v29;
	v60 =	vmul.f32 v61, v53;
	v36 =	vadd.f32 v36, v4;
	[tilespmem:s0+$0x13A20] =	vst v37  }
0xd2: {  	v51 =	vld [tilespmem:s0+$0xD200];
	v27 =	vadd.f32 v59, v27;
	v32 =	vadd.f32 v32, v2;
	[tilespmem:s0+$0x13A30] =	vst v35  }
0xd3: {  	v54 =	vld [tilespmem:s0+$0xD210];
	v33 =	vadd.f32 v33, v0;
	v26 =	vadd.f32 v60, v26;
	[tilespmem:s0+$0x13A40] =	vst v36  }
0xd4: {  	v58 =	vld [tilespmem:s0+$0xD230];
	v30 =	vadd.f32 v30, v3;
	v31 =	vadd.f32 v31, v1;
	[tilespmem:s0+$0x13A50] =	vst v32  }
0xd5: {  	v61 =	vmul.f32 v50, v53;
	v28 =	vadd.f32 v39, v28;
	v34 =	vld [tilespmem:s0+$0xD1E0];
	[tilespmem:s0+$0x13A60] =	vst v33;
	v26 =	vadd.f32 v26, v4  }
0xd6: {  	v56 =	vld [tilespmem:s0+$0xD220];
	v29 =	vadd.f32 v29, v7;
	v27 =	vadd.f32 v27, v6;
	[tilespmem:s0+$0x13A70] =	vst v30;
	v37 =	vmul.f32 v63, v53  }
0xd7: {  	v25 =	vadd.f32 v61, v25;
	v30 =	vld [tilespmem:s0+$0xD240];
	v35 =	vmul.f32 v51, v53;
	[tilespmem:s0+$0x13AC0] =	vst v26;
	v26 =	vbroadcast v38, $0x2  }
0xd8: {  	[tilespmem:s0+$0x13A80] =	vst v31;
	v31 =	vld [tilespmem:s0+$0xD250];
	v28 =	vadd.f32 v28, v5;
	v23 =	vadd.f32 v37, v23  }
0xd9: {  	[tilespmem:s0+$0x13A90] =	vst v29;
	v25 =	vadd.f32 v25, v2;
	v22 =	vadd.f32 v35, v22;
	v33 =	vmul.f32 v58, v26  }
0xda: {  	v29 =	vld [tilespmem:s0+$0xD260];
	[tilespmem:s0+$0x13AB0] =	vst v27;
	v63 =	vmul.f32 v54, v26;
	v23 =	vadd.f32 v23, v3;
	v34 =	vmul.f32 v34, v53  }
0xdb: {  	[tilespmem:s0+$0x13AA0] =	vst v28;
	v28 =	vld [tilespmem:s0+$0xD270];
	v32 =	vmul.f32 v56, v26;
	v22 =	vadd.f32 v22, v1;
	v19 =	vadd.f32 v33, v19  }
0xdc: {  	v27 =	vld [tilespmem:s0+$0xD280];
	[tilespmem:s0+$0x13AD0] =	vst v25;
	v30 =	vmul.f32 v30, v26;
	v21 =	vadd.f32 v63, v21;
	v24 =	vadd.f32 v34, v24  }
0xdd: {  	v62 =	vld [tilespmem:s0+$0xD290];
	v31 =	vmul.f32 v31, v26;
	[tilespmem:s0+$0x13AF0] =	vst v23;
	v20 =	vadd.f32 v32, v20;
	v19 =	vadd.f32 v19, v6  }
0xde: {  	v25 =	vld [tilespmem:s0+$0xD2A0];
	[tilespmem:s0+$0x13B00] =	vst v22;
	v18 =	vadd.f32 v30, v18;
	v24 =	vadd.f32 v24, v0  }
0xdf: {  	v29 =	vmul.f32 v29, v26;
	v23 =	vld [tilespmem:s0+$0xD2C0];
	v17 =	vadd.f32 v31, v17;
	v21 =	vadd.f32 v21, v7;
	[tilespmem:s0+$0x13B30] =	vst v19  }
0xe0: {  	v28 =	vmul.f32 v28, v26;
	v18 =	vadd.f32 v18, v4;
	v19 =	vbroadcast v38, $0x3;
	[tilespmem:s0+$0x13AE0] =	vst v24;
	v24 =	vld [tilespmem:s0+$0xD2B0]  }
0xe1: {  	v22 =	vld [tilespmem:s0+$0xD2D0];
	v26 =	vmul.f32 v27, v26;
	v16 =	vadd.f32 v29, v16;
	v20 =	vadd.f32 v20, v5;
	[tilespmem:s0+$0x13B10] =	vst v21  }
0xe2: {  	v17 =	vadd.f32 v17, v2;
	v14 =	vadd.f32 v28, v14;
	v21 =	vld [tilespmem:s0+$0xD2E0];
	[tilespmem:s0+$0x13B40] =	vst v18;
	v18 =	vmul.f32 v62, v19  }
0xe3: {  	v15 =	vadd.f32 v26, v15;
	v16 =	vadd.f32 v16, v0;
	[tilespmem:s0+$0x13B20] =	vst v20;
	v20 =	vld [tilespmem:s0+$0xD2F0];
	v25 =	vmul.f32 v25, v19  }
0xe4: {  	v30 =	vld [tilespmem:s0+$0xD300];
	[tilespmem:s0+$0x13B50] =	vst v17;
	v14 =	vadd.f32 v14, v3;
	v23 =	vmul.f32 v23, v19;
	v12 =	vadd.f32 v18, v12  }
0xe5: {  	v27 =	vld [tilespmem:s0+$0x2F0];
	v15 =	vadd.f32 v15, v1;
	[tilespmem:s0+$0x13B60] =	vst v16;
	v13 =	vadd.f32 v25, v13;
	v17 =	vmul.f32 v24, v19  }
0xe6: {  	v16 =	vmul.f32 v22, v19;
	[tilespmem:s0+$0x13B70] =	vst v14;
	v18 =	vld [tilespmem:s0+$0x300];
	v11 =	vadd.f32 v23, v11;
	v12 =	vadd.f32 v12, v7  }
0xe7: {  	[tilespmem:s0+$0x13B80] =	vst v15;
	v14 =	vmul.f32 v21, v19;
	v13 =	vadd.f32 v13, v5;
	v10 =	vadd.f32 v17, v10  }
0xe8: {  	v8 =	vadd.f32 v16, v8;
	v15 =	vmul.f32 v20, v19;
	v11 =	vadd.f32 v11, v4;
	[tilespmem:s0+$0x13B90] =	vst v12  }
0xe9: {  	v9 =	vadd.f32 v14, v9;
	v12 =	vmul.f32 v30, v19;
	[tilespmem:s0+$0x13BA0] =	vst v13;
	v10 =	vadd.f32 v10, v6  }
0xea: {  	v8 =	vadd.f32 v8, v2;
	v13 =	vadd.f32 v15, v27;
	[tilespmem:s0+$0x13BC0] =	vst v11  }
0xeb: {  	v9 =	vadd.f32 v9, v0;
	[tilespmem:s0+$0x13BB0] =	vst v10;
	v10 =	vadd.f32 v12, v18  }
0xec: {  	[tilespmem:s0+$0x13BD0] =	vst v8;
	v11 =	vadd.f32 v13, v3  }
0xed: {  	[tilespmem:s0+$0x13BE0] =	vst v9;
	v8 =	vadd.f32 v10, v1  }
0xee: {  	[tilespmem:s0+$0x13BF0] =	vst v11  }
0xef: {  	[tilespmem:s0+$0x13C00] =	vst v8;
	s0 =	simm.s32 $0x0  }
0xf0: {  	v35 =	vld [tilespmem:s0+$0x3700]  }
0xf1: {  	v38 =	vld [tilespmem:s0+$0x3710]  }
0xf2: {  	v36 =	vld [tilespmem:s0+$0x3720]  }
0xf3: {  	v37 =	vld [tilespmem:s0+$0x3730]  }
0xf4: {  	v32 =	vld [tilespmem:s0+$0x3740]  }
0xf5: {  	v33 =	vld [tilespmem:s0+$0x3750]  }
0xf6: {  	v30 =	vld [tilespmem:s0+$0x3760]  }
0xf7: {  	v31 =	vld [tilespmem:s0+$0x3770]  }
0xf8: {  	v29 =	vld [tilespmem:s0+$0x3780]  }
0xf9: {  	v28 =	vld [tilespmem:s0+$0x3790]  }
0xfa: {  	v27 =	vld [tilespmem:s0+$0x37A0]  }
0xfb: {  	v26 =	vld [tilespmem:s0+$0x37B0]  }
0xfc: {  	v25 =	vld [tilespmem:s0+$0x37C0]  }
0xfd: {  	v24 =	vld [tilespmem:s0+$0x37D0]  }
0xfe: {  	v23 =	vld [tilespmem:s0+$0x37E0]  }
0xff: {  	v22 =	vld [tilespmem:s0+$0x37F0]  }
0x100: {  	v21 =	vld [tilespmem:s0+$0x3800]  }
0x101: {  	v20 =	vld [tilespmem:s0+$0x3810]  }
0x102: {  	v19 =	vld [tilespmem:s0+$0x3820]  }
0x103: {  	v18 =	vld [tilespmem:s0+$0x3830]  }
0x104: {  	v17 =	vld [tilespmem:s0+$0x3840]  }
0x105: {  	v16 =	vld [tilespmem:s0+$0x3850]  }
0x106: {  	v14 =	vld [tilespmem:s0+$0x3860]  }
0x107: {  	v15 =	vld [tilespmem:s0+$0x3870]  }
0x108: {  	v13 =	vld [tilespmem:s0+$0x3880]  }
0x109: {  	v12 =	vld [tilespmem:s0+$0x3890]  }
0x10a: {  	v11 =	vld [tilespmem:s0+$0x38A0]  }
0x10b: {  	v10 =	vld [tilespmem:s0+$0x38B0]  }
0x10c: {  	v9 =	vld [tilespmem:s0+$0x38C0]  }
0x10d: {  	v8 =	vld [tilespmem:s0+$0x38D0]  }
0x10e: {  	s1 =	simm.s32 $0x13B80;
	v39 =	vld [tilespmem:s0+$0x10700]  }
0x10f: {  	s17 =	simm.s32 $0x800;
	v34 =	vld [tilespmem:s1+$0x0]  }
.LBB2_7:
0x110: {  	p0 =	sne.s32 s17, $0xC000;
	v40 =	vld [tilespmem:s0+$0x10710]  }
0x111: {  	v41 =	vld [tilespmem:s0+$0x10720]  }
0x112: {  	v42 =	vld [tilespmem:s0+$0x10730]  }
0x113: {  	v43 =	vld [tilespmem:s0+$0x10740]  }
0x114: {  	v44 =	vbroadcast v34, $0x0;
	v45 =	vld [tilespmem:s0+$0x10750];
	v46 =	vbroadcast v34, $0x1  }
0x115: {  	v48 =	vbroadcast v34, $0x2;
	v34 =	vbroadcast v34, $0x3;
	v47 =	vld [tilespmem:s0+$0x10760]  }
0x116: {  	v39 =	vmul.f32 v39, v44;
	v40 =	vmul.f32 v40, v44;
	v49 =	vld [tilespmem:s0+$0x10770]  }
0x117: {  	v41 =	vmul.f32 v41, v44;
	v42 =	vmul.f32 v42, v44;
	v50 =	vld [tilespmem:s0+$0x10780]  }
0x118: {  	v35 =	vadd.f32 v39, v35;
	v38 =	vadd.f32 v40, v38;
	v39 =	vmul.f32 v43, v44;
	v40 =	vld [tilespmem:s0+$0x10790]  }
0x119: {  	v36 =	vadd.f32 v41, v36;
	v37 =	vadd.f32 v42, v37;
	v41 =	vmul.f32 v45, v44;
	v42 =	vld [tilespmem:s0+$0x107A0]  }
0x11a: {  	v35 =	vadd.f32 v35, v7;
	v38 =	vadd.f32 v38, v5;
	v43 =	vmul.f32 v47, v44;
	v45 =	vld [tilespmem:s0+$0x107B0]  }
0x11b: {  	v36 =	vadd.f32 v36, v6;
	v37 =	vadd.f32 v37, v4;
	v44 =	vmul.f32 v49, v44;
	v47 =	vld [tilespmem:s0+$0x107C0]  }
0x11c: {  	v32 =	vadd.f32 v39, v32;
	v33 =	vadd.f32 v41, v33;
	[tilespmem:s0+$0x17000] =	vst v35;
	v35 =	vmul.f32 v50, v46;
	v39 =	vld [tilespmem:s0+$0x107D0]  }
0x11d: {  	v30 =	vadd.f32 v43, v30;
	[tilespmem:s0+$0x17010] =	vst v38;
	v31 =	vadd.f32 v44, v31;
	v38 =	vmul.f32 v40, v46;
	v40 =	vld [tilespmem:s0+$0x107E0]  }
0x11e: {  	v32 =	vadd.f32 v32, v2;
	v33 =	vadd.f32 v33, v0;
	[tilespmem:s0+$0x17020] =	vst v36;
	v36 =	vmul.f32 v42, v46;
	v41 =	vld [tilespmem:s0+$0x107F0]  }
0x11f: {  	v30 =	vadd.f32 v30, v3;
	[tilespmem:s0+$0x17030] =	vst v37;
	v31 =	vadd.f32 v31, v1;
	v37 =	vmul.f32 v45, v46;
	v42 =	vld [tilespmem:s0+$0x10800]  }
0x120: {  	v29 =	vadd.f32 v35, v29;
	v28 =	vadd.f32 v38, v28;
	[tilespmem:s0+$0x17040] =	vst v32;
	v32 =	vmul.f32 v47, v46;
	v35 =	vld [tilespmem:s0+$0x10810]  }
0x121: {  	v27 =	vadd.f32 v36, v27;
	[tilespmem:s0+$0x17050] =	vst v33;
	v26 =	vadd.f32 v37, v26;
	v33 =	vmul.f32 v39, v46;
	v36 =	vld [tilespmem:s0+$0x10820]  }
0x122: {  	v29 =	vadd.f32 v29, v7;
	v28 =	vadd.f32 v28, v5;
	[tilespmem:s0+$0x17060] =	vst v30;
	v30 =	vmul.f32 v40, v46;
	v37 =	vld [tilespmem:s0+$0x10830]  }
0x123: {  	v27 =	vadd.f32 v27, v6;
	[tilespmem:s0+$0x17070] =	vst v31;
	v26 =	vadd.f32 v26, v4;
	v31 =	vmul.f32 v41, v46;
	v38 =	vld [tilespmem:s0+$0x10840]  }
0x124: {  	v25 =	vadd.f32 v32, v25;
	v24 =	vadd.f32 v33, v24;
	[tilespmem:s0+$0x17080] =	vst v29;
	v29 =	vmul.f32 v42, v48;
	v32 =	vld [tilespmem:s0+$0x10850]  }
0x125: {  	v23 =	vadd.f32 v30, v23;
	[tilespmem:s0+$0x17090] =	vst v28;
	v22 =	vadd.f32 v31, v22;
	v28 =	vmul.f32 v35, v48;
	v30 =	vld [tilespmem:s0+$0x10860]  }
0x126: {  	v25 =	vadd.f32 v25, v2;
	v24 =	vadd.f32 v24, v0;
	[tilespmem:s0+$0x170A0] =	vst v27;
	v27 =	vmul.f32 v36, v48;
	v31 =	vld [tilespmem:s0+$0x10870]  }
0x127: {  	v23 =	vadd.f32 v23, v3;
	[tilespmem:s0+$0x170B0] =	vst v26;
	v22 =	vadd.f32 v22, v1;
	v26 =	vmul.f32 v37, v48;
	v33 =	vld [tilespmem:s0+$0x10880]  }
0x128: {  	v21 =	vadd.f32 v29, v21;
	v20 =	vadd.f32 v28, v20;
	[tilespmem:s0+$0x170C0] =	vst v25;
	v25 =	vmul.f32 v38, v48;
	v28 =	vld [tilespmem:s0+$0x10890]  }
0x129: {  	v19 =	vadd.f32 v27, v19;
	[tilespmem:s0+$0x170D0] =	vst v24;
	v18 =	vadd.f32 v26, v18;
	v24 =	vmul.f32 v32, v48;
	v26 =	vld [tilespmem:s0+$0x108A0]  }
0x12a: {  	v21 =	vadd.f32 v21, v7;
	v20 =	vadd.f32 v20, v5;
	[tilespmem:s0+$0x170E0] =	vst v23;
	v23 =	vmul.f32 v30, v48;
	v27 =	vld [tilespmem:s0+$0x108B0]  }
0x12b: {  	v19 =	vadd.f32 v19, v6;
	[tilespmem:s0+$0x170F0] =	vst v22;
	v18 =	vadd.f32 v18, v4;
	v22 =	vmul.f32 v31, v48;
	v29 =	vld [tilespmem:s0+$0x108C0]  }
0x12c: {  	v17 =	vadd.f32 v25, v17;
	v16 =	vadd.f32 v24, v16;
	[tilespmem:s0+$0x17100] =	vst v21;
	v21 =	vmul.f32 v33, v34;
	v24 =	vld [tilespmem:s0+$0x108D0]  }
0x12d: {  	v14 =	vadd.f32 v23, v14;
	[tilespmem:s0+$0x17110] =	vst v20;
	v15 =	vadd.f32 v22, v15;
	v20 =	vmul.f32 v28, v34;
	v22 =	vld [tilespmem:s0+$0x108E0]  }
0x12e: {  	v17 =	vadd.f32 v17, v2;
	v16 =	vadd.f32 v16, v0;
	[tilespmem:s0+$0x17120] =	vst v19;
	v19 =	vmul.f32 v26, v34;
	v23 =	vld [tilespmem:s0+$0x108F0]  }
0x12f: {  	v14 =	vadd.f32 v14, v3;
	[tilespmem:s0+$0x17130] =	vst v18;
	v15 =	vadd.f32 v15, v1;
	v18 =	vmul.f32 v27, v34;
	v25 =	vld [tilespmem:s0+$0x38E0]  }
0x130: {  	s18 =	sshra.s32 s17, $0x2;
	v13 =	vadd.f32 v21, v13;
	v12 =	vadd.f32 v20, v12;
	[tilespmem:s0+$0x17140] =	vst v17;
	v17 =	vmul.f32 v29, v34;
	v20 =	vld [tilespmem:s0+$0x38F0]  }
0x131: {  	v11 =	vadd.f32 v19, v11;
	v35 =	vld [tilespmem:s18+$0x3700];
	[tilespmem:s0+$0x17150] =	vst v16;
	v10 =	vadd.f32 v18, v10;
	v16 =	vmul.f32 v24, v34  }
0x132: {  	v13 =	vadd.f32 v13, v7;
	v12 =	vadd.f32 v12, v5;
	v38 =	vld [tilespmem:s18+$0x3710];
	[tilespmem:s0+$0x17160] =	vst v14;
	v14 =	vmul.f32 v22, v34  }
0x133: {  	v11 =	vadd.f32 v11, v6;
	v36 =	vld [tilespmem:s18+$0x3720];
	[tilespmem:s0+$0x17170] =	vst v15;
	v10 =	vadd.f32 v10, v4;
	v15 =	vmul.f32 v23, v34  }
0x134: {  	v9 =	vadd.f32 v17, v9;
	v8 =	vadd.f32 v16, v8;
	v37 =	vld [tilespmem:s18+$0x3730];
	[tilespmem:s0+$0x17180] =	vst v13  }
0x135: {  	v32 =	vld [tilespmem:s18+$0x3740];
	[tilespmem:s0+$0x17190] =	vst v12;
	v12 =	vadd.f32 v14, v25;
	v13 =	vadd.f32 v15, v20  }
0x136: {  	v9 =	vadd.f32 v9, v2;
	v8 =	vadd.f32 v8, v0;
	v33 =	vld [tilespmem:s18+$0x3750];
	[tilespmem:s0+$0x171A0] =	vst v11  }
0x137: {  	v30 =	vld [tilespmem:s18+$0x3760];
	[tilespmem:s0+$0x171B0] =	vst v10;
	v10 =	vadd.f32 v12, v3;
	v11 =	vadd.f32 v13, v1  }
0x138: {  	v31 =	vld [tilespmem:s18+$0x3770];
	[tilespmem:s0+$0x171C0] =	vst v9  }
0x139: {  	v29 =	vld [tilespmem:s18+$0x3780];
	[tilespmem:s0+$0x171D0] =	vst v8  }
0x13a: {  	v28 =	vld [tilespmem:s18+$0x3790];
	[tilespmem:s0+$0x171E0] =	vst v10  }
0x13b: {  	v27 =	vld [tilespmem:s18+$0x37A0];
	[tilespmem:s0+$0x171F0] =	vst v11;
	s0 =	smov.u32 s18  }
0x13c: {  	v26 =	vld [tilespmem:s0+$0x37B0]  }
0x13d: {  	v25 =	vld [tilespmem:s0+$0x37C0]  }
0x13e: {  	v24 =	vld [tilespmem:s0+$0x37D0]  }
0x13f: {  	v23 =	vld [tilespmem:s0+$0x37E0]  }
0x140: {  	v22 =	vld [tilespmem:s0+$0x37F0]  }
0x141: {  	v21 =	vld [tilespmem:s0+$0x3800]  }
0x142: {  	v20 =	vld [tilespmem:s0+$0x3810]  }
0x143: {  	v19 =	vld [tilespmem:s0+$0x3820]  }
0x144: {  	v18 =	vld [tilespmem:s0+$0x3830]  }
0x145: {  	v17 =	vld [tilespmem:s0+$0x3840]  }
0x146: {  	v16 =	vld [tilespmem:s0+$0x3850]  }
0x147: {  	v14 =	vld [tilespmem:s0+$0x3860]  }
0x148: {  	v15 =	vld [tilespmem:s0+$0x3870]  }
0x149: {  	v13 =	vld [tilespmem:s0+$0x3880]  }
0x14a: {  	v12 =	vld [tilespmem:s0+$0x3890]  }
0x14b: {  	v11 =	vld [tilespmem:s0+$0x38A0]  }
.Ltmp2:
0x14c: {  	v10 =	vld [tilespmem:s0+$0x38B0];
	(pc) =	sbr.rel @p0 .LBB2_7-.Ltmp2, $4  }
0x14d: {  	v9 =	vld [tilespmem:s0+$0x38C0]  }
0x14e: {  	v8 =	vld [tilespmem:s0+$0x38D0]  }
0x14f: {  	s1 =	sadd.s32 $0x4, s1;
	v39 =	vld [tilespmem:s0+$0x10700]  }
0x150: {  	s17 =	sadd.s32 $0x800, s17;
	v34 =	vld [tilespmem:s1+$0x0]  }
0x151: {  	v40 =	vld [tilespmem:s0+$0x10710]  }
0x152: {  	v41 =	vld [tilespmem:s0+$0x10720]  }
0x153: {  	v42 =	vld [tilespmem:s0+$0x10730]  }
0x154: {  	v43 =	vld [tilespmem:s0+$0x10740]  }
0x155: {  	v45 =	vld [tilespmem:s0+$0x10750]  }
0x156: {  	v46 =	vld [tilespmem:s0+$0x10760];
	v44 =	vbroadcast v34, $0x0  }
0x157: {  	v47 =	vld [tilespmem:s0+$0x10770];
	v63 =	vbroadcast v34, $0x1  }
0x158: {  	v48 =	vld [tilespmem:s0+$0x10780];
	v39 =	vmul.f32 v39, v44;
	v40 =	vmul.f32 v40, v44  }
0x159: {  	v49 =	vld [tilespmem:s0+$0x107A0];
	v41 =	vmul.f32 v41, v44;
	v42 =	vmul.f32 v42, v44  }
0x15a: {  	v58 =	vld [tilespmem:s0+$0x107B0];
	v59 =	vmul.f32 v43, v44;
	v61 =	vmul.f32 v45, v44  }
0x15b: {  	v62 =	vmul.f32 v46, v44;
	v35 =	vadd.f32 v39, v35;
	v38 =	vadd.f32 v40, v38  }
0x15c: {  	v57 =	vld [tilespmem:s0+$0x10790];
	v46 =	vmul.f32 v47, v44;
	v36 =	vadd.f32 v41, v36;
	v37 =	vadd.f32 v42, v37  }
0x15d: {  	v50 =	vld [tilespmem:s0+$0x107C0];
	v48 =	vmul.f32 v48, v63;
	v32 =	vadd.f32 v59, v32;
	v33 =	vadd.f32 v61, v33  }
0x15e: {  	v60 =	vld [tilespmem:s0+$0x107E0];
	v53 =	vmul.f32 v49, v63;
	v30 =	vadd.f32 v62, v30;
	v31 =	vadd.f32 v46, v31  }
0x15f: {  	v51 =	vld [tilespmem:s0+$0x10820];
	v55 =	vmul.f32 v58, v63;
	v29 =	vadd.f32 v48, v29;
	v35 =	vadd.f32 v35, v7  }
0x160: {  	v52 =	vld [tilespmem:s0+$0x10830];
	v27 =	vadd.f32 v53, v27;
	v38 =	vadd.f32 v38, v5  }
0x161: {  	v54 =	vld [tilespmem:s0+$0x10840];
	v26 =	vadd.f32 v55, v26;
	v36 =	vadd.f32 v36, v6;
	[tilespmem:s0+$0x17000] =	vst v35  }
0x162: {  	v39 =	vmul.f32 v57, v63;
	v40 =	vld [tilespmem:s0+$0x108C0];
	v37 =	vadd.f32 v37, v4;
	v32 =	vadd.f32 v32, v2;
	[tilespmem:s0+$0x17010] =	vst v38  }
0x163: {  	v42 =	vld [tilespmem:s0+$0x108E0];
	v33 =	vadd.f32 v33, v0;
	v30 =	vadd.f32 v30, v3;
	[tilespmem:s0+$0x17020] =	vst v36  }
0x164: {  	v47 =	vld [tilespmem:s0+$0x10810];
	v57 =	vmul.f32 v50, v63;
	v31 =	vadd.f32 v31, v1;
	v28 =	vadd.f32 v39, v28;
	[tilespmem:s0+$0x17030] =	vst v37  }
0x165: {  	v58 =	vld [tilespmem:s0+$0x10860];
	v29 =	vadd.f32 v29, v7;
	v27 =	vadd.f32 v27, v6;
	[tilespmem:s0+$0x17040] =	vst v32  }
0x166: {  	v43 =	vbroadcast v34, $0x3;
	v46 =	vld [tilespmem:s0+$0x38E0];
	v26 =	vadd.f32 v26, v4;
	v25 =	vadd.f32 v57, v25;
	[tilespmem:s0+$0x17050] =	vst v33  }
0x167: {  	v56 =	vld [tilespmem:s0+$0x10850];
	[tilespmem:s0+$0x17060] =	vst v30;
	v28 =	vadd.f32 v28, v5;
	v38 =	vmul.f32 v60, v63;
	v60 =	vbroadcast v34, $0x2  }
0x168: {  	v59 =	vld [tilespmem:s0+$0x10870];
	[tilespmem:s0+$0x17070] =	vst v31;
	v25 =	vadd.f32 v25, v2;
	v49 =	vmul.f32 v40, v43;
	v53 =	vmul.f32 v42, v43  }
0x169: {  	v62 =	vld [tilespmem:s0+$0x10890];
	[tilespmem:s0+$0x17080] =	vst v29;
	v23 =	vadd.f32 v38, v23;
	v32 =	vmul.f32 v47, v60;
	v33 =	vmul.f32 v51, v60  }
0x16a: {  	[tilespmem:s0+$0x170A0] =	vst v27;
	v30 =	vmul.f32 v52, v60;
	v31 =	vmul.f32 v54, v60;
	v55 =	vadd.f32 v49, v9  }
0x16b: {  	v45 =	vld [tilespmem:s0+$0x10800];
	[tilespmem:s0+$0x17090] =	vst v28;
	v28 =	vmul.f32 v58, v60;
	v58 =	vadd.f32 v53, v46;
	v23 =	vadd.f32 v23, v3  }
0x16c: {  	v41 =	vld [tilespmem:s0+$0x108D0];
	[tilespmem:s0+$0x170B0] =	vst v26;
	v29 =	vmul.f32 v56, v60;
	v20 =	vadd.f32 v32, v20;
	v19 =	vadd.f32 v33, v19  }
0x16d: {  	v44 =	vld [tilespmem:s0+$0x108F0];
	[tilespmem:s0+$0x170C0] =	vst v25;
	v26 =	vmul.f32 v59, v60;
	v18 =	vadd.f32 v30, v18;
	v59 =	vadd.f32 v55, v2  }
0x16e: {  	v35 =	vld [tilespmem:s0+$0x107D0];
	v25 =	vmul.f32 v62, v43;
	v17 =	vadd.f32 v31, v17;
	v62 =	vadd.f32 v58, v3;
	[tilespmem:s0+$0x170E0] =	vst v23  }
0x16f: {  	v36 =	vld [tilespmem:s0+$0x107F0];
	v16 =	vadd.f32 v29, v16;
	v20 =	vadd.f32 v20, v5;
	[tilespmem:s0+$0x171C0] =	vst v59  }
0x170: {  	v48 =	vld [tilespmem:s0+$0x38F0];
	v14 =	vadd.f32 v28, v14;
	v19 =	vadd.f32 v19, v6;
	[tilespmem:s0+$0x171E0] =	vst v62  }
0x171: {  	v61 =	vld [tilespmem:s0+$0x10880];
	v51 =	vmul.f32 v41, v43;
	v15 =	vadd.f32 v26, v15;
	v18 =	vadd.f32 v18, v4;
	[tilespmem:s0+$0x17110] =	vst v20  }
0x172: {  	v12 =	vadd.f32 v25, v12;
	v17 =	vadd.f32 v17, v2;
	[tilespmem:s0+$0x17120] =	vst v19  }
0x173: {  	v57 =	vmul.f32 v44, v43;
	v8 =	vadd.f32 v51, v8;
	v16 =	vadd.f32 v16, v0;
	[tilespmem:s0+$0x17130] =	vst v18  }
0x174: {  	v39 =	vld [tilespmem:s0+$0x108B0];
	v35 =	vmul.f32 v35, v63;
	v36 =	vmul.f32 v36, v63;
	v14 =	vadd.f32 v14, v3;
	[tilespmem:s0+$0x17140] =	vst v17  }
0x175: {  	v38 =	vld [tilespmem:s0+$0x108A0];
	v63 =	vmul.f32 v45, v60;
	v60 =	vadd.f32 v57, v48;
	v15 =	vadd.f32 v15, v1;
	[tilespmem:s0+$0x17150] =	vst v16  }
0x176: {  	v45 =	vmul.f32 v61, v43;
	v52 =	vadd.f32 v12, v5;
	v61 =	vadd.f32 v8, v0;
	[tilespmem:s0+$0x17160] =	vst v14  }
0x177: {  	v24 =	vadd.f32 v35, v24;
	v22 =	vadd.f32 v36, v22;
	[tilespmem:s0+$0x17170] =	vst v15  }
0x178: {  	v21 =	vadd.f32 v63, v21;
	v63 =	vadd.f32 v60, v1;
	[tilespmem:s0+$0x17190] =	vst v52  }
0x179: {  	v23 =	vmul.f32 v39, v43;
	[tilespmem:s0+$0x171D0] =	vst v61;
	v24 =	vadd.f32 v24, v0  }
0x17a: {  	v47 =	vmul.f32 v38, v43;
	v13 =	vadd.f32 v45, v13;
	v22 =	vadd.f32 v22, v1;
	[tilespmem:s0+$0x171F0] =	vst v63  }
0x17b: {  	v10 =	vadd.f32 v23, v10;
	v21 =	vadd.f32 v21, v7;
	[tilespmem:s0+$0x170D0] =	vst v24  }
0x17c: {  	v11 =	vadd.f32 v47, v11;
	v50 =	vadd.f32 v13, v7;
	[tilespmem:s0+$0x170F0] =	vst v22  }
0x17d: {  	v56 =	vadd.f32 v10, v4;
	[tilespmem:s0+$0x17100] =	vst v21  }
0x17e: {  	s1 =	smul.u32 $0xD00, s12;
	v54 =	vadd.f32 v11, v6;
	[tilespmem:s0+$0x17180] =	vst v50  }
0x17f: {  	s7 =	sadd.s32 $0x1, s7;
	[tilespmem:s0+$0x171B0] =	vst v56  }
0x180: {  	p0 =	sne.s32 s7, $0x20;
	s19 =	sadd.s32 s10, s1;
	[tilespmem:s0+$0x171A0] =	vst v54  }
0x181: {  	[hbm4b:s19+s6] =	stream.linear.scatter [tilespmem:s30], [sflag:$0x2], $0x3200, $0x38;
	[tilespmem:$0x1A400] =	vst v63  }
.Ltmp3:
0x182: {  	s0 =	sadd.s32 $0x680, s19;
	(pc) =	sbr.rel @p0 .LBB2_2-.Ltmp3, $4  }
0x183: {  	[hbm4b:s0+s6] =	stream.linear.scatter [tilespmem:s31], [sflag:$0x2], $0x3200, $0x38;
	[tilespmem:$0x1A400] =	vst v63  }
0x184: {  	_ =	swait.ge [sflag:s13], $0x6400  }
0x185: {  	[sflag:s13] =	ssyncset.done $0x0  }
0x186: {  	[sflag:s13] =	ssyncadd.s32 $0xFFFF9C00  }
0x187: {  	s1 =	rddreg [dreg:$0x8]  }
0x188: {  	s0 =	rddreg [dreg:$0x7];
	s1 =	sadd.s32 $0x1, s1  }
0x189: {  	p0 =	sne.s32 s1, s0  }
.Ltmp4:
0x18a: {  	_ = 	snop;
	(pc) =	sbr.rel @p0 .LBB2_1-.Ltmp4, $1  }
0x18b: {  	_ =	sdelay $0x3  }
0x18c: {  	_ =	sfence.sel $0x180000  }
0x18d: {  	[bflag:$0x0] =	sbarrier.arrive $0xFFFF  }
0x18e: {  	_ =	strace $0x90000047  }
0x18f: {  	s0 =	stileid.u32;
	[bflag:$0x2] =	sbarrier.arrive $0xFFFF  }
0x190: {  	p0 =	sne.s32 s0, $0x0;
	s0 =	rddreg [dreg:$0x6]  }
0x191: {  	s0 =	sadd.s32 @!p0 $0x100000, s0  }
0x192: {  	[sflag:s0] =	ssyncadd.tile.s32 @!p0 $0x1;
	_ =	shalt  }
.Lfunc_end2:
_tile_overlayer_lowered:
.L_overlay_start_2:
0x193: {  	(tag) =	ssettag $0x2  }
0x194: {  	s0 =	rddreg [dreg:$0x0];
	s2 =	stileid.u32  }
0x195: {  	s1 =	rddreg [dreg:$0x1];
	p0 =	sne.s32 s2, $0x0  }
0x196: {  	s3 =	rddreg [dreg:$0x2];
	[bflag:$0x3] =	sbarrier.arrive $0xFFFF;
	s2 =	simm.s32 @!p0 $0x1C02  }
0x197: {  	[timem:s3], [sflag:s2] =	dma.local @!p0 [hbm:s0], s1  }
0x198: {  	s0 =	simm.s32 @!p0 $0x2  }
0x199: {  	_ =	swait.ge @!p0 [sflag:s0], s1  }
0x19a: {  	s1 =	ssub.s32 @!p0 $0x0, s1;
	[sflag:s0] =	ssyncset.done @!p0 $0x0  }
0x19b: {  	[sflag:s0] =	ssyncadd.s32 @!p0 s1  }
0x19c: {  	[bflag:$0x3] =	sbarrier.arrive $0xFFFF  }
0x19d: {  	_ =	shalt  }

// kernel: sparse-core-data-format-call.cloned.1.call-start
scs
called_computation_lowered:
.L_overlay_start_0:
0x0: {  	s2 =	sld [smem:$0x3FD9]  }
0x1: {  	s3 =	sld [smem:$0x3FFE];
	_ =	sdelay $0x1  }
0x2: {  	s1 =	srdreg.scid  }
0x3: {  	s0 =	sand.u32 $0x1, s1  }
0x4: {  	s18 =	sshll.u32 s0, $0xA;
	s2 =	sadd.s32 s3, s2  }
0x5: {  	s2 =	sadd.s32 s2, s18  }
0x6: {  	[smem:$0x3FC1] =	sst s2  }
0x7: {  	_ = 	snop  }
0x8: {  	s2 =	sld [smem:$0x3FD0];
	(tm) =	ssettm $0x1  }
0x9: {  	s19 =	sld [smem:$0x3FFB];
	_ =	sdelay $0x3  }
0xa: {  	_ =	strace s19  }
0xb: {  	s3 =	sld [smem:$0x3FFC];
	_ =	sdelay $0x3  }
0xc: {  	_ =	strace s3  }
0xd: {  	s3 =	sld [smem:$0x3FFD];
	_ =	sdelay $0x3  }
0xe: {  	_ =	strace s3  }
0xf: {  	_ =	strace $0x8FFFFFFF  }
0x10: {  	s20 =	sld [smem:$0x3FDB];
	_ =	sdelay $0x1  }
0x11: {  	s4 =	simm.s32 $_scs_section_size  }
0x12: {  	s5 =	simm.s32 $_size__tile_overlayer_lowered;
	s6 =	simm.s32 $_tile_overlayer_lowered  }
0x13: {  	s23 =	simm.s32 $0x1BFF;
	s22 =	sshll.u32 s6, $0x1;
	s3 =	sadd.s32 s4, s20  }
0x14: {  	s7 =	simm.s32 $0x0;
	s21 =	sshll.u32 s5, $0x1;
	s5 =	sadd.s32 s22, s3  }
0x15: {  	[timem:s7], [sflag:s23] =	dma.local [hbm:s5], s21  }
0x16: {  	_ =	swait.ge [sflag:s23], s21  }
0x17: {  	s4 =	ssub.s32 $0x0, s21;
	[sflag:s23] =	ssyncset.done $0x0  }
0x18: {  	[sflag:s23] =	ssyncadd.s32 s4;
	_ =	sdelay $0x1  }
0x19: {  	s24 =	simm.s32 $0x1B8B  }
0x1a: {  	_ =	swait.ge [sflag:s24], $0x1  }
0x1b: {  	[sflag:s24] =	ssyncset.done $0x0  }
0x1c: {  	s26 =	simm.s32 $0x1B8E;
	s25 =	sld [smem:$0x3FFE];
	[sflag:s24] =	ssyncadd.s32 $0xFFFFFFFF  }
0x1d: {  	s27 =	simm.s32 $execute0_lowered;
	[smem:$0x3FD2] =	sst s26  }
0x1e: {  	s5 =	sshll.u32 s27, $0x1;
	_ =	strace $0x80000049;
	[dreg:$0x1] =	wrdreg $0xFFFFFFFF  }
0x1f: {  	s28 =	simm.s32 $_size_execute0_lowered;
	s3 =	sadd.s32 s3, s5;
	[dreg:$0x0] =	wrdreg $0x0  }
0x20: {  	s5 =	sshll.u32 s28, $0x1;
	[dreg:$0x2] =	wrdreg s3  }
0x21: {  	[dreg:$0x3] =	wrdreg s5  }
0x22: {  	[dreg:$0x4] =	wrdreg $0xC0  }
0x23: {  	_ =	task [dreg:s7], $0x5FFFF  }
0x24: {  	[dreg:$0x1] =	wrdreg $0xFFFFFFFF  }
0x25: {  	[dreg:$0x0] =	wrdreg $0x60  }
0x26: {  	[dreg:$0x2] =	wrdreg s25  }
0x27: {  	[dreg:$0x3] =	wrdreg s2  }
0x28: {  	[dreg:$0x4] =	wrdreg $0x9  }
0x29: {  	_ =	task.clear_ibuf [dreg:s7], $0x5FFFF;
	_ =	strace $0x90000049  }
0x2a: {  	s29 =	simm.s32 $0x9;
	_ =	strace $0x8000004B  }
0x2b: {  	_ =	swait.ge [sflag:s29], $0x1  }
0x2c: {  	[sflag:s29] =	ssyncadd.s32 $0xFFFFFFFF  }
0x2d: {  	_ =	strace $0x9000004B  }
0x2e: {  	_ =	sfence  }
0x2f: {  	s30 =	sld [smem:$0x0];
	_ =	sdelay $0x2  }
0x30: {  	s31 =	sshll.u32 s1, $0xD;
	s1 =	sshrl.u32 s1, $0x2  }
0x31: {  	s3 =	sand.u32 $0x4000, s31;
	s1 =	sadd.s32 s1, s30  }
0x32: {  	s0 =	sor.u32 s3, s0;
	s1 =	sshll.u32 s1, $0x11  }
0x33: {  	s0 =	sor.u32 s1, s0  }
0x34: {  	s0 =	sadd.s32 $0x8F2B, s0  }
0x35: {  	[sflag:s0] =	ssyncadd.remote.s32 $0x1  }
0x36: {  	_ =	sfence.sel $0xFFFF  }
0x37: {  	[dreg:$0x0] =	wrdreg $0xFFFFFFFF;
	(pc) =	sbr.abs _section_cstart, $3  }
0x38: {  	[dreg:$0x1] =	wrdreg $0xFFFFFFFF  }
0x39: {  	_ =	task.clear_ibuf [dreg:s7], $0x2FFFF;
	_ =	strace $0x9FFFFFFF  }
0x3a: {  	(tm) =	ssettm $0x7FFFFFFF  }
0x3b: {  	_ =	shalt  }
tec
execute0_lowered:
.L_overlay_start_1:
0x0: {  	(tag) =	ssettag $0x1  }
0x1: {  	s0 =	stileid.u32;
	s1 =	srdreg.scid  }
0x2: {  	s5 =	rddreg [dreg:$0x0];
	s2 =	sshll.u32 s0, $0x5;
	s1 =	sshll.u32 s1, $0x9  }
0x3: {  	s3 =	rddreg [dreg:$0x1];
	s6 =	simm.s32 $0x1;
	s1 =	sor.u32 s2, s1  }
0x4: {  	s8 =	simm.s32 $0x2;
	s14 =	simm.s32 $0x0;
	s2 =	sand.u32 $0x380, s1  }
0x5: {  	s9 =	simm.s32 $0x80;
	s10 =	simm.s32 $0x6400;
	s4 =	ssub.s32 $0x400, s2  }
0x6: {  	s11 =	simm.s32 $0x0;
	s15 =	simm.s32 $0x0;
	s31 =	sand.u32 $0x380, s4  }
0x7: {  	s13 =	simm.s32 $0x0;
	s1 =	rddreg [dreg:$0x2];
	p0 =	sne.s32 s31, $0x0  }
.Ltmp0:
0x8: {  	s4 =	sshrl.u32 s4, $0xA;
	s6 =	simm.s32 @!p0 $0x0;
	(pc) =	sbr.rel .LBB1_1-.Ltmp0, $4  }
0x9: {  	_ =	strace $0x8000004A;
	s7 =	sshll.u32 s2, $0x4;
	s6 =	sadd.s32 s6, s4  }
0xa: {  	s7 =	sadd.s32 s7, s5;
	s4 =	simm.s32 $0x1;
	s5 =	smul.u32 $0x32, s6  }
0xb: {  	s7 =	sadd.s32 $0x350800, s7;
	s6 =	sand.u32 $0x3, s0;
	[sflag:s4] =	ssyncpa.u1 $0x0  }
0xc: {  	[sflag:s8] =	ssyncpa.u1 $0x0;
	s12 =	smov.u32 s6;
	s8 =	sor.u32 $0x1, s5  }
.LBB1_4:
0xd: {  	_ =	sdelay $0x3  }
0xe: {  	[tilespmem:v0+s17+$0xFFFFFFA0 ss:$0x1] =	vst.idx.msk $0xffff, v6  }
0xf: {  	v56 =	vld.idx.msk [tilespmem:v1+s18+$0x30 ss:$0x1], $0xffff;
	[tilespmem:v0+s17+$0xFFFFFFB0 ss:$0x1] =	vst.idx.msk $0xffff, v4  }
0x10: {  	v57 =	vld.idx.msk [tilespmem:v1+s18+$0xFFFFFFC0 ss:$0x1], $0xffff;
	[tilespmem:v0+s17+$0xFFFFFFC0 ss:$0x1] =	vst.idx.msk $0xffff, v2  }
0x11: {  	v58 =	vld.idx.msk [tilespmem:v1+s18+$0xFFFFFFD0 ss:$0x1], $0xffff;
	[tilespmem:v0+s17+$0xFFFFFFD0 ss:$0x1] =	vst.idx.msk $0xffff, v3  }
0x12: {  	v59 =	vld.idx.msk [tilespmem:v1+s18+$0xFFFFFFE0 ss:$0x1], $0xffff;
	[tilespmem:v0+s17+$0xFFFFFFE0 ss:$0x1] =	vst.idx.msk $0xffff, v5  }
0x13: {  	v60 =	vld.idx.msk [tilespmem:v1+s18+$0xFFFFFFF0 ss:$0x1], $0xffff;
	[tilespmem:v0+s17+$0xFFFFFFF0 ss:$0x1] =	vst.idx.msk $0xffff, v7  }
0x14: {  	v61 =	vld.idx.msk [tilespmem:v1+s18+$0x0 ss:$0x1], $0xffff;
	s15 =	sand.u32 $0x1FFFFFF, s15;
	[tilespmem:v0+s18+$0x0 ss:$0x1] =	vst.idx.msk $0xffff, v56  }
0x15: {  	v62 =	vld.idx.msk [tilespmem:v1+s18+$0x10 ss:$0x1], $0xffff;
	s31 =	smulhi.u32 $0x147AE15, s15;
	[tilespmem:v0+s18+$0xFFFFFF90 ss:$0x1] =	vst.idx.msk $0xffff, v57  }
0x16: {  	v63 =	vld.idx.msk [tilespmem:v1+s18+$0x20 ss:$0x1], $0xffff;
	[tilespmem:v0+s18+$0xFFFFFFA0 ss:$0x1] =	vst.idx.msk $0xffff, v58  }
0x17: {  	s17 =	smul.u32 $0xC8, s31;
	[tilespmem:v0+s18+$0xFFFFFFB0 ss:$0x1] =	vst.idx.msk $0xffff, v59  }
0x18: {  	s14 =	smul.u32 $0xC80, s14;
	[tilespmem:v0+s18+$0xFFFFFFC0 ss:$0x1] =	vst.idx.msk $0xffff, v60  }
0x19: {  	[tilespmem:v0+s18+$0xFFFFFFD0 ss:$0x1] =	vst.idx.msk $0xffff, v61;
	s15 =	ssub.s32 s15, s17  }
0x1a: {  	s14 =	sadd.s32 s3, s14;
	[tilespmem:v0+s18+$0xFFFFFFE0 ss:$0x1] =	vst.idx.msk $0xffff, v62;
	s15 =	sshll.u32 s15, $0x4  }
0x1b: {  	[tilespmem:v0+s18+$0xFFFFFFF0 ss:$0x1] =	vst.idx.msk $0xffff, v63;
	s14 =	sadd.s32 s15, s14  }
0x1c: {  	[hbm4b:s14+s9] =	stream.strided.scatter [tilespmem:s16], [sflag:$0x2], $0x4000, s10, s9, $0x38;
	[tilespmem:$0x10000] =	vst v63  }
.LBB1_5:
0x1d: {  	s16 =	sadd.s32 $0x4, s12  }
0x1e: {  	p1 =	sgt.s32 s16, $0xC7  }
0x1f: {  	s16 =	smov.u32 @p1 s6;
	p1 =	sne.s32 s13, s8  }
.Ltmp1:
0x20: {  	p0 =	slt.u32 s13, $0x2;
	(pc) =	sbr.rel @!p1 .LBB1_6-.Ltmp1, $4  }
0x21: {  	s14 =	simm.s32 @!p0 $0x2  }
0x22: {  	s17 =	sadd.s32 $0x1, s13;
	s15 =	smov.u32 s12;
	_ =	swait.ge @!p0 [sflag:s14], $0x4000  }
0x23: {  	s11 =	sadd.s32 $0x4000, s11;
	s13 =	smov.u32 s17;
	[sflag:s14] =	ssyncset.done @!p0 $0x0  }
0x24: {  	s12 =	smov.u32 s16;
	[sflag:s14] =	ssyncadd.s32 @!p0 $0xFFFFC000;
	s14 =	smov.u32 s2  }
.LBB1_1:
0x25: {  	p0 =	sge.u32 s13, s5  }
0x26: {  	s16 =	sxor.u32 @!p0 $0xFFFFFFFF, s13  }
0x27: {  	s31 =	sadd.s32 $0xFFFFFFFF, s13;
	s17 =	sshll.u32 @!p0 s12, $0xE;
	s16 =	sshll.u32 @!p0 s16, $0xE  }
0x28: {  	s18 =	simm.s32 @!p0 $0x0;
	s17 =	sadd.s32 @!p0 s17, s7;
	s16 =	sand.u32 @!p0 $0x4000, s16  }
0x29: {  	[tilespmem:s16], [sflag:$0x1] =	stream.linear.gather @!p0 [hbm4b:s17+s18], $0x4000, $0x38;
	[tilespmem:$0x10000] =	vst v63  }
0x2a: {  	p0 =	sge.u32 s31, s5  }
.Ltmp2:
0x2b: {  	_ = 	snop;
	(pc) =	sbr.rel @p0 .LBB1_5-.Ltmp2, $1  }
0x2c: {  	_ =	sdelay $0x3  }
0x2d: {  	s16 =	sand.u32 $0x4000, s11  }
0x2e: {  	s17 =	sor.u32 $0x40, s16  }
0x2f: {  	v1 =	vmov s17;
	_ =	sdelay $0x1  }
0x30: {  	_ =	swait.ge [sflag:s4], $0x4000  }
0x31: {  	[sflag:s4] =	ssyncset.done $0x0  }
0x32: {  	[sflag:s4] =	ssyncadd.s32 $0xFFFFC000;
	s17 =	simm.s32 $0x0  }
0x33: {  	s16 =	sor.u32 $0x8070, s16;
	v7 =	vld.idx.msk [tilespmem:v1+s17+$0x30 ss:$0x1], $0xffff  }
0x34: {  	v0 =	vmov s16;
	v8 =	vld.idx.msk [tilespmem:v1+s17+$0xFFFFFFC0 ss:$0x1], $0xffff  }
0x35: {  	v6 =	vld.idx.msk [tilespmem:v1+s17+$0xFFFFFFD0 ss:$0x1], $0xffff  }
0x36: {  	v4 =	vld.idx.msk [tilespmem:v1+s17+$0xFFFFFFE0 ss:$0x1], $0xffff  }
0x37: {  	v2 =	vld.idx.msk [tilespmem:v1+s17+$0xFFFFFFF0 ss:$0x1], $0xffff  }
0x38: {  	s31 =	sshll.u32 s13, $0xE;
	v3 =	vld.idx.msk [tilespmem:v1+s17+$0x0 ss:$0x1], $0xffff  }
0x39: {  	s16 =	sand.u32 $0x4000, s31;
	v5 =	vld.idx.msk [tilespmem:v1+s17+$0x10 ss:$0x1], $0xffff;
	[tilespmem:v0+s17+$0x0 ss:$0x1] =	vst.idx.msk $0xffff, v7  }
0x3a: {  	s18 =	simm.s32 $0x80;
	s19 =	simm.s32 $0x400;
	s16 =	sor.u32 $0x8000, s16;
	[tilespmem:v0+s17+$0xFFFFFF90 ss:$0x1] =	vst.idx.msk $0xffff, v8;
	v7 =	vld.idx.msk [tilespmem:v1+s17+$0x20 ss:$0x1], $0xffff  }
.LBB1_3:
0x3b: {  	p0 =	sne.s32 s19, $0xFE00;
	v8 =	vld.idx.msk [tilespmem:v1+s18+$0x30 ss:$0x1], $0xffff;
	[tilespmem:v0+s17+$0xFFFFFFA0 ss:$0x1] =	vst.idx.msk $0xffff, v6  }
0x3c: {  	v9 =	vld.idx.msk [tilespmem:v1+s18+$0xFFFFFFC0 ss:$0x1], $0xffff;
	[tilespmem:v0+s17+$0xFFFFFFB0 ss:$0x1] =	vst.idx.msk $0xffff, v4  }
0x3d: {  	v6 =	vld.idx.msk [tilespmem:v1+s18+$0xFFFFFFD0 ss:$0x1], $0xffff;
	[tilespmem:v0+s17+$0xFFFFFFC0 ss:$0x1] =	vst.idx.msk $0xffff, v2  }
.Ltmp3:
0x3e: {  	v4 =	vld.idx.msk [tilespmem:v1+s18+$0xFFFFFFE0 ss:$0x1], $0xffff;
	[tilespmem:v0+s17+$0xFFFFFFD0 ss:$0x1] =	vst.idx.msk $0xffff, v3;
	(pc) =	sbr.rel @p0 .LBB1_3-.Ltmp3, $4  }
0x3f: {  	v2 =	vld.idx.msk [tilespmem:v1+s18+$0xFFFFFFF0 ss:$0x1], $0xffff;
	[tilespmem:v0+s17+$0xFFFFFFE0 ss:$0x1] =	vst.idx.msk $0xffff, v5  }
0x40: {  	v3 =	vld.idx.msk [tilespmem:v1+s18+$0x0 ss:$0x1], $0xffff;
	[tilespmem:v0+s17+$0xFFFFFFF0 ss:$0x1] =	vst.idx.msk $0xffff, v7;
	s17 =	smov.u32 s18  }
0x41: {  	v5 =	vld.idx.msk [tilespmem:v1+s17+$0x10 ss:$0x1], $0xffff;
	[tilespmem:v0+s17+$0x0 ss:$0x1] =	vst.idx.msk $0xffff, v8  }
0x42: {  	s18 =	sshra.s32 s19, $0x2;
	s19 =	sadd.s32 $0x200, s19;
	[tilespmem:v0+s17+$0xFFFFFF90 ss:$0x1] =	vst.idx.msk $0xffff, v9;
	v7 =	vld.idx.msk [tilespmem:v1+s17+$0x20 ss:$0x1], $0xffff  }
.Ltmp4:
0x43: {  	_ = 	snop;
	(pc) =	sbr.rel .LBB1_4-.Ltmp4, $1  }
0x44: {  	_ =	sdelay $0x3  }
.LBB1_6:
0x45: {  	_ =	sfence.sel $0x180000  }
0x46: {  	s2 =	simm.s32 $0x1;
	[bflag:$0x0] =	sbarrier.arrive $0xFFFF  }
0x47: {  	s31 =	simm.s32 $0x2;
	[sflag:s2] =	ssyncpa.u1 $0x1  }
0x48: {  	[sflag:s31] =	ssyncpa.u1 $0x1  }
0x49: {  	p0 =	sne.s32 s0, $0x0;
	_ =	strace $0x9000004A  }
0x4a: {  	s0 =	sadd.s32 @!p0 $0x100000, s1;
	[bflag:$0x2] =	sbarrier.arrive $0xFFFF  }
0x4b: {  	[sflag:s0] =	ssyncadd.tile.s32 @!p0 $0x1;
	_ =	shalt  }
.Lfunc_end1:
_tile_overlayer_lowered:
.L_overlay_start_2:
0x4c: {  	(tag) =	ssettag $0x2  }
0x4d: {  	s0 =	rddreg [dreg:$0x0];
	s2 =	stileid.u32  }
0x4e: {  	s1 =	rddreg [dreg:$0x1];
	p0 =	sne.s32 s2, $0x0  }
0x4f: {  	s3 =	rddreg [dreg:$0x2];
	[bflag:$0x3] =	sbarrier.arrive $0xFFFF;
	s2 =	simm.s32 @!p0 $0x1C01  }
0x50: {  	[timem:s3], [sflag:s2] =	dma.local @!p0 [hbm:s0], s1  }
0x51: {  	s0 =	simm.s32 @!p0 $0x1  }
0x52: {  	_ =	swait.ge @!p0 [sflag:s0], s1  }
0x53: {  	s1 =	ssub.s32 @!p0 $0x0, s1;
	[sflag:s0] =	ssyncset.done @!p0 $0x0  }
0x54: {  	[sflag:s0] =	ssyncadd.s32 @!p0 s1  }
0x55: {  	[bflag:$0x3] =	sbarrier.arrive $0xFFFF  }
0x56: {  	_ =	shalt  }

</sc_bundles>
